<compile_context>
chip_gen: v7x
topology: tpu7x:2x2x1
jax: 0.10.2.dev20260603
libtpu: 0.0.44.dev20260713+nightly
codegen_flags: <defaults>
</compile_context>

<pallas_src>
import functools

import jax
import jax.numpy as jnp
from jax import lax
from jax.experimental import pallas as pl
from jax.experimental.pallas import tpu as pltpu
from jax.experimental.pallas import tpu_sc as plsc

D_MODEL = 1024
STARTS = (0, 100000, 110000, 111000, 116000)
SIZES = (100000, 10000, 1000, 5000, 12000)
NUM_TABLES = 5

NC = 2
NS = 16
NW = NC * NS
L = 16
G = 16
NBUF = 4


@functools.partial(jax.jit, static_argnums=())
def _embed(ids_flat, text_w, audio_w, special_w, phoneme_w, reserved_w):
    B = ids_flat.shape[0]
    C = B // NW
    NV = C // L

    mesh = plsc.VectorSubcoreMesh(
        core_axis_name="c", subcore_axis_name="s", num_cores=NC,
        num_subcores=NS)

    scratch = (
        [pltpu.VMEM((C,), jnp.int32)]
        + [pltpu.VMEM((C + G,), jnp.int32) for _ in range(NUM_TABLES)]
        + [pltpu.VMEM((C + G,), jnp.int32) for _ in range(NUM_TABLES)]
        + [pltpu.VMEM((G,), jnp.int32) for _ in range(NBUF)]
        + [pltpu.VMEM((G,), jnp.int32) for _ in range(NBUF)]
        + [pltpu.VMEM((G, D_MODEL), jnp.float32) for _ in range(NBUF)]
        + [pltpu.SemaphoreType.DMA for _ in range(2 * NBUF)]
    )

    @functools.partial(
        pl.kernel,
        out_type=jax.ShapeDtypeStruct((B, D_MODEL), jnp.float32),
        mesh=mesh,
        scratch_types=scratch,
        compiler_params=pltpu.CompilerParams(needs_layout_passes=False),
    )
    def body(ids_hbm, t0, t1, t2, t3, t4, out_hbm, ids_v, *refs):
        tables = (t0, t1, t2, t3, t4)
        refs = list(refs)
        idx_bufs = tuple(refs[:NUM_TABLES]); del refs[:NUM_TABLES]
        pos_bufs = tuple(refs[:NUM_TABLES]); del refs[:NUM_TABLES]
        idx_gs = tuple(refs[:NBUF]); del refs[:NBUF]
        pos_gs = tuple(refs[:NBUF]); del refs[:NBUF]
        rows = tuple(refs[:NBUF]); del refs[:NBUF]
        gsems = tuple(refs[:NBUF]); del refs[:NBUF]
        ssems = tuple(refs[:NBUF]); del refs[:NBUF]

        wid = lax.axis_index("s") * NC + lax.axis_index("c")
        base = wid * C
        pltpu.sync_copy(ids_hbm.at[pl.ds(base, C)], ids_v)
        lane = lax.iota(jnp.int32, L)

        def cbody(i, counts_v):
            v = ids_v[pl.ds(i * L, L)]
            pos = base + i * L + lane
            new = []
            for t in range(NUM_TABLES):
                m = (v >= STARTS[t]) & (v < STARTS[t] + SIZES[t])
                mc = plsc.cumsum(m.astype(jnp.int32))
                offs = jnp.maximum(counts_v[t] + mc - 1, 0)
                plsc.store_scatter(
                    idx_bufs[t], [offs], v - STARTS[t], mask=m)
                plsc.store_scatter(pos_bufs[t], [offs], pos, mask=m)
                new.append(counts_v[t] + jnp.full((L,), mc[L - 1], jnp.int32))
            return tuple(new)

        counts_v = lax.fori_loop(
            0, NV, cbody,
            tuple(jnp.zeros((L,), jnp.int32) for _ in range(NUM_TABLES)))
        counts = tuple(counts_v[t][0] for t in range(NUM_TABLES))

        for t in range(NUM_TABLES):
            cnt = counts[t]
            last = jnp.maximum(cnt - 1, 0)
            lastv = idx_bufs[t][pl.ds(last, L)][0]
            lastp = pos_bufs[t][pl.ds(last, L)][0]
            for j in range(G // L):
                idx_bufs[t][pl.ds(cnt + j * L, L)] = jnp.full(
                    (L,), lastv, jnp.int32)
                pos_bufs[t][pl.ds(cnt + j * L, L)] = jnp.full(
                    (L,), lastp, jnp.int32)

        ngs = [(counts[t] + (G - 1)) // G for t in range(NUM_TABLES)]
        cums = []
        acc = jnp.int32(0)
        for t in range(NUM_TABLES):
            acc = acc + ngs[t]
            cums.append(acc)
        ngt = cums[-1]

        def start_group(b, g):
            t_sel = jnp.int32(0)
            for t in range(NUM_TABLES - 1):
                t_sel = t_sel + (g >= cums[t]).astype(jnp.int32)

            def mk_branch(t):
                def br(b=b, t=t):
                    gl = g - (cums[t - 1] if t > 0 else 0)
                    kv = plsc.sort_key_val(
                        idx_bufs[t][pl.ds(gl * G, L)],
                        pos_bufs[t][pl.ds(gl * G, L)])
                    idx_gs[b][...] = kv[0]
                    pos_gs[b][...] = kv[1]
                    pltpu.make_async_copy(
                        tables[t].at[idx_gs[b]],
                        rows[b], gsems[b]).start()
                return br

            lax.switch(t_sel, [mk_branch(t) for t in range(NUM_TABLES)])

        def gwait(b):
            pltpu.make_async_copy(
                tables[0].at[idx_gs[b]],
                rows[b], gsems[b]).wait()

        def scopy(b):
            return pltpu.make_async_copy(
                rows[b], out_hbm.at[pos_gs[b]], ssems[b])

        ns = (ngt + (NBUF - 1)) // NBUF

        def sbody(s, carry):
            for b in range(NBUF):
                g = s * NBUF + b

                @pl.when(s > 0)
                def _(b=b):
                    scopy(b).wait()

                @pl.when(g < ngt)
                def _(b=b, g=g):
                    start_group(b, g)

            for b in range(NBUF):
                g = s * NBUF + b

                @pl.when(g < ngt)
                def _(b=b):
                    gwait(b)
                    scopy(b).start()
            return carry

        lax.fori_loop(0, ns, sbody, jnp.int32(0))
        for b in range(NBUF):
            @pl.when((ns - 1) * NBUF + b < ngt)
            def _(b=b):
                scopy(b).wait()

    return body(ids_flat, text_w, audio_w, special_w, phoneme_w, reserved_w)


def kernel(input_ids, text_w, audio_w, special_w, phoneme_w, reserved_w):
    shape = input_ids.shape
    ids_flat = input_ids.reshape(-1).astype(jnp.int32)
    out = _embed(ids_flat, text_w, audio_w, special_w, phoneme_w, reserved_w)
    return out.reshape(*shape, D_MODEL)

# --- scband reference (transcript-rebuilt; emitter-appended) ---
"""Pipeline reference for scband-unified-embedding-17051020165283 (READ-ONLY COPY).

The authoritative reference and input builder live on the scoring server;
editing this copy changes nothing except your own understanding.
"""

import jax, jax.numpy as jnp
import numpy as np

VOCAB_SIZE = 128000
D_MODEL = 1024
TEXT_SIZE = 100000
AUDIO_SIZE = 10000
SPECIAL_SIZE = 1000
PHONEME_SIZE = 5000
RESERVED_SIZE = 12000
TEXT_START = 0
AUDIO_START = 100000
SPECIAL_START = 110000
PHONEME_START = 111000
RESERVED_START = 116000


def setup_inputs(seed: int = 0) -> dict:
    key = jax.random.key(seed)
    ks = jax.random.split(key, 6)
    input_ids = jax.random.randint(ks[0], (4, 8192), 0, VOCAB_SIZE, dtype=jnp.int64 if jax.config.read('jax_enable_x64') else jnp.int32)
    text_w = jax.random.normal(ks[1], (TEXT_SIZE, D_MODEL), dtype=jnp.float32) * 0.02
    audio_w = jax.random.normal(ks[2], (AUDIO_SIZE, D_MODEL), dtype=jnp.float32) * 0.03
    special_w = jax.random.normal(ks[3], (SPECIAL_SIZE, D_MODEL), dtype=jnp.float32) * 0.01
    phoneme_w = jax.random.normal(ks[4], (PHONEME_SIZE, D_MODEL), dtype=jnp.float32) * 0.02
    reserved_w = jax.random.normal(ks[5], (RESERVED_SIZE, D_MODEL), dtype=jnp.float32) * 0.016
    return {
        'input_ids': input_ids,
        'text_w': text_w,
        'audio_w': audio_w,
        'special_w': special_w,
        'phoneme_w': phoneme_w,
        'reserved_w': reserved_w,
    }


def _unified_embed(input_ids, text_w, audio_w, special_w, phoneme_w, reserved_w):
    tables = [text_w, audio_w, special_w, phoneme_w, reserved_w]
    starts = [TEXT_START, AUDIO_START, SPECIAL_START, PHONEME_START, RESERVED_START]
    emb = jnp.zeros(input_ids.shape + (D_MODEL,), dtype=jnp.float32)
    for w, start in zip(tables, starts):
        size = w.shape[0]
        mask = (input_ids >= start) & (input_ids < start + size)
        local_ids = jnp.clip(input_ids - start, 0, size - 1)
        gathered = jnp.take(w, local_ids, axis=0)
        emb = emb + jnp.where(mask[..., None], gathered, jnp.zeros((), dtype=jnp.float32))
    return emb


def reference(input_ids, text_w, audio_w, special_w, phoneme_w, reserved_w):
    # Modality ranges are disjoint and cover [0, VOCAB_SIZE), so the
    # masked sum of per-modality gathers exactly reproduces the torch
    # masked scatter-assign in UnifiedEmbedding.forward.
    return _unified_embed(input_ids, text_w, audio_w, special_w, phoneme_w, reserved_w)

if __name__ == "__main__":
    import jax
    _d = setup_inputs()
    print(jax.jit(kernel)(*tuple(_d.values())))

</pallas_src>

<mosaic_0001>
#map = affine_map<(d0, d1) -> (0)>
#map1 = affine_map<(d0, d1) -> (0, 0)>
module attributes {stable_mosaic.version = 14 : i64} {
  func.func @body(%arg0: i32, %arg1: i32, %arg2: memref<32768xi32, #tpu.memory_space<hbm>>, %arg3: memref<100000x1024xf32, #tpu.memory_space<hbm>>, %arg4: memref<10000x1024xf32, #tpu.memory_space<hbm>>, %arg5: memref<1000x1024xf32, #tpu.memory_space<hbm>>, %arg6: memref<5000x1024xf32, #tpu.memory_space<hbm>>, %arg7: memref<12000x1024xf32, #tpu.memory_space<hbm>>, %arg8: memref<32768x1024xf32, #tpu.memory_space<hbm>>, %arg9: memref<1024xi32, #tpu.memory_space<vmem>>, %arg10: memref<1040xi32, #tpu.memory_space<vmem>>, %arg11: memref<1040xi32, #tpu.memory_space<vmem>>, %arg12: memref<1040xi32, #tpu.memory_space<vmem>>, %arg13: memref<1040xi32, #tpu.memory_space<vmem>>, %arg14: memref<1040xi32, #tpu.memory_space<vmem>>, %arg15: memref<1040xi32, #tpu.memory_space<vmem>>, %arg16: memref<1040xi32, #tpu.memory_space<vmem>>, %arg17: memref<1040xi32, #tpu.memory_space<vmem>>, %arg18: memref<1040xi32, #tpu.memory_space<vmem>>, %arg19: memref<1040xi32, #tpu.memory_space<vmem>>, %arg20: memref<16xi32, #tpu.memory_space<vmem>>, %arg21: memref<16xi32, #tpu.memory_space<vmem>>, %arg22: memref<16xi32, #tpu.memory_space<vmem>>, %arg23: memref<16xi32, #tpu.memory_space<vmem>>, %arg24: memref<16xi32, #tpu.memory_space<vmem>>, %arg25: memref<16xi32, #tpu.memory_space<vmem>>, %arg26: memref<16xi32, #tpu.memory_space<vmem>>, %arg27: memref<16xi32, #tpu.memory_space<vmem>>, %arg28: memref<16x1024xf32, #tpu.memory_space<vmem>>, %arg29: memref<16x1024xf32, #tpu.memory_space<vmem>>, %arg30: memref<16x1024xf32, #tpu.memory_space<vmem>>, %arg31: memref<16x1024xf32, #tpu.memory_space<vmem>>, %arg32: memref<!tpu.dma_semaphore, #tpu.memory_space<semaphore_mem>>, %arg33: memref<!tpu.dma_semaphore, #tpu.memory_space<semaphore_mem>>, %arg34: memref<!tpu.dma_semaphore, #tpu.memory_space<semaphore_mem>>, %arg35: memref<!tpu.dma_semaphore, #tpu.memory_space<semaphore_mem>>, %arg36: memref<!tpu.dma_semaphore, #tpu.memory_space<semaphore_mem>>, %arg37: memref<!tpu.dma_semaphore, #tpu.memory_space<semaphore_mem>>, %arg38: memref<!tpu.dma_semaphore, #tpu.memory_space<semaphore_mem>>, %arg39: memref<!tpu.dma_semaphore, #tpu.memory_space<semaphore_mem>>) attributes {dimension_semantics = [#tpu.dimension_semantics<core_parallel>, #tpu.dimension_semantics<subcore_parallel>], iteration_bounds = array<i64: 2, 16>, scalar_prefetch = 0 : i64, scratch_operands = 31 : i64, tpu.core_type = #tpu.core_type<sc_vector_subcore>, window_params = [{transform_indices = #map}, {transform_indices = #map1}, {transform_indices = #map1}, {transform_indices = #map1}, {transform_indices = #map1}, {transform_indices = #map1}, {transform_indices = #map1}]} {
    %mul3A = arith.constant 2 : i32
    %mul3A_0 = arith.muli %arg1, %mul3A : i32
    %add3A = arith.addi %mul3A_0, %arg0 : i32
    %mul3A_1 = arith.constant 1024 : i32
    %mul3A_2 = arith.muli %add3A, %mul3A_1 : i32
    "tpu.region"() ({
      %run_scoped3A = tpu.sem_alloc : memref<!tpu.dma_semaphore, #tpu.memory_space<semaphore_mem>>
      %dma_start3A = tpu.memref_slice %arg2[%mul3A_2] : memref<32768xi32, #tpu.memory_space<hbm>> -> memref<1024xi32, #tpu.memory_space<hbm>>
      %dma_start3A_332 = tpu.memref_slice %arg2[%mul3A_2] : memref<32768xi32, #tpu.memory_space<hbm>> -> memref<1024xi32, #tpu.memory_space<hbm>>
      tpu.enqueue_dma source(%dma_start3A_332 : memref<1024xi32, #tpu.memory_space<hbm>>) target(%arg9 : memref<1024xi32, #tpu.memory_space<vmem>>) target_semaphore(%run_scoped3A : memref<!tpu.dma_semaphore, #tpu.memory_space<semaphore_mem>>)
      %dma_wait3A = tpu.memref_slice %arg2[%mul3A_2] : memref<32768xi32, #tpu.memory_space<hbm>> -> memref<1024xi32, #tpu.memory_space<hbm>>
      %dma_wait3A_333 = tpu.memref_slice %arg2[%mul3A_2] : memref<32768xi32, #tpu.memory_space<hbm>> -> memref<1024xi32, #tpu.memory_space<hbm>>
      tpu.wait_dma2 semaphore(%run_scoped3A : memref<!tpu.dma_semaphore, #tpu.memory_space<semaphore_mem>>) src(%dma_wait3A_333 : memref<1024xi32, #tpu.memory_space<hbm>>) dst(%arg9 : memref<1024xi32, #tpu.memory_space<vmem>>)
      tpu.yield
    }) : () -> ()
    %iota3A = tpu.iota {dimensions = array<i32: 0>} : vector<16xi32>
    %broadcast_in_dim3A = arith.constant 0 : i32
    %broadcast_in_dim3A_3 = vector.broadcast %broadcast_in_dim3A : i32 to vector<16xi32>
    %broadcast_in_dim3A_4 = arith.constant 0 : i32
    %broadcast_in_dim3A_5 = vector.broadcast %broadcast_in_dim3A_4 : i32 to vector<16xi32>
    %broadcast_in_dim3A_6 = arith.constant 0 : i32
    %broadcast_in_dim3A_7 = vector.broadcast %broadcast_in_dim3A_6 : i32 to vector<16xi32>
    %broadcast_in_dim3A_8 = arith.constant 0 : i32
    %broadcast_in_dim3A_9 = vector.broadcast %broadcast_in_dim3A_8 : i32 to vector<16xi32>
    %broadcast_in_dim3A_10 = arith.constant 0 : i32
    %broadcast_in_dim3A_11 = vector.broadcast %broadcast_in_dim3A_10 : i32 to vector<16xi32>
    %scan3A = arith.constant 0 : i32
    %scan3A_12 = arith.constant 64 : i32
    %scan3A_13 = arith.addi %scan3A, %scan3A_12 : i32
    %scan3A_14 = arith.constant 1 : i32
    %scan3A_15:5 = scf.for %scan3A_332 = %scan3A to %scan3A_13 step %scan3A_14 iter_args(%scan3A_333 = %broadcast_in_dim3A_3, %scan3A_334 = %broadcast_in_dim3A_5, %scan3A_335 = %broadcast_in_dim3A_7, %scan3A_336 = %broadcast_in_dim3A_9, %scan3A_337 = %broadcast_in_dim3A_11) -> (vector<16xi32>, vector<16xi32>, vector<16xi32>, vector<16xi32>, vector<16xi32>)  : i32 {
      %mul3A_338 = arith.constant 16 : i32
      %mul3A_339 = arith.muli %scan3A_332, %mul3A_338 : i32
      %get3A_340 = arith.index_cast %mul3A_339 : i32 to index
      %get3A_341 = tpu.vector_load %arg9[%get3A_340] {strides = array<i32>} : memref<1024xi32, #tpu.memory_space<vmem>>, vector<16xi32>,
      %mul3A_342 = arith.constant 16 : i32
      %mul3A_343 = arith.muli %scan3A_332, %mul3A_342 : i32
      %add3A_344 = arith.addi %mul3A_2, %mul3A_343 : i32
      %add3A_345 = vector.broadcast %add3A_344 : i32 to vector<16xi32>
      %add3A_346 = arith.addi %add3A_345, %iota3A : vector<16xi32>
      %ge3A = arith.constant 0 : i32
      %ge3A_347 = vector.broadcast %ge3A : i32 to vector<16xi32>
      %ge3A_348 = arith.cmpi sge, %get3A_341, %ge3A_347 : vector<16xi32>
      %lt3A_349 = arith.constant 100000 : i32
      %lt3A_350 = vector.broadcast %lt3A_349 : i32 to vector<16xi32>
      %lt3A_351 = arith.cmpi slt, %get3A_341, %lt3A_350 : vector<16xi32>
      %and3A_352 = arith.andi %ge3A_348, %lt3A_351 : vector<16xi1>
      %convert_element_type3A_353 = arith.extui %and3A_352 : vector<16xi1> to vector<16xi32>
      %broadcast_in_dim3A_354 = arith.constant true
      %broadcast_in_dim3A_355 = vector.broadcast %broadcast_in_dim3A_354 : i1 to vector<16xi1>
      %masked_cumsum3A = tpu.scan <sum>, %convert_element_type3A_353 masked %broadcast_in_dim3A_355 : vector<16xi32>, vector<16xi1> -> vector<16xi32>
      %add3A_356 = arith.addi %scan3A_333, %masked_cumsum3A : vector<16xi32>
      %sub3A_357 = arith.constant 1 : i32
      %sub3A_358 = vector.broadcast %sub3A_357 : i32 to vector<16xi32>
      %sub3A_359 = arith.subi %add3A_356, %sub3A_358 : vector<16xi32>
      %max3A_360 = arith.constant 0 : i32
      %max3A_361 = vector.broadcast %max3A_360 : i32 to vector<16xi32>
      %max3A_362 = arith.maxsi %sub3A_359, %max3A_361 : vector<16xi32>
      %sub3A_363 = arith.constant 0 : i32
      %sub3A_364 = vector.broadcast %sub3A_363 : i32 to vector<16xi32>
      %sub3A_365 = arith.subi %get3A_341, %sub3A_364 : vector<16xi32>
      tpu.vector_store_idx %arg10[%max3A_362], %sub3A_365 masked %and3A_352 : memref<1040xi32, #tpu.memory_space<vmem>>[vector<16xi32>], vector<16xi32>, vector<16xi1>
      tpu.vector_store_idx %arg15[%max3A_362], %add3A_346 masked %and3A_352 : memref<1040xi32, #tpu.memory_space<vmem>>[vector<16xi32>], vector<16xi32>, vector<16xi1>
      %slice3A_366 = vector.extract_strided_slice %masked_cumsum3A {offsets = [15], sizes = [1], strides = [1]} : vector<16xi32> to vector<1xi32>
      %squeeze3A_367 = vector.extract %slice3A_366[0] : i32 from vector<1xi32>
      %broadcast_in_dim3A_368 = vector.broadcast %squeeze3A_367 : i32 to vector<16xi32>
      %add3A_369 = arith.addi %scan3A_333, %broadcast_in_dim3A_368 : vector<16xi32>
      %ge3A_370 = arith.constant 100000 : i32
      %ge3A_371 = vector.broadcast %ge3A_370 : i32 to vector<16xi32>
      %ge3A_372 = arith.cmpi sge, %get3A_341, %ge3A_371 : vector<16xi32>
      %lt3A_373 = arith.constant 110000 : i32
      %lt3A_374 = vector.broadcast %lt3A_373 : i32 to vector<16xi32>
      %lt3A_375 = arith.cmpi slt, %get3A_341, %lt3A_374 : vector<16xi32>
      %and3A_376 = arith.andi %ge3A_372, %lt3A_375 : vector<16xi1>
      %convert_element_type3A_377 = arith.extui %and3A_376 : vector<16xi1> to vector<16xi32>
      %broadcast_in_dim3A_378 = arith.constant true
      %broadcast_in_dim3A_379 = vector.broadcast %broadcast_in_dim3A_378 : i1 to vector<16xi1>
      %masked_cumsum3A_380 = tpu.scan <sum>, %convert_element_type3A_377 masked %broadcast_in_dim3A_379 : vector<16xi32>, vector<16xi1> -> vector<16xi32>
      %add3A_381 = arith.addi %scan3A_334, %masked_cumsum3A_380 : vector<16xi32>
      %sub3A_382 = arith.constant 1 : i32
      %sub3A_383 = vector.broadcast %sub3A_382 : i32 to vector<16xi32>
      %sub3A_384 = arith.subi %add3A_381, %sub3A_383 : vector<16xi32>
      %max3A_385 = arith.constant 0 : i32
      %max3A_386 = vector.broadcast %max3A_385 : i32 to vector<16xi32>
      %max3A_387 = arith.maxsi %sub3A_384, %max3A_386 : vector<16xi32>
      %sub3A_388 = arith.constant 100000 : i32
      %sub3A_389 = vector.broadcast %sub3A_388 : i32 to vector<16xi32>
      %sub3A_390 = arith.subi %get3A_341, %sub3A_389 : vector<16xi32>
      tpu.vector_store_idx %arg11[%max3A_387], %sub3A_390 masked %and3A_376 : memref<1040xi32, #tpu.memory_space<vmem>>[vector<16xi32>], vector<16xi32>, vector<16xi1>
      tpu.vector_store_idx %arg16[%max3A_387], %add3A_346 masked %and3A_376 : memref<1040xi32, #tpu.memory_space<vmem>>[vector<16xi32>], vector<16xi32>, vector<16xi1>
      %slice3A_391 = vector.extract_strided_slice %masked_cumsum3A_380 {offsets = [15], sizes = [1], strides = [1]} : vector<16xi32> to vector<1xi32>
      %squeeze3A_392 = vector.extract %slice3A_391[0] : i32 from vector<1xi32>
      %broadcast_in_dim3A_393 = vector.broadcast %squeeze3A_392 : i32 to vector<16xi32>
      %add3A_394 = arith.addi %scan3A_334, %broadcast_in_dim3A_393 : vector<16xi32>
      %ge3A_395 = arith.constant 110000 : i32
      %ge3A_396 = vector.broadcast %ge3A_395 : i32 to vector<16xi32>
      %ge3A_397 = arith.cmpi sge, %get3A_341, %ge3A_396 : vector<16xi32>
      %lt3A_398 = arith.constant 111000 : i32
      %lt3A_399 = vector.broadcast %lt3A_398 : i32 to vector<16xi32>
      %lt3A_400 = arith.cmpi slt, %get3A_341, %lt3A_399 : vector<16xi32>
      %and3A_401 = arith.andi %ge3A_397, %lt3A_400 : vector<16xi1>
      %convert_element_type3A_402 = arith.extui %and3A_401 : vector<16xi1> to vector<16xi32>
      %broadcast_in_dim3A_403 = arith.constant true
      %broadcast_in_dim3A_404 = vector.broadcast %broadcast_in_dim3A_403 : i1 to vector<16xi1>
      %masked_cumsum3A_405 = tpu.scan <sum>, %convert_element_type3A_402 masked %broadcast_in_dim3A_404 : vector<16xi32>, vector<16xi1> -> vector<16xi32>
      %add3A_406 = arith.addi %scan3A_335, %masked_cumsum3A_405 : vector<16xi32>
      %sub3A_407 = arith.constant 1 : i32
      %sub3A_408 = vector.broadcast %sub3A_407 : i32 to vector<16xi32>
      %sub3A_409 = arith.subi %add3A_406, %sub3A_408 : vector<16xi32>
      %max3A_410 = arith.constant 0 : i32
      %max3A_411 = vector.broadcast %max3A_410 : i32 to vector<16xi32>
      %max3A_412 = arith.maxsi %sub3A_409, %max3A_411 : vector<16xi32>
      %sub3A_413 = arith.constant 110000 : i32
      %sub3A_414 = vector.broadcast %sub3A_413 : i32 to vector<16xi32>
      %sub3A_415 = arith.subi %get3A_341, %sub3A_414 : vector<16xi32>
      tpu.vector_store_idx %arg12[%max3A_412], %sub3A_415 masked %and3A_401 : memref<1040xi32, #tpu.memory_space<vmem>>[vector<16xi32>], vector<16xi32>, vector<16xi1>
      tpu.vector_store_idx %arg17[%max3A_412], %add3A_346 masked %and3A_401 : memref<1040xi32, #tpu.memory_space<vmem>>[vector<16xi32>], vector<16xi32>, vector<16xi1>
      %slice3A_416 = vector.extract_strided_slice %masked_cumsum3A_405 {offsets = [15], sizes = [1], strides = [1]} : vector<16xi32> to vector<1xi32>
      %squeeze3A_417 = vector.extract %slice3A_416[0] : i32 from vector<1xi32>
      %broadcast_in_dim3A_418 = vector.broadcast %squeeze3A_417 : i32 to vector<16xi32>
      %add3A_419 = arith.addi %scan3A_335, %broadcast_in_dim3A_418 : vector<16xi32>
      %ge3A_420 = arith.constant 111000 : i32
      %ge3A_421 = vector.broadcast %ge3A_420 : i32 to vector<16xi32>
      %ge3A_422 = arith.cmpi sge, %get3A_341, %ge3A_421 : vector<16xi32>
      %lt3A_423 = arith.constant 116000 : i32
      %lt3A_424 = vector.broadcast %lt3A_423 : i32 to vector<16xi32>
      %lt3A_425 = arith.cmpi slt, %get3A_341, %lt3A_424 : vector<16xi32>
      %and3A_426 = arith.andi %ge3A_422, %lt3A_425 : vector<16xi1>
      %convert_element_type3A_427 = arith.extui %and3A_426 : vector<16xi1> to vector<16xi32>
      %broadcast_in_dim3A_428 = arith.constant true
      %broadcast_in_dim3A_429 = vector.broadcast %broadcast_in_dim3A_428 : i1 to vector<16xi1>
      %masked_cumsum3A_430 = tpu.scan <sum>, %convert_element_type3A_427 masked %broadcast_in_dim3A_429 : vector<16xi32>, vector<16xi1> -> vector<16xi32>
      %add3A_431 = arith.addi %scan3A_336, %masked_cumsum3A_430 : vector<16xi32>
      %sub3A_432 = arith.constant 1 : i32
      %sub3A_433 = vector.broadcast %sub3A_432 : i32 to vector<16xi32>
      %sub3A_434 = arith.subi %add3A_431, %sub3A_433 : vector<16xi32>
      %max3A_435 = arith.constant 0 : i32
      %max3A_436 = vector.broadcast %max3A_435 : i32 to vector<16xi32>
      %max3A_437 = arith.maxsi %sub3A_434, %max3A_436 : vector<16xi32>
      %sub3A_438 = arith.constant 111000 : i32
      %sub3A_439 = vector.broadcast %sub3A_438 : i32 to vector<16xi32>
      %sub3A_440 = arith.subi %get3A_341, %sub3A_439 : vector<16xi32>
      tpu.vector_store_idx %arg13[%max3A_437], %sub3A_440 masked %and3A_426 : memref<1040xi32, #tpu.memory_space<vmem>>[vector<16xi32>], vector<16xi32>, vector<16xi1>
      tpu.vector_store_idx %arg18[%max3A_437], %add3A_346 masked %and3A_426 : memref<1040xi32, #tpu.memory_space<vmem>>[vector<16xi32>], vector<16xi32>, vector<16xi1>
      %slice3A_441 = vector.extract_strided_slice %masked_cumsum3A_430 {offsets = [15], sizes = [1], strides = [1]} : vector<16xi32> to vector<1xi32>
      %squeeze3A_442 = vector.extract %slice3A_441[0] : i32 from vector<1xi32>
      %broadcast_in_dim3A_443 = vector.broadcast %squeeze3A_442 : i32 to vector<16xi32>
      %add3A_444 = arith.addi %scan3A_336, %broadcast_in_dim3A_443 : vector<16xi32>
      %ge3A_445 = arith.constant 116000 : i32
      %ge3A_446 = vector.broadcast %ge3A_445 : i32 to vector<16xi32>
      %ge3A_447 = arith.cmpi sge, %get3A_341, %ge3A_446 : vector<16xi32>
      %lt3A_448 = arith.constant 128000 : i32
      %lt3A_449 = vector.broadcast %lt3A_448 : i32 to vector<16xi32>
      %lt3A_450 = arith.cmpi slt, %get3A_341, %lt3A_449 : vector<16xi32>
      %and3A_451 = arith.andi %ge3A_447, %lt3A_450 : vector<16xi1>
      %convert_element_type3A_452 = arith.extui %and3A_451 : vector<16xi1> to vector<16xi32>
      %broadcast_in_dim3A_453 = arith.constant true
      %broadcast_in_dim3A_454 = vector.broadcast %broadcast_in_dim3A_453 : i1 to vector<16xi1>
      %masked_cumsum3A_455 = tpu.scan <sum>, %convert_element_type3A_452 masked %broadcast_in_dim3A_454 : vector<16xi32>, vector<16xi1> -> vector<16xi32>
      %add3A_456 = arith.addi %scan3A_337, %masked_cumsum3A_455 : vector<16xi32>
      %sub3A_457 = arith.constant 1 : i32
      %sub3A_458 = vector.broadcast %sub3A_457 : i32 to vector<16xi32>
      %sub3A_459 = arith.subi %add3A_456, %sub3A_458 : vector<16xi32>
      %max3A_460 = arith.constant 0 : i32
      %max3A_461 = vector.broadcast %max3A_460 : i32 to vector<16xi32>
      %max3A_462 = arith.maxsi %sub3A_459, %max3A_461 : vector<16xi32>
      %sub3A_463 = arith.constant 116000 : i32
      %sub3A_464 = vector.broadcast %sub3A_463 : i32 to vector<16xi32>
      %sub3A_465 = arith.subi %get3A_341, %sub3A_464 : vector<16xi32>
      tpu.vector_store_idx %arg14[%max3A_462], %sub3A_465 masked %and3A_451 : memref<1040xi32, #tpu.memory_space<vmem>>[vector<16xi32>], vector<16xi32>, vector<16xi1>
      tpu.vector_store_idx %arg19[%max3A_462], %add3A_346 masked %and3A_451 : memref<1040xi32, #tpu.memory_space<vmem>>[vector<16xi32>], vector<16xi32>, vector<16xi1>
      %slice3A_466 = vector.extract_strided_slice %masked_cumsum3A_455 {offsets = [15], sizes = [1], strides = [1]} : vector<16xi32> to vector<1xi32>
      %squeeze3A_467 = vector.extract %slice3A_466[0] : i32 from vector<1xi32>
      %broadcast_in_dim3A_468 = vector.broadcast %squeeze3A_467 : i32 to vector<16xi32>
      %add3A_469 = arith.addi %scan3A_337, %broadcast_in_dim3A_468 : vector<16xi32>
      scf.yield %add3A_369, %add3A_394, %add3A_419, %add3A_444, %add3A_469 : vector<16xi32>, vector<16xi32>, vector<16xi32>, vector<16xi32>, vector<16xi32>
    }
    %scan3A_16 = arith.constant 64 : i32
    %slice3A = vector.extract_strided_slice %scan3A_15#0 {offsets = [0], sizes = [1], strides = [1]} : vector<16xi32> to vector<1xi32>
    %squeeze3A = vector.extract %slice3A[0] : i32 from vector<1xi32>
    %slice3A_17 = vector.extract_strided_slice %scan3A_15#1 {offsets = [0], sizes = [1], strides = [1]} : vector<16xi32> to vector<1xi32>
    %squeeze3A_18 = vector.extract %slice3A_17[0] : i32 from vector<1xi32>
    %slice3A_19 = vector.extract_strided_slice %scan3A_15#2 {offsets = [0], sizes = [1], strides = [1]} : vector<16xi32> to vector<1xi32>
    %squeeze3A_20 = vector.extract %slice3A_19[0] : i32 from vector<1xi32>
    %slice3A_21 = vector.extract_strided_slice %scan3A_15#3 {offsets = [0], sizes = [1], strides = [1]} : vector<16xi32> to vector<1xi32>
    %squeeze3A_22 = vector.extract %slice3A_21[0] : i32 from vector<1xi32>
    %slice3A_23 = vector.extract_strided_slice %scan3A_15#4 {offsets = [0], sizes = [1], strides = [1]} : vector<16xi32> to vector<1xi32>
    %squeeze3A_24 = vector.extract %slice3A_23[0] : i32 from vector<1xi32>
    %sub3A = arith.constant 1 : i32
    %sub3A_25 = arith.subi %squeeze3A, %sub3A : i32
    %max3A = arith.constant 0 : i32
    %max3A_26 = arith.maxsi %sub3A_25, %max3A : i32
    %get3A = arith.index_cast %max3A_26 : i32 to index
    %get3A_27 = tpu.vector_load %arg10[%get3A] {strides = array<i32>} : memref<1040xi32, #tpu.memory_space<vmem>>, vector<16xi32>,
    %slice3A_28 = vector.extract_strided_slice %get3A_27 {offsets = [0], sizes = [1], strides = [1]} : vector<16xi32> to vector<1xi32>
    %squeeze3A_29 = vector.extract %slice3A_28[0] : i32 from vector<1xi32>
    %get3A_30 = arith.index_cast %max3A_26 : i32 to index
    %get3A_31 = tpu.vector_load %arg15[%get3A_30] {strides = array<i32>} : memref<1040xi32, #tpu.memory_space<vmem>>, vector<16xi32>,
    %slice3A_32 = vector.extract_strided_slice %get3A_31 {offsets = [0], sizes = [1], strides = [1]} : vector<16xi32> to vector<1xi32>
    %squeeze3A_33 = vector.extract %slice3A_32[0] : i32 from vector<1xi32>
    %broadcast_in_dim3A_34 = vector.broadcast %squeeze3A_29 : i32 to vector<16xi32>
    %add3A_35 = arith.constant 0 : i32
    %add3A_36 = arith.addi %squeeze3A, %add3A_35 : i32
    %swap3A = arith.index_cast %add3A_36 : i32 to index
    %swap3A_37 = tpu.vector_load %arg10[%swap3A] {strides = array<i32>} : memref<1040xi32, #tpu.memory_space<vmem>>, vector<16xi32>,
    tpu.vector_store %arg10[%swap3A], %broadcast_in_dim3A_34 {strides = array<i32>} : memref<1040xi32, #tpu.memory_space<vmem>>, vector<16xi32>,
    %broadcast_in_dim3A_38 = vector.broadcast %squeeze3A_33 : i32 to vector<16xi32>
    %add3A_39 = arith.constant 0 : i32
    %add3A_40 = arith.addi %squeeze3A, %add3A_39 : i32
    %swap3A_41 = arith.index_cast %add3A_40 : i32 to index
    %swap3A_42 = tpu.vector_load %arg15[%swap3A_41] {strides = array<i32>} : memref<1040xi32, #tpu.memory_space<vmem>>, vector<16xi32>,
    tpu.vector_store %arg15[%swap3A_41], %broadcast_in_dim3A_38 {strides = array<i32>} : memref<1040xi32, #tpu.memory_space<vmem>>, vector<16xi32>,
    %sub3A_43 = arith.constant 1 : i32
    %sub3A_44 = arith.subi %squeeze3A_18, %sub3A_43 : i32
    %max3A_45 = arith.constant 0 : i32
    %max3A_46 = arith.maxsi %sub3A_44, %max3A_45 : i32
    %get3A_47 = arith.index_cast %max3A_46 : i32 to index
    %get3A_48 = tpu.vector_load %arg11[%get3A_47] {strides = array<i32>} : memref<1040xi32, #tpu.memory_space<vmem>>, vector<16xi32>,
    %slice3A_49 = vector.extract_strided_slice %get3A_48 {offsets = [0], sizes = [1], strides = [1]} : vector<16xi32> to vector<1xi32>
    %squeeze3A_50 = vector.extract %slice3A_49[0] : i32 from vector<1xi32>
    %get3A_51 = arith.index_cast %max3A_46 : i32 to index
    %get3A_52 = tpu.vector_load %arg16[%get3A_51] {strides = array<i32>} : memref<1040xi32, #tpu.memory_space<vmem>>, vector<16xi32>,
    %slice3A_53 = vector.extract_strided_slice %get3A_52 {offsets = [0], sizes = [1], strides = [1]} : vector<16xi32> to vector<1xi32>
    %squeeze3A_54 = vector.extract %slice3A_53[0] : i32 from vector<1xi32>
    %broadcast_in_dim3A_55 = vector.broadcast %squeeze3A_50 : i32 to vector<16xi32>
    %add3A_56 = arith.constant 0 : i32
    %add3A_57 = arith.addi %squeeze3A_18, %add3A_56 : i32
    %swap3A_58 = arith.index_cast %add3A_57 : i32 to index
    %swap3A_59 = tpu.vector_load %arg11[%swap3A_58] {strides = array<i32>} : memref<1040xi32, #tpu.memory_space<vmem>>, vector<16xi32>,
    tpu.vector_store %arg11[%swap3A_58], %broadcast_in_dim3A_55 {strides = array<i32>} : memref<1040xi32, #tpu.memory_space<vmem>>, vector<16xi32>,
    %broadcast_in_dim3A_60 = vector.broadcast %squeeze3A_54 : i32 to vector<16xi32>
    %add3A_61 = arith.constant 0 : i32
    %add3A_62 = arith.addi %squeeze3A_18, %add3A_61 : i32
    %swap3A_63 = arith.index_cast %add3A_62 : i32 to index
    %swap3A_64 = tpu.vector_load %arg16[%swap3A_63] {strides = array<i32>} : memref<1040xi32, #tpu.memory_space<vmem>>, vector<16xi32>,
    tpu.vector_store %arg16[%swap3A_63], %broadcast_in_dim3A_60 {strides = array<i32>} : memref<1040xi32, #tpu.memory_space<vmem>>, vector<16xi32>,
    %sub3A_65 = arith.constant 1 : i32
    %sub3A_66 = arith.subi %squeeze3A_20, %sub3A_65 : i32
    %max3A_67 = arith.constant 0 : i32
    %max3A_68 = arith.maxsi %sub3A_66, %max3A_67 : i32
    %get3A_69 = arith.index_cast %max3A_68 : i32 to index
    %get3A_70 = tpu.vector_load %arg12[%get3A_69] {strides = array<i32>} : memref<1040xi32, #tpu.memory_space<vmem>>, vector<16xi32>,
    %slice3A_71 = vector.extract_strided_slice %get3A_70 {offsets = [0], sizes = [1], strides = [1]} : vector<16xi32> to vector<1xi32>
    %squeeze3A_72 = vector.extract %slice3A_71[0] : i32 from vector<1xi32>
    %get3A_73 = arith.index_cast %max3A_68 : i32 to index
    %get3A_74 = tpu.vector_load %arg17[%get3A_73] {strides = array<i32>} : memref<1040xi32, #tpu.memory_space<vmem>>, vector<16xi32>,
    %slice3A_75 = vector.extract_strided_slice %get3A_74 {offsets = [0], sizes = [1], strides = [1]} : vector<16xi32> to vector<1xi32>
    %squeeze3A_76 = vector.extract %slice3A_75[0] : i32 from vector<1xi32>
    %broadcast_in_dim3A_77 = vector.broadcast %squeeze3A_72 : i32 to vector<16xi32>
    %add3A_78 = arith.constant 0 : i32
    %add3A_79 = arith.addi %squeeze3A_20, %add3A_78 : i32
    %swap3A_80 = arith.index_cast %add3A_79 : i32 to index
    %swap3A_81 = tpu.vector_load %arg12[%swap3A_80] {strides = array<i32>} : memref<1040xi32, #tpu.memory_space<vmem>>, vector<16xi32>,
    tpu.vector_store %arg12[%swap3A_80], %broadcast_in_dim3A_77 {strides = array<i32>} : memref<1040xi32, #tpu.memory_space<vmem>>, vector<16xi32>,
    %broadcast_in_dim3A_82 = vector.broadcast %squeeze3A_76 : i32 to vector<16xi32>
    %add3A_83 = arith.constant 0 : i32
    %add3A_84 = arith.addi %squeeze3A_20, %add3A_83 : i32
    %swap3A_85 = arith.index_cast %add3A_84 : i32 to index
    %swap3A_86 = tpu.vector_load %arg17[%swap3A_85] {strides = array<i32>} : memref<1040xi32, #tpu.memory_space<vmem>>, vector<16xi32>,
    tpu.vector_store %arg17[%swap3A_85], %broadcast_in_dim3A_82 {strides = array<i32>} : memref<1040xi32, #tpu.memory_space<vmem>>, vector<16xi32>,
    %sub3A_87 = arith.constant 1 : i32
    %sub3A_88 = arith.subi %squeeze3A_22, %sub3A_87 : i32
    %max3A_89 = arith.constant 0 : i32
    %max3A_90 = arith.maxsi %sub3A_88, %max3A_89 : i32
    %get3A_91 = arith.index_cast %max3A_90 : i32 to index
    %get3A_92 = tpu.vector_load %arg13[%get3A_91] {strides = array<i32>} : memref<1040xi32, #tpu.memory_space<vmem>>, vector<16xi32>,
    %slice3A_93 = vector.extract_strided_slice %get3A_92 {offsets = [0], sizes = [1], strides = [1]} : vector<16xi32> to vector<1xi32>
    %squeeze3A_94 = vector.extract %slice3A_93[0] : i32 from vector<1xi32>
    %get3A_95 = arith.index_cast %max3A_90 : i32 to index
    %get3A_96 = tpu.vector_load %arg18[%get3A_95] {strides = array<i32>} : memref<1040xi32, #tpu.memory_space<vmem>>, vector<16xi32>,
    %slice3A_97 = vector.extract_strided_slice %get3A_96 {offsets = [0], sizes = [1], strides = [1]} : vector<16xi32> to vector<1xi32>
    %squeeze3A_98 = vector.extract %slice3A_97[0] : i32 from vector<1xi32>
    %broadcast_in_dim3A_99 = vector.broadcast %squeeze3A_94 : i32 to vector<16xi32>
    %add3A_100 = arith.constant 0 : i32
    %add3A_101 = arith.addi %squeeze3A_22, %add3A_100 : i32
    %swap3A_102 = arith.index_cast %add3A_101 : i32 to index
    %swap3A_103 = tpu.vector_load %arg13[%swap3A_102] {strides = array<i32>} : memref<1040xi32, #tpu.memory_space<vmem>>, vector<16xi32>,
    tpu.vector_store %arg13[%swap3A_102], %broadcast_in_dim3A_99 {strides = array<i32>} : memref<1040xi32, #tpu.memory_space<vmem>>, vector<16xi32>,
    %broadcast_in_dim3A_104 = vector.broadcast %squeeze3A_98 : i32 to vector<16xi32>
    %add3A_105 = arith.constant 0 : i32
    %add3A_106 = arith.addi %squeeze3A_22, %add3A_105 : i32
    %swap3A_107 = arith.index_cast %add3A_106 : i32 to index
    %swap3A_108 = tpu.vector_load %arg18[%swap3A_107] {strides = array<i32>} : memref<1040xi32, #tpu.memory_space<vmem>>, vector<16xi32>,
    tpu.vector_store %arg18[%swap3A_107], %broadcast_in_dim3A_104 {strides = array<i32>} : memref<1040xi32, #tpu.memory_space<vmem>>, vector<16xi32>,
    %sub3A_109 = arith.constant 1 : i32
    %sub3A_110 = arith.subi %squeeze3A_24, %sub3A_109 : i32
    %max3A_111 = arith.constant 0 : i32
    %max3A_112 = arith.maxsi %sub3A_110, %max3A_111 : i32
    %get3A_113 = arith.index_cast %max3A_112 : i32 to index
    %get3A_114 = tpu.vector_load %arg14[%get3A_113] {strides = array<i32>} : memref<1040xi32, #tpu.memory_space<vmem>>, vector<16xi32>,
    %slice3A_115 = vector.extract_strided_slice %get3A_114 {offsets = [0], sizes = [1], strides = [1]} : vector<16xi32> to vector<1xi32>
    %squeeze3A_116 = vector.extract %slice3A_115[0] : i32 from vector<1xi32>
    %get3A_117 = arith.index_cast %max3A_112 : i32 to index
    %get3A_118 = tpu.vector_load %arg19[%get3A_117] {strides = array<i32>} : memref<1040xi32, #tpu.memory_space<vmem>>, vector<16xi32>,
    %slice3A_119 = vector.extract_strided_slice %get3A_118 {offsets = [0], sizes = [1], strides = [1]} : vector<16xi32> to vector<1xi32>
    %squeeze3A_120 = vector.extract %slice3A_119[0] : i32 from vector<1xi32>
    %broadcast_in_dim3A_121 = vector.broadcast %squeeze3A_116 : i32 to vector<16xi32>
    %add3A_122 = arith.constant 0 : i32
    %add3A_123 = arith.addi %squeeze3A_24, %add3A_122 : i32
    %swap3A_124 = arith.index_cast %add3A_123 : i32 to index
    %swap3A_125 = tpu.vector_load %arg14[%swap3A_124] {strides = array<i32>} : memref<1040xi32, #tpu.memory_space<vmem>>, vector<16xi32>,
    tpu.vector_store %arg14[%swap3A_124], %broadcast_in_dim3A_121 {strides = array<i32>} : memref<1040xi32, #tpu.memory_space<vmem>>, vector<16xi32>,
    %broadcast_in_dim3A_126 = vector.broadcast %squeeze3A_120 : i32 to vector<16xi32>
    %add3A_127 = arith.constant 0 : i32
    %add3A_128 = arith.addi %squeeze3A_24, %add3A_127 : i32
    %swap3A_129 = arith.index_cast %add3A_128 : i32 to index
    %swap3A_130 = tpu.vector_load %arg19[%swap3A_129] {strides = array<i32>} : memref<1040xi32, #tpu.memory_space<vmem>>, vector<16xi32>,
    tpu.vector_store %arg19[%swap3A_129], %broadcast_in_dim3A_126 {strides = array<i32>} : memref<1040xi32, #tpu.memory_space<vmem>>, vector<16xi32>,
    %add3A_131 = arith.constant 15 : i32
    %add3A_132 = arith.addi %squeeze3A, %add3A_131 : i32
    %jit3A = arith.constant 16 : i32
    %div3A = arith.divsi %add3A_132, %jit3A : i32
    %sign3A = arith.constant 0 : i32
    %sign3A_133 = arith.cmpi sgt, %add3A_132, %sign3A : i32
    %sign3A_134 = arith.extui %sign3A_133 : i1 to i32
    %sign3A_135 = arith.constant 0 : i32
    %sign3A_136 = arith.cmpi slt, %add3A_132, %sign3A_135 : i32
    %sign3A_137 = arith.extui %sign3A_136 : i1 to i32
    %sign3A_138 = arith.subi %sign3A_134, %sign3A_137 : i32
    %sign3A_139 = arith.constant 0 : i32
    %sign3A_140 = arith.cmpi sgt, %jit3A, %sign3A_139 : i32
    %sign3A_141 = arith.extui %sign3A_140 : i1 to i32
    %sign3A_142 = arith.constant 0 : i32
    %sign3A_143 = arith.cmpi slt, %jit3A, %sign3A_142 : i32
    %sign3A_144 = arith.extui %sign3A_143 : i1 to i32
    %sign3A_145 = arith.subi %sign3A_141, %sign3A_144 : i32
    %ne3A = arith.cmpi ne, %sign3A_138, %sign3A_145 : i32
    %rem3A = arith.remsi %add3A_132, %jit3A : i32
    %ne3A_146 = arith.constant 0 : i32
    %ne3A_147 = arith.cmpi ne, %rem3A, %ne3A_146 : i32
    %and3A = arith.andi %ne3A, %ne3A_147 : i1
    %sub3A_148 = arith.constant 1 : i32
    %sub3A_149 = arith.subi %div3A, %sub3A_148 : i32
    %select_n3A = arith.select %and3A, %sub3A_149, %div3A : i32
    %add3A_150 = arith.constant 15 : i32
    %add3A_151 = arith.addi %squeeze3A_18, %add3A_150 : i32
    %jit3A_152 = arith.constant 16 : i32
    %div3A_153 = arith.divsi %add3A_151, %jit3A_152 : i32
    %sign3A_154 = arith.constant 0 : i32
    %sign3A_155 = arith.cmpi sgt, %add3A_151, %sign3A_154 : i32
    %sign3A_156 = arith.extui %sign3A_155 : i1 to i32
    %sign3A_157 = arith.constant 0 : i32
    %sign3A_158 = arith.cmpi slt, %add3A_151, %sign3A_157 : i32
    %sign3A_159 = arith.extui %sign3A_158 : i1 to i32
    %sign3A_160 = arith.subi %sign3A_156, %sign3A_159 : i32
    %sign3A_161 = arith.constant 0 : i32
    %sign3A_162 = arith.cmpi sgt, %jit3A_152, %sign3A_161 : i32
    %sign3A_163 = arith.extui %sign3A_162 : i1 to i32
    %sign3A_164 = arith.constant 0 : i32
    %sign3A_165 = arith.cmpi slt, %jit3A_152, %sign3A_164 : i32
    %sign3A_166 = arith.extui %sign3A_165 : i1 to i32
    %sign3A_167 = arith.subi %sign3A_163, %sign3A_166 : i32
    %ne3A_168 = arith.cmpi ne, %sign3A_160, %sign3A_167 : i32
    %rem3A_169 = arith.remsi %add3A_151, %jit3A_152 : i32
    %ne3A_170 = arith.constant 0 : i32
    %ne3A_171 = arith.cmpi ne, %rem3A_169, %ne3A_170 : i32
    %and3A_172 = arith.andi %ne3A_168, %ne3A_171 : i1
    %sub3A_173 = arith.constant 1 : i32
    %sub3A_174 = arith.subi %div3A_153, %sub3A_173 : i32
    %select_n3A_175 = arith.select %and3A_172, %sub3A_174, %div3A_153 : i32
    %add3A_176 = arith.constant 15 : i32
    %add3A_177 = arith.addi %squeeze3A_20, %add3A_176 : i32
    %jit3A_178 = arith.constant 16 : i32
    %div3A_179 = arith.divsi %add3A_177, %jit3A_178 : i32
    %sign3A_180 = arith.constant 0 : i32
    %sign3A_181 = arith.cmpi sgt, %add3A_177, %sign3A_180 : i32
    %sign3A_182 = arith.extui %sign3A_181 : i1 to i32
    %sign3A_183 = arith.constant 0 : i32
    %sign3A_184 = arith.cmpi slt, %add3A_177, %sign3A_183 : i32
    %sign3A_185 = arith.extui %sign3A_184 : i1 to i32
    %sign3A_186 = arith.subi %sign3A_182, %sign3A_185 : i32
    %sign3A_187 = arith.constant 0 : i32
    %sign3A_188 = arith.cmpi sgt, %jit3A_178, %sign3A_187 : i32
    %sign3A_189 = arith.extui %sign3A_188 : i1 to i32
    %sign3A_190 = arith.constant 0 : i32
    %sign3A_191 = arith.cmpi slt, %jit3A_178, %sign3A_190 : i32
    %sign3A_192 = arith.extui %sign3A_191 : i1 to i32
    %sign3A_193 = arith.subi %sign3A_189, %sign3A_192 : i32
    %ne3A_194 = arith.cmpi ne, %sign3A_186, %sign3A_193 : i32
    %rem3A_195 = arith.remsi %add3A_177, %jit3A_178 : i32
    %ne3A_196 = arith.constant 0 : i32
    %ne3A_197 = arith.cmpi ne, %rem3A_195, %ne3A_196 : i32
    %and3A_198 = arith.andi %ne3A_194, %ne3A_197 : i1
    %sub3A_199 = arith.constant 1 : i32
    %sub3A_200 = arith.subi %div3A_179, %sub3A_199 : i32
    %select_n3A_201 = arith.select %and3A_198, %sub3A_200, %div3A_179 : i32
    %add3A_202 = arith.constant 15 : i32
    %add3A_203 = arith.addi %squeeze3A_22, %add3A_202 : i32
    %jit3A_204 = arith.constant 16 : i32
    %div3A_205 = arith.divsi %add3A_203, %jit3A_204 : i32
    %sign3A_206 = arith.constant 0 : i32
    %sign3A_207 = arith.cmpi sgt, %add3A_203, %sign3A_206 : i32
    %sign3A_208 = arith.extui %sign3A_207 : i1 to i32
    %sign3A_209 = arith.constant 0 : i32
    %sign3A_210 = arith.cmpi slt, %add3A_203, %sign3A_209 : i32
    %sign3A_211 = arith.extui %sign3A_210 : i1 to i32
    %sign3A_212 = arith.subi %sign3A_208, %sign3A_211 : i32
    %sign3A_213 = arith.constant 0 : i32
    %sign3A_214 = arith.cmpi sgt, %jit3A_204, %sign3A_213 : i32
    %sign3A_215 = arith.extui %sign3A_214 : i1 to i32
    %sign3A_216 = arith.constant 0 : i32
    %sign3A_217 = arith.cmpi slt, %jit3A_204, %sign3A_216 : i32
    %sign3A_218 = arith.extui %sign3A_217 : i1 to i32
    %sign3A_219 = arith.subi %sign3A_215, %sign3A_218 : i32
    %ne3A_220 = arith.cmpi ne, %sign3A_212, %sign3A_219 : i32
    %rem3A_221 = arith.remsi %add3A_203, %jit3A_204 : i32
    %ne3A_222 = arith.constant 0 : i32
    %ne3A_223 = arith.cmpi ne, %rem3A_221, %ne3A_222 : i32
    %and3A_224 = arith.andi %ne3A_220, %ne3A_223 : i1
    %sub3A_225 = arith.constant 1 : i32
    %sub3A_226 = arith.subi %div3A_205, %sub3A_225 : i32
    %select_n3A_227 = arith.select %and3A_224, %sub3A_226, %div3A_205 : i32
    %add3A_228 = arith.constant 15 : i32
    %add3A_229 = arith.addi %squeeze3A_24, %add3A_228 : i32
    %jit3A_230 = arith.constant 16 : i32
    %div3A_231 = arith.divsi %add3A_229, %jit3A_230 : i32
    %sign3A_232 = arith.constant 0 : i32
    %sign3A_233 = arith.cmpi sgt, %add3A_229, %sign3A_232 : i32
    %sign3A_234 = arith.extui %sign3A_233 : i1 to i32
    %sign3A_235 = arith.constant 0 : i32
    %sign3A_236 = arith.cmpi slt, %add3A_229, %sign3A_235 : i32
    %sign3A_237 = arith.extui %sign3A_236 : i1 to i32
    %sign3A_238 = arith.subi %sign3A_234, %sign3A_237 : i32
    %sign3A_239 = arith.constant 0 : i32
    %sign3A_240 = arith.cmpi sgt, %jit3A_230, %sign3A_239 : i32
    %sign3A_241 = arith.extui %sign3A_240 : i1 to i32
    %sign3A_242 = arith.constant 0 : i32
    %sign3A_243 = arith.cmpi slt, %jit3A_230, %sign3A_242 : i32
    %sign3A_244 = arith.extui %sign3A_243 : i1 to i32
    %sign3A_245 = arith.subi %sign3A_241, %sign3A_244 : i32
    %ne3A_246 = arith.cmpi ne, %sign3A_238, %sign3A_245 : i32
    %rem3A_247 = arith.remsi %add3A_229, %jit3A_230 : i32
    %ne3A_248 = arith.constant 0 : i32
    %ne3A_249 = arith.cmpi ne, %rem3A_247, %ne3A_248 : i32
    %and3A_250 = arith.andi %ne3A_246, %ne3A_249 : i1
    %sub3A_251 = arith.constant 1 : i32
    %sub3A_252 = arith.subi %div3A_231, %sub3A_251 : i32
    %select_n3A_253 = arith.select %and3A_250, %sub3A_252, %div3A_231 : i32
    %add3A_254 = arith.constant 0 : i32
    %add3A_255 = arith.addi %add3A_254, %select_n3A : i32
    %add3A_256 = arith.addi %add3A_255, %select_n3A_175 : i32
    %add3A_257 = arith.addi %add3A_256, %select_n3A_201 : i32
    %add3A_258 = arith.addi %add3A_257, %select_n3A_227 : i32
    %add3A_259 = arith.addi %add3A_258, %select_n3A_253 : i32
    %add3A_260 = arith.constant 3 : i32
    %add3A_261 = arith.addi %add3A_259, %add3A_260 : i32
    %jit3A_262 = arith.constant 4 : i32
    %div3A_263 = arith.divsi %add3A_261, %jit3A_262 : i32
    %sign3A_264 = arith.constant 0 : i32
    %sign3A_265 = arith.cmpi sgt, %add3A_261, %sign3A_264 : i32
    %sign3A_266 = arith.extui %sign3A_265 : i1 to i32
    %sign3A_267 = arith.constant 0 : i32
    %sign3A_268 = arith.cmpi slt, %add3A_261, %sign3A_267 : i32
    %sign3A_269 = arith.extui %sign3A_268 : i1 to i32
    %sign3A_270 = arith.subi %sign3A_266, %sign3A_269 : i32
    %sign3A_271 = arith.constant 0 : i32
    %sign3A_272 = arith.cmpi sgt, %jit3A_262, %sign3A_271 : i32
    %sign3A_273 = arith.extui %sign3A_272 : i1 to i32
    %sign3A_274 = arith.constant 0 : i32
    %sign3A_275 = arith.cmpi slt, %jit3A_262, %sign3A_274 : i32
    %sign3A_276 = arith.extui %sign3A_275 : i1 to i32
    %sign3A_277 = arith.subi %sign3A_273, %sign3A_276 : i32
    %ne3A_278 = arith.cmpi ne, %sign3A_270, %sign3A_277 : i32
    %rem3A_279 = arith.remsi %add3A_261, %jit3A_262 : i32
    %ne3A_280 = arith.constant 0 : i32
    %ne3A_281 = arith.cmpi ne, %rem3A_279, %ne3A_280 : i32
    %and3A_282 = arith.andi %ne3A_278, %ne3A_281 : i1
    %sub3A_283 = arith.constant 1 : i32
    %sub3A_284 = arith.subi %div3A_263, %sub3A_283 : i32
    %select_n3A_285 = arith.select %and3A_282, %sub3A_284, %div3A_263 : i32
    %while3A = arith.constant 0 : i32
    %while3A_286 = arith.constant 0 : i32
    %while3A_287 = arith.subi %select_n3A_285, %while3A_286 : i32
    %while3A_288 = arith.addi %while3A_286, %while3A_287 : i32
    %while3A_289 = arith.constant 1 : i32
    %while3A_290 = arith.divsi %while3A_287, %while3A_289 : i32
    %while3A_291 = arith.muli %while3A_290, %while3A_289 : i32
    %while3A_292 = arith.addi %while3A_286, %while3A_291 : i32
    %while3A_293 = arith.constant 1 : i32
    scf.for %while3A_332 = %while3A_286 to %while3A_292 step %while3A_293  : i32 {
      %mul3A_333 = arith.constant 4 : i32
      %mul3A_334 = arith.muli %while3A_332, %mul3A_333 : i32
      %add3A_335 = arith.constant 0 : i32
      %add3A_336 = arith.addi %mul3A_334, %add3A_335 : i32
      %gt3A = arith.constant 0 : i32
      %gt3A_337 = arith.cmpi sgt, %while3A_332, %gt3A : i32
      %convert_element_type3A_338 = arith.extui %gt3A_337 : i1 to i32
      %cond3A_339 = arith.constant 0 : i32
      %cond3A_340 = arith.cmpi ne, %convert_element_type3A_338, %cond3A_339 : i32
      scf.if %cond3A_340 {
        %dma_wait3A = arith.constant 0 : i32
        %dma_wait3A_416 = arith.constant 0 : i32
        %dma_wait3A_417 = tpu.memref_slice %arg8[%dma_wait3A, %dma_wait3A_416] : memref<32768x1024xf32, #tpu.memory_space<hbm>> -> memref<32768x1024xf32, #tpu.memory_space<hbm>>
        tpu.wait_indirect_dma semaphore(%arg36 : memref<!tpu.dma_semaphore, #tpu.memory_space<semaphore_mem>>) src(%arg28 : memref<16x1024xf32, #tpu.memory_space<vmem>>) dst(%dma_wait3A_417 : memref<32768x1024xf32, #tpu.memory_space<hbm>>)
      } else {
      }
      %lt3A_341 = arith.cmpi slt, %add3A_336, %add3A_259 : i32
      %convert_element_type3A_342 = arith.extui %lt3A_341 : i1 to i32
      %cond3A_343 = arith.constant 0 : i32
      %cond3A_344 = arith.cmpi ne, %convert_element_type3A_342, %cond3A_343 : i32
      scf.if %cond3A_344 {
        %ge3A = arith.cmpi sge, %add3A_336, %add3A_255 : i32
        %convert_element_type3A_416 = arith.extui %ge3A : i1 to i32
        %add3A_417 = arith.constant 0 : i32
        %add3A_418 = arith.addi %add3A_417, %convert_element_type3A_416 : i32
        %ge3A_419 = arith.cmpi sge, %add3A_336, %add3A_256 : i32
        %convert_element_type3A_420 = arith.extui %ge3A_419 : i1 to i32
        %add3A_421 = arith.addi %add3A_418, %convert_element_type3A_420 : i32
        %ge3A_422 = arith.cmpi sge, %add3A_336, %add3A_257 : i32
        %convert_element_type3A_423 = arith.extui %ge3A_422 : i1 to i32
        %add3A_424 = arith.addi %add3A_421, %convert_element_type3A_423 : i32
        %ge3A_425 = arith.cmpi sge, %add3A_336, %add3A_258 : i32
        %convert_element_type3A_426 = arith.extui %ge3A_425 : i1 to i32
        %add3A_427 = arith.addi %add3A_424, %convert_element_type3A_426 : i32
        %clamp3A = arith.constant 0 : i32
        %clamp3A_428 = arith.constant 4 : i32
        %clamp3A_429 = arith.maxsi %add3A_427, %clamp3A : i32
        %clamp3A_430 = arith.minsi %clamp3A_429, %clamp3A_428 : i32
        %cond3A_431 = arith.constant 0 : i32
        %cond3A_432 = arith.cmpi ne, %clamp3A_430, %cond3A_431 : i32
        scf.if %cond3A_432 {
          %cond3A_433 = arith.constant 1 : i32
          %cond3A_434 = arith.subi %clamp3A_430, %cond3A_433 : i32
          %cond3A_435 = arith.constant 0 : i32
          %cond3A_436 = arith.cmpi ne, %cond3A_434, %cond3A_435 : i32
          scf.if %cond3A_436 {
            %cond3A_437 = arith.constant 1 : i32
            %cond3A_438 = arith.subi %cond3A_434, %cond3A_437 : i32
            %cond3A_439 = arith.constant 0 : i32
            %cond3A_440 = arith.cmpi ne, %cond3A_438, %cond3A_439 : i32
            scf.if %cond3A_440 {
              %cond3A_441 = arith.constant 1 : i32
              %cond3A_442 = arith.subi %cond3A_438, %cond3A_441 : i32
              %cond3A_443 = arith.constant 0 : i32
              %cond3A_444 = arith.cmpi ne, %cond3A_442, %cond3A_443 : i32
              scf.if %cond3A_444 {
                %sub3A_445 = arith.subi %add3A_336, %add3A_258 : i32
                %mul3A_446 = arith.constant 16 : i32
                %mul3A_447 = arith.muli %sub3A_445, %mul3A_446 : i32
                %get3A_448 = arith.index_cast %mul3A_447 : i32 to index
                %get3A_449 = tpu.vector_load %arg14[%get3A_448] {strides = array<i32>} : memref<1040xi32, #tpu.memory_space<vmem>>, vector<16xi32>,
                %mul3A_450 = arith.constant 16 : i32
                %mul3A_451 = arith.muli %sub3A_445, %mul3A_450 : i32
                %get3A_452 = arith.index_cast %mul3A_451 : i32 to index
                %get3A_453 = tpu.vector_load %arg19[%get3A_452] {strides = array<i32>} : memref<1040xi32, #tpu.memory_space<vmem>>, vector<16xi32>,
                %masked_sort3A = arith.constant dense<true> : vector<16xi1>
                %masked_sort3A_454 = arith.constant -2147483648 : i32
                %masked_sort3A_455 = vector.broadcast %masked_sort3A_454 : i32 to vector<16xi32>
                %masked_sort3A_456 = arith.xori %get3A_449, %masked_sort3A_455 : vector<16xi32>
                %masked_sort3A_457, %masked_sort3A_458, %masked_sort3A_459 = tpu.sort %masked_sort3A_456, %get3A_453 masked %masked_sort3A : (vector<16xi32>, vector<16xi32>, vector<16xi1>) -> (vector<16xi1>, vector<16xi32>, vector<16xi32>)
                %masked_sort3A_460 = arith.xori %masked_sort3A_458, %masked_sort3A_455 : vector<16xi32>
                %swap3A_461 = arith.constant 0 : index
                %swap3A_462 = tpu.vector_load %arg20[%swap3A_461] {strides = array<i32>} : memref<16xi32, #tpu.memory_space<vmem>>, vector<16xi32>,
                tpu.vector_store %arg20[%swap3A_461], %masked_sort3A_460 {strides = array<i32>} : memref<16xi32, #tpu.memory_space<vmem>>, vector<16xi32>,
                %swap3A_463 = arith.constant 0 : index
                %swap3A_464 = tpu.vector_load %arg24[%swap3A_463] {strides = array<i32>} : memref<16xi32, #tpu.memory_space<vmem>>, vector<16xi32>,
                tpu.vector_store %arg24[%swap3A_463], %masked_sort3A_459 {strides = array<i32>} : memref<16xi32, #tpu.memory_space<vmem>>, vector<16xi32>,
                %dma_start3A = arith.constant 0 : i32
                %dma_start3A_465 = arith.constant 0 : i32
                %dma_start3A_466 = tpu.memref_slice %arg7[%dma_start3A, %dma_start3A_465] : memref<12000x1024xf32, #tpu.memory_space<hbm>> -> memref<12000x1024xf32, #tpu.memory_space<hbm>>
                tpu.enqueue_indirect_dma source(%dma_start3A_466 : memref<12000x1024xf32, #tpu.memory_space<hbm>>) target(%arg28 : memref<16x1024xf32, #tpu.memory_space<vmem>>) offsets(%arg20 : memref<16xi32, #tpu.memory_space<vmem>>) semaphore(%arg32 : memref<!tpu.dma_semaphore, #tpu.memory_space<semaphore_mem>>)
              } else {
                %sub3A_445 = arith.subi %add3A_336, %add3A_257 : i32
                %mul3A_446 = arith.constant 16 : i32
                %mul3A_447 = arith.muli %sub3A_445, %mul3A_446 : i32
                %get3A_448 = arith.index_cast %mul3A_447 : i32 to index
                %get3A_449 = tpu.vector_load %arg13[%get3A_448] {strides = array<i32>} : memref<1040xi32, #tpu.memory_space<vmem>>, vector<16xi32>,
                %mul3A_450 = arith.constant 16 : i32
                %mul3A_451 = arith.muli %sub3A_445, %mul3A_450 : i32
                %get3A_452 = arith.index_cast %mul3A_451 : i32 to index
                %get3A_453 = tpu.vector_load %arg18[%get3A_452] {strides = array<i32>} : memref<1040xi32, #tpu.memory_space<vmem>>, vector<16xi32>,
                %masked_sort3A = arith.constant dense<true> : vector<16xi1>
                %masked_sort3A_454 = arith.constant -2147483648 : i32
                %masked_sort3A_455 = vector.broadcast %masked_sort3A_454 : i32 to vector<16xi32>
                %masked_sort3A_456 = arith.xori %get3A_449, %masked_sort3A_455 : vector<16xi32>
                %masked_sort3A_457, %masked_sort3A_458, %masked_sort3A_459 = tpu.sort %masked_sort3A_456, %get3A_453 masked %masked_sort3A : (vector<16xi32>, vector<16xi32>, vector<16xi1>) -> (vector<16xi1>, vector<16xi32>, vector<16xi32>)
                %masked_sort3A_460 = arith.xori %masked_sort3A_458, %masked_sort3A_455 : vector<16xi32>
                %swap3A_461 = arith.constant 0 : index
                %swap3A_462 = tpu.vector_load %arg20[%swap3A_461] {strides = array<i32>} : memref<16xi32, #tpu.memory_space<vmem>>, vector<16xi32>,
                tpu.vector_store %arg20[%swap3A_461], %masked_sort3A_460 {strides = array<i32>} : memref<16xi32, #tpu.memory_space<vmem>>, vector<16xi32>,
                %swap3A_463 = arith.constant 0 : index
                %swap3A_464 = tpu.vector_load %arg24[%swap3A_463] {strides = array<i32>} : memref<16xi32, #tpu.memory_space<vmem>>, vector<16xi32>,
                tpu.vector_store %arg24[%swap3A_463], %masked_sort3A_459 {strides = array<i32>} : memref<16xi32, #tpu.memory_space<vmem>>, vector<16xi32>,
                %dma_start3A = arith.constant 0 : i32
                %dma_start3A_465 = arith.constant 0 : i32
                %dma_start3A_466 = tpu.memref_slice %arg6[%dma_start3A, %dma_start3A_465] : memref<5000x1024xf32, #tpu.memory_space<hbm>> -> memref<5000x1024xf32, #tpu.memory_space<hbm>>
                tpu.enqueue_indirect_dma source(%dma_start3A_466 : memref<5000x1024xf32, #tpu.memory_space<hbm>>) target(%arg28 : memref<16x1024xf32, #tpu.memory_space<vmem>>) offsets(%arg20 : memref<16xi32, #tpu.memory_space<vmem>>) semaphore(%arg32 : memref<!tpu.dma_semaphore, #tpu.memory_space<semaphore_mem>>)
              }
            } else {
              %sub3A_441 = arith.subi %add3A_336, %add3A_256 : i32
              %mul3A_442 = arith.constant 16 : i32
              %mul3A_443 = arith.muli %sub3A_441, %mul3A_442 : i32
              %get3A_444 = arith.index_cast %mul3A_443 : i32 to index
              %get3A_445 = tpu.vector_load %arg12[%get3A_444] {strides = array<i32>} : memref<1040xi32, #tpu.memory_space<vmem>>, vector<16xi32>,
              %mul3A_446 = arith.constant 16 : i32
              %mul3A_447 = arith.muli %sub3A_441, %mul3A_446 : i32
              %get3A_448 = arith.index_cast %mul3A_447 : i32 to index
              %get3A_449 = tpu.vector_load %arg17[%get3A_448] {strides = array<i32>} : memref<1040xi32, #tpu.memory_space<vmem>>, vector<16xi32>,
              %masked_sort3A = arith.constant dense<true> : vector<16xi1>
              %masked_sort3A_450 = arith.constant -2147483648 : i32
              %masked_sort3A_451 = vector.broadcast %masked_sort3A_450 : i32 to vector<16xi32>
              %masked_sort3A_452 = arith.xori %get3A_445, %masked_sort3A_451 : vector<16xi32>
              %masked_sort3A_453, %masked_sort3A_454, %masked_sort3A_455 = tpu.sort %masked_sort3A_452, %get3A_449 masked %masked_sort3A : (vector<16xi32>, vector<16xi32>, vector<16xi1>) -> (vector<16xi1>, vector<16xi32>, vector<16xi32>)
              %masked_sort3A_456 = arith.xori %masked_sort3A_454, %masked_sort3A_451 : vector<16xi32>
              %swap3A_457 = arith.constant 0 : index
              %swap3A_458 = tpu.vector_load %arg20[%swap3A_457] {strides = array<i32>} : memref<16xi32, #tpu.memory_space<vmem>>, vector<16xi32>,
              tpu.vector_store %arg20[%swap3A_457], %masked_sort3A_456 {strides = array<i32>} : memref<16xi32, #tpu.memory_space<vmem>>, vector<16xi32>,
              %swap3A_459 = arith.constant 0 : index
              %swap3A_460 = tpu.vector_load %arg24[%swap3A_459] {strides = array<i32>} : memref<16xi32, #tpu.memory_space<vmem>>, vector<16xi32>,
              tpu.vector_store %arg24[%swap3A_459], %masked_sort3A_455 {strides = array<i32>} : memref<16xi32, #tpu.memory_space<vmem>>, vector<16xi32>,
              %dma_start3A = arith.constant 0 : i32
              %dma_start3A_461 = arith.constant 0 : i32
              %dma_start3A_462 = tpu.memref_slice %arg5[%dma_start3A, %dma_start3A_461] : memref<1000x1024xf32, #tpu.memory_space<hbm>> -> memref<1000x1024xf32, #tpu.memory_space<hbm>>
              tpu.enqueue_indirect_dma source(%dma_start3A_462 : memref<1000x1024xf32, #tpu.memory_space<hbm>>) target(%arg28 : memref<16x1024xf32, #tpu.memory_space<vmem>>) offsets(%arg20 : memref<16xi32, #tpu.memory_space<vmem>>) semaphore(%arg32 : memref<!tpu.dma_semaphore, #tpu.memory_space<semaphore_mem>>)
            }
          } else {
            %sub3A_437 = arith.subi %add3A_336, %add3A_255 : i32
            %mul3A_438 = arith.constant 16 : i32
            %mul3A_439 = arith.muli %sub3A_437, %mul3A_438 : i32
            %get3A_440 = arith.index_cast %mul3A_439 : i32 to index
            %get3A_441 = tpu.vector_load %arg11[%get3A_440] {strides = array<i32>} : memref<1040xi32, #tpu.memory_space<vmem>>, vector<16xi32>,
            %mul3A_442 = arith.constant 16 : i32
            %mul3A_443 = arith.muli %sub3A_437, %mul3A_442 : i32
            %get3A_444 = arith.index_cast %mul3A_443 : i32 to index
            %get3A_445 = tpu.vector_load %arg16[%get3A_444] {strides = array<i32>} : memref<1040xi32, #tpu.memory_space<vmem>>, vector<16xi32>,
            %masked_sort3A = arith.constant dense<true> : vector<16xi1>
            %masked_sort3A_446 = arith.constant -2147483648 : i32
            %masked_sort3A_447 = vector.broadcast %masked_sort3A_446 : i32 to vector<16xi32>
            %masked_sort3A_448 = arith.xori %get3A_441, %masked_sort3A_447 : vector<16xi32>
            %masked_sort3A_449, %masked_sort3A_450, %masked_sort3A_451 = tpu.sort %masked_sort3A_448, %get3A_445 masked %masked_sort3A : (vector<16xi32>, vector<16xi32>, vector<16xi1>) -> (vector<16xi1>, vector<16xi32>, vector<16xi32>)
            %masked_sort3A_452 = arith.xori %masked_sort3A_450, %masked_sort3A_447 : vector<16xi32>
            %swap3A_453 = arith.constant 0 : index
            %swap3A_454 = tpu.vector_load %arg20[%swap3A_453] {strides = array<i32>} : memref<16xi32, #tpu.memory_space<vmem>>, vector<16xi32>,
            tpu.vector_store %arg20[%swap3A_453], %masked_sort3A_452 {strides = array<i32>} : memref<16xi32, #tpu.memory_space<vmem>>, vector<16xi32>,
            %swap3A_455 = arith.constant 0 : index
            %swap3A_456 = tpu.vector_load %arg24[%swap3A_455] {strides = array<i32>} : memref<16xi32, #tpu.memory_space<vmem>>, vector<16xi32>,
            tpu.vector_store %arg24[%swap3A_455], %masked_sort3A_451 {strides = array<i32>} : memref<16xi32, #tpu.memory_space<vmem>>, vector<16xi32>,
            %dma_start3A = arith.constant 0 : i32
            %dma_start3A_457 = arith.constant 0 : i32
            %dma_start3A_458 = tpu.memref_slice %arg4[%dma_start3A, %dma_start3A_457] : memref<10000x1024xf32, #tpu.memory_space<hbm>> -> memref<10000x1024xf32, #tpu.memory_space<hbm>>
            tpu.enqueue_indirect_dma source(%dma_start3A_458 : memref<10000x1024xf32, #tpu.memory_space<hbm>>) target(%arg28 : memref<16x1024xf32, #tpu.memory_space<vmem>>) offsets(%arg20 : memref<16xi32, #tpu.memory_space<vmem>>) semaphore(%arg32 : memref<!tpu.dma_semaphore, #tpu.memory_space<semaphore_mem>>)
          }
        } else {
          %sub3A_433 = arith.constant 0 : i32
          %sub3A_434 = arith.subi %add3A_336, %sub3A_433 : i32
          %mul3A_435 = arith.constant 16 : i32
          %mul3A_436 = arith.muli %sub3A_434, %mul3A_435 : i32
          %get3A_437 = arith.index_cast %mul3A_436 : i32 to index
          %get3A_438 = tpu.vector_load %arg10[%get3A_437] {strides = array<i32>} : memref<1040xi32, #tpu.memory_space<vmem>>, vector<16xi32>,
          %mul3A_439 = arith.constant 16 : i32
          %mul3A_440 = arith.muli %sub3A_434, %mul3A_439 : i32
          %get3A_441 = arith.index_cast %mul3A_440 : i32 to index
          %get3A_442 = tpu.vector_load %arg15[%get3A_441] {strides = array<i32>} : memref<1040xi32, #tpu.memory_space<vmem>>, vector<16xi32>,
          %masked_sort3A = arith.constant dense<true> : vector<16xi1>
          %masked_sort3A_443 = arith.constant -2147483648 : i32
          %masked_sort3A_444 = vector.broadcast %masked_sort3A_443 : i32 to vector<16xi32>
          %masked_sort3A_445 = arith.xori %get3A_438, %masked_sort3A_444 : vector<16xi32>
          %masked_sort3A_446, %masked_sort3A_447, %masked_sort3A_448 = tpu.sort %masked_sort3A_445, %get3A_442 masked %masked_sort3A : (vector<16xi32>, vector<16xi32>, vector<16xi1>) -> (vector<16xi1>, vector<16xi32>, vector<16xi32>)
          %masked_sort3A_449 = arith.xori %masked_sort3A_447, %masked_sort3A_444 : vector<16xi32>
          %swap3A_450 = arith.constant 0 : index
          %swap3A_451 = tpu.vector_load %arg20[%swap3A_450] {strides = array<i32>} : memref<16xi32, #tpu.memory_space<vmem>>, vector<16xi32>,
          tpu.vector_store %arg20[%swap3A_450], %masked_sort3A_449 {strides = array<i32>} : memref<16xi32, #tpu.memory_space<vmem>>, vector<16xi32>,
          %swap3A_452 = arith.constant 0 : index
          %swap3A_453 = tpu.vector_load %arg24[%swap3A_452] {strides = array<i32>} : memref<16xi32, #tpu.memory_space<vmem>>, vector<16xi32>,
          tpu.vector_store %arg24[%swap3A_452], %masked_sort3A_448 {strides = array<i32>} : memref<16xi32, #tpu.memory_space<vmem>>, vector<16xi32>,
          %dma_start3A = arith.constant 0 : i32
          %dma_start3A_454 = arith.constant 0 : i32
          %dma_start3A_455 = tpu.memref_slice %arg3[%dma_start3A, %dma_start3A_454] : memref<100000x1024xf32, #tpu.memory_space<hbm>> -> memref<100000x1024xf32, #tpu.memory_space<hbm>>
          tpu.enqueue_indirect_dma source(%dma_start3A_455 : memref<100000x1024xf32, #tpu.memory_space<hbm>>) target(%arg28 : memref<16x1024xf32, #tpu.memory_space<vmem>>) offsets(%arg20 : memref<16xi32, #tpu.memory_space<vmem>>) semaphore(%arg32 : memref<!tpu.dma_semaphore, #tpu.memory_space<semaphore_mem>>)
        }
      } else {
      }
      %mul3A_345 = arith.constant 4 : i32
      %mul3A_346 = arith.muli %while3A_332, %mul3A_345 : i32
      %add3A_347 = arith.constant 1 : i32
      %add3A_348 = arith.addi %mul3A_346, %add3A_347 : i32
      %gt3A_349 = arith.constant 0 : i32
      %gt3A_350 = arith.cmpi sgt, %while3A_332, %gt3A_349 : i32
      %convert_element_type3A_351 = arith.extui %gt3A_350 : i1 to i32
      %cond3A_352 = arith.constant 0 : i32
      %cond3A_353 = arith.cmpi ne, %convert_element_type3A_351, %cond3A_352 : i32
      scf.if %cond3A_353 {
        %dma_wait3A = arith.constant 0 : i32
        %dma_wait3A_416 = arith.constant 0 : i32
        %dma_wait3A_417 = tpu.memref_slice %arg8[%dma_wait3A, %dma_wait3A_416] : memref<32768x1024xf32, #tpu.memory_space<hbm>> -> memref<32768x1024xf32, #tpu.memory_space<hbm>>
        tpu.wait_indirect_dma semaphore(%arg37 : memref<!tpu.dma_semaphore, #tpu.memory_space<semaphore_mem>>) src(%arg29 : memref<16x1024xf32, #tpu.memory_space<vmem>>) dst(%dma_wait3A_417 : memref<32768x1024xf32, #tpu.memory_space<hbm>>)
      } else {
      }
      %lt3A_354 = arith.cmpi slt, %add3A_348, %add3A_259 : i32
      %convert_element_type3A_355 = arith.extui %lt3A_354 : i1 to i32
      %cond3A_356 = arith.constant 0 : i32
      %cond3A_357 = arith.cmpi ne, %convert_element_type3A_355, %cond3A_356 : i32
      scf.if %cond3A_357 {
        %ge3A = arith.cmpi sge, %add3A_348, %add3A_255 : i32
        %convert_element_type3A_416 = arith.extui %ge3A : i1 to i32
        %add3A_417 = arith.constant 0 : i32
        %add3A_418 = arith.addi %add3A_417, %convert_element_type3A_416 : i32
        %ge3A_419 = arith.cmpi sge, %add3A_348, %add3A_256 : i32
        %convert_element_type3A_420 = arith.extui %ge3A_419 : i1 to i32
        %add3A_421 = arith.addi %add3A_418, %convert_element_type3A_420 : i32
        %ge3A_422 = arith.cmpi sge, %add3A_348, %add3A_257 : i32
        %convert_element_type3A_423 = arith.extui %ge3A_422 : i1 to i32
        %add3A_424 = arith.addi %add3A_421, %convert_element_type3A_423 : i32
        %ge3A_425 = arith.cmpi sge, %add3A_348, %add3A_258 : i32
        %convert_element_type3A_426 = arith.extui %ge3A_425 : i1 to i32
        %add3A_427 = arith.addi %add3A_424, %convert_element_type3A_426 : i32
        %clamp3A = arith.constant 0 : i32
        %clamp3A_428 = arith.constant 4 : i32
        %clamp3A_429 = arith.maxsi %add3A_427, %clamp3A : i32
        %clamp3A_430 = arith.minsi %clamp3A_429, %clamp3A_428 : i32
        %cond3A_431 = arith.constant 0 : i32
        %cond3A_432 = arith.cmpi ne, %clamp3A_430, %cond3A_431 : i32
        scf.if %cond3A_432 {
          %cond3A_433 = arith.constant 1 : i32
          %cond3A_434 = arith.subi %clamp3A_430, %cond3A_433 : i32
          %cond3A_435 = arith.constant 0 : i32
          %cond3A_436 = arith.cmpi ne, %cond3A_434, %cond3A_435 : i32
          scf.if %cond3A_436 {
            %cond3A_437 = arith.constant 1 : i32
            %cond3A_438 = arith.subi %cond3A_434, %cond3A_437 : i32
            %cond3A_439 = arith.constant 0 : i32
            %cond3A_440 = arith.cmpi ne, %cond3A_438, %cond3A_439 : i32
            scf.if %cond3A_440 {
              %cond3A_441 = arith.constant 1 : i32
              %cond3A_442 = arith.subi %cond3A_438, %cond3A_441 : i32
              %cond3A_443 = arith.constant 0 : i32
              %cond3A_444 = arith.cmpi ne, %cond3A_442, %cond3A_443 : i32
              scf.if %cond3A_444 {
                %sub3A_445 = arith.subi %add3A_348, %add3A_258 : i32
                %mul3A_446 = arith.constant 16 : i32
                %mul3A_447 = arith.muli %sub3A_445, %mul3A_446 : i32
                %get3A_448 = arith.index_cast %mul3A_447 : i32 to index
                %get3A_449 = tpu.vector_load %arg14[%get3A_448] {strides = array<i32>} : memref<1040xi32, #tpu.memory_space<vmem>>, vector<16xi32>,
                %mul3A_450 = arith.constant 16 : i32
                %mul3A_451 = arith.muli %sub3A_445, %mul3A_450 : i32
                %get3A_452 = arith.index_cast %mul3A_451 : i32 to index
                %get3A_453 = tpu.vector_load %arg19[%get3A_452] {strides = array<i32>} : memref<1040xi32, #tpu.memory_space<vmem>>, vector<16xi32>,
                %masked_sort3A = arith.constant dense<true> : vector<16xi1>
                %masked_sort3A_454 = arith.constant -2147483648 : i32
                %masked_sort3A_455 = vector.broadcast %masked_sort3A_454 : i32 to vector<16xi32>
                %masked_sort3A_456 = arith.xori %get3A_449, %masked_sort3A_455 : vector<16xi32>
                %masked_sort3A_457, %masked_sort3A_458, %masked_sort3A_459 = tpu.sort %masked_sort3A_456, %get3A_453 masked %masked_sort3A : (vector<16xi32>, vector<16xi32>, vector<16xi1>) -> (vector<16xi1>, vector<16xi32>, vector<16xi32>)
                %masked_sort3A_460 = arith.xori %masked_sort3A_458, %masked_sort3A_455 : vector<16xi32>
                %swap3A_461 = arith.constant 0 : index
                %swap3A_462 = tpu.vector_load %arg21[%swap3A_461] {strides = array<i32>} : memref<16xi32, #tpu.memory_space<vmem>>, vector<16xi32>,
                tpu.vector_store %arg21[%swap3A_461], %masked_sort3A_460 {strides = array<i32>} : memref<16xi32, #tpu.memory_space<vmem>>, vector<16xi32>,
                %swap3A_463 = arith.constant 0 : index
                %swap3A_464 = tpu.vector_load %arg25[%swap3A_463] {strides = array<i32>} : memref<16xi32, #tpu.memory_space<vmem>>, vector<16xi32>,
                tpu.vector_store %arg25[%swap3A_463], %masked_sort3A_459 {strides = array<i32>} : memref<16xi32, #tpu.memory_space<vmem>>, vector<16xi32>,
                %dma_start3A = arith.constant 0 : i32
                %dma_start3A_465 = arith.constant 0 : i32
                %dma_start3A_466 = tpu.memref_slice %arg7[%dma_start3A, %dma_start3A_465] : memref<12000x1024xf32, #tpu.memory_space<hbm>> -> memref<12000x1024xf32, #tpu.memory_space<hbm>>
                tpu.enqueue_indirect_dma source(%dma_start3A_466 : memref<12000x1024xf32, #tpu.memory_space<hbm>>) target(%arg29 : memref<16x1024xf32, #tpu.memory_space<vmem>>) offsets(%arg21 : memref<16xi32, #tpu.memory_space<vmem>>) semaphore(%arg33 : memref<!tpu.dma_semaphore, #tpu.memory_space<semaphore_mem>>)
              } else {
                %sub3A_445 = arith.subi %add3A_348, %add3A_257 : i32
                %mul3A_446 = arith.constant 16 : i32
                %mul3A_447 = arith.muli %sub3A_445, %mul3A_446 : i32
                %get3A_448 = arith.index_cast %mul3A_447 : i32 to index
                %get3A_449 = tpu.vector_load %arg13[%get3A_448] {strides = array<i32>} : memref<1040xi32, #tpu.memory_space<vmem>>, vector<16xi32>,
                %mul3A_450 = arith.constant 16 : i32
                %mul3A_451 = arith.muli %sub3A_445, %mul3A_450 : i32
                %get3A_452 = arith.index_cast %mul3A_451 : i32 to index
                %get3A_453 = tpu.vector_load %arg18[%get3A_452] {strides = array<i32>} : memref<1040xi32, #tpu.memory_space<vmem>>, vector<16xi32>,
                %masked_sort3A = arith.constant dense<true> : vector<16xi1>
                %masked_sort3A_454 = arith.constant -2147483648 : i32
                %masked_sort3A_455 = vector.broadcast %masked_sort3A_454 : i32 to vector<16xi32>
                %masked_sort3A_456 = arith.xori %get3A_449, %masked_sort3A_455 : vector<16xi32>
                %masked_sort3A_457, %masked_sort3A_458, %masked_sort3A_459 = tpu.sort %masked_sort3A_456, %get3A_453 masked %masked_sort3A : (vector<16xi32>, vector<16xi32>, vector<16xi1>) -> (vector<16xi1>, vector<16xi32>, vector<16xi32>)
                %masked_sort3A_460 = arith.xori %masked_sort3A_458, %masked_sort3A_455 : vector<16xi32>
                %swap3A_461 = arith.constant 0 : index
                %swap3A_462 = tpu.vector_load %arg21[%swap3A_461] {strides = array<i32>} : memref<16xi32, #tpu.memory_space<vmem>>, vector<16xi32>,
                tpu.vector_store %arg21[%swap3A_461], %masked_sort3A_460 {strides = array<i32>} : memref<16xi32, #tpu.memory_space<vmem>>, vector<16xi32>,
                %swap3A_463 = arith.constant 0 : index
                %swap3A_464 = tpu.vector_load %arg25[%swap3A_463] {strides = array<i32>} : memref<16xi32, #tpu.memory_space<vmem>>, vector<16xi32>,
                tpu.vector_store %arg25[%swap3A_463], %masked_sort3A_459 {strides = array<i32>} : memref<16xi32, #tpu.memory_space<vmem>>, vector<16xi32>,
                %dma_start3A = arith.constant 0 : i32
                %dma_start3A_465 = arith.constant 0 : i32
                %dma_start3A_466 = tpu.memref_slice %arg6[%dma_start3A, %dma_start3A_465] : memref<5000x1024xf32, #tpu.memory_space<hbm>> -> memref<5000x1024xf32, #tpu.memory_space<hbm>>
                tpu.enqueue_indirect_dma source(%dma_start3A_466 : memref<5000x1024xf32, #tpu.memory_space<hbm>>) target(%arg29 : memref<16x1024xf32, #tpu.memory_space<vmem>>) offsets(%arg21 : memref<16xi32, #tpu.memory_space<vmem>>) semaphore(%arg33 : memref<!tpu.dma_semaphore, #tpu.memory_space<semaphore_mem>>)
              }
            } else {
              %sub3A_441 = arith.subi %add3A_348, %add3A_256 : i32
              %mul3A_442 = arith.constant 16 : i32
              %mul3A_443 = arith.muli %sub3A_441, %mul3A_442 : i32
              %get3A_444 = arith.index_cast %mul3A_443 : i32 to index
              %get3A_445 = tpu.vector_load %arg12[%get3A_444] {strides = array<i32>} : memref<1040xi32, #tpu.memory_space<vmem>>, vector<16xi32>,
              %mul3A_446 = arith.constant 16 : i32
              %mul3A_447 = arith.muli %sub3A_441, %mul3A_446 : i32
              %get3A_448 = arith.index_cast %mul3A_447 : i32 to index
              %get3A_449 = tpu.vector_load %arg17[%get3A_448] {strides = array<i32>} : memref<1040xi32, #tpu.memory_space<vmem>>, vector<16xi32>,
              %masked_sort3A = arith.constant dense<true> : vector<16xi1>
              %masked_sort3A_450 = arith.constant -2147483648 : i32
              %masked_sort3A_451 = vector.broadcast %masked_sort3A_450 : i32 to vector<16xi32>
              %masked_sort3A_452 = arith.xori %get3A_445, %masked_sort3A_451 : vector<16xi32>
              %masked_sort3A_453, %masked_sort3A_454, %masked_sort3A_455 = tpu.sort %masked_sort3A_452, %get3A_449 masked %masked_sort3A : (vector<16xi32>, vector<16xi32>, vector<16xi1>) -> (vector<16xi1>, vector<16xi32>, vector<16xi32>)
              %masked_sort3A_456 = arith.xori %masked_sort3A_454, %masked_sort3A_451 : vector<16xi32>
              %swap3A_457 = arith.constant 0 : index
              %swap3A_458 = tpu.vector_load %arg21[%swap3A_457] {strides = array<i32>} : memref<16xi32, #tpu.memory_space<vmem>>, vector<16xi32>,
              tpu.vector_store %arg21[%swap3A_457], %masked_sort3A_456 {strides = array<i32>} : memref<16xi32, #tpu.memory_space<vmem>>, vector<16xi32>,
              %swap3A_459 = arith.constant 0 : index
              %swap3A_460 = tpu.vector_load %arg25[%swap3A_459] {strides = array<i32>} : memref<16xi32, #tpu.memory_space<vmem>>, vector<16xi32>,
              tpu.vector_store %arg25[%swap3A_459], %masked_sort3A_455 {strides = array<i32>} : memref<16xi32, #tpu.memory_space<vmem>>, vector<16xi32>,
              %dma_start3A = arith.constant 0 : i32
              %dma_start3A_461 = arith.constant 0 : i32
              %dma_start3A_462 = tpu.memref_slice %arg5[%dma_start3A, %dma_start3A_461] : memref<1000x1024xf32, #tpu.memory_space<hbm>> -> memref<1000x1024xf32, #tpu.memory_space<hbm>>
              tpu.enqueue_indirect_dma source(%dma_start3A_462 : memref<1000x1024xf32, #tpu.memory_space<hbm>>) target(%arg29 : memref<16x1024xf32, #tpu.memory_space<vmem>>) offsets(%arg21 : memref<16xi32, #tpu.memory_space<vmem>>) semaphore(%arg33 : memref<!tpu.dma_semaphore, #tpu.memory_space<semaphore_mem>>)
            }
          } else {
            %sub3A_437 = arith.subi %add3A_348, %add3A_255 : i32
            %mul3A_438 = arith.constant 16 : i32
            %mul3A_439 = arith.muli %sub3A_437, %mul3A_438 : i32
            %get3A_440 = arith.index_cast %mul3A_439 : i32 to index
            %get3A_441 = tpu.vector_load %arg11[%get3A_440] {strides = array<i32>} : memref<1040xi32, #tpu.memory_space<vmem>>, vector<16xi32>,
            %mul3A_442 = arith.constant 16 : i32
            %mul3A_443 = arith.muli %sub3A_437, %mul3A_442 : i32
            %get3A_444 = arith.index_cast %mul3A_443 : i32 to index
            %get3A_445 = tpu.vector_load %arg16[%get3A_444] {strides = array<i32>} : memref<1040xi32, #tpu.memory_space<vmem>>, vector<16xi32>,
            %masked_sort3A = arith.constant dense<true> : vector<16xi1>
            %masked_sort3A_446 = arith.constant -2147483648 : i32
            %masked_sort3A_447 = vector.broadcast %masked_sort3A_446 : i32 to vector<16xi32>
            %masked_sort3A_448 = arith.xori %get3A_441, %masked_sort3A_447 : vector<16xi32>
            %masked_sort3A_449, %masked_sort3A_450, %masked_sort3A_451 = tpu.sort %masked_sort3A_448, %get3A_445 masked %masked_sort3A : (vector<16xi32>, vector<16xi32>, vector<16xi1>) -> (vector<16xi1>, vector<16xi32>, vector<16xi32>)
            %masked_sort3A_452 = arith.xori %masked_sort3A_450, %masked_sort3A_447 : vector<16xi32>
            %swap3A_453 = arith.constant 0 : index
            %swap3A_454 = tpu.vector_load %arg21[%swap3A_453] {strides = array<i32>} : memref<16xi32, #tpu.memory_space<vmem>>, vector<16xi32>,
            tpu.vector_store %arg21[%swap3A_453], %masked_sort3A_452 {strides = array<i32>} : memref<16xi32, #tpu.memory_space<vmem>>, vector<16xi32>,
            %swap3A_455 = arith.constant 0 : index
            %swap3A_456 = tpu.vector_load %arg25[%swap3A_455] {strides = array<i32>} : memref<16xi32, #tpu.memory_space<vmem>>, vector<16xi32>,
            tpu.vector_store %arg25[%swap3A_455], %masked_sort3A_451 {strides = array<i32>} : memref<16xi32, #tpu.memory_space<vmem>>, vector<16xi32>,
            %dma_start3A = arith.constant 0 : i32
            %dma_start3A_457 = arith.constant 0 : i32
            %dma_start3A_458 = tpu.memref_slice %arg4[%dma_start3A, %dma_start3A_457] : memref<10000x1024xf32, #tpu.memory_space<hbm>> -> memref<10000x1024xf32, #tpu.memory_space<hbm>>
            tpu.enqueue_indirect_dma source(%dma_start3A_458 : memref<10000x1024xf32, #tpu.memory_space<hbm>>) target(%arg29 : memref<16x1024xf32, #tpu.memory_space<vmem>>) offsets(%arg21 : memref<16xi32, #tpu.memory_space<vmem>>) semaphore(%arg33 : memref<!tpu.dma_semaphore, #tpu.memory_space<semaphore_mem>>)
          }
        } else {
          %sub3A_433 = arith.constant 0 : i32
          %sub3A_434 = arith.subi %add3A_348, %sub3A_433 : i32
          %mul3A_435 = arith.constant 16 : i32
          %mul3A_436 = arith.muli %sub3A_434, %mul3A_435 : i32
          %get3A_437 = arith.index_cast %mul3A_436 : i32 to index
          %get3A_438 = tpu.vector_load %arg10[%get3A_437] {strides = array<i32>} : memref<1040xi32, #tpu.memory_space<vmem>>, vector<16xi32>,
          %mul3A_439 = arith.constant 16 : i32
          %mul3A_440 = arith.muli %sub3A_434, %mul3A_439 : i32
          %get3A_441 = arith.index_cast %mul3A_440 : i32 to index
          %get3A_442 = tpu.vector_load %arg15[%get3A_441] {strides = array<i32>} : memref<1040xi32, #tpu.memory_space<vmem>>, vector<16xi32>,
          %masked_sort3A = arith.constant dense<true> : vector<16xi1>
          %masked_sort3A_443 = arith.constant -2147483648 : i32
          %masked_sort3A_444 = vector.broadcast %masked_sort3A_443 : i32 to vector<16xi32>
          %masked_sort3A_445 = arith.xori %get3A_438, %masked_sort3A_444 : vector<16xi32>
          %masked_sort3A_446, %masked_sort3A_447, %masked_sort3A_448 = tpu.sort %masked_sort3A_445, %get3A_442 masked %masked_sort3A : (vector<16xi32>, vector<16xi32>, vector<16xi1>) -> (vector<16xi1>, vector<16xi32>, vector<16xi32>)
          %masked_sort3A_449 = arith.xori %masked_sort3A_447, %masked_sort3A_444 : vector<16xi32>
          %swap3A_450 = arith.constant 0 : index
          %swap3A_451 = tpu.vector_load %arg21[%swap3A_450] {strides = array<i32>} : memref<16xi32, #tpu.memory_space<vmem>>, vector<16xi32>,
          tpu.vector_store %arg21[%swap3A_450], %masked_sort3A_449 {strides = array<i32>} : memref<16xi32, #tpu.memory_space<vmem>>, vector<16xi32>,
          %swap3A_452 = arith.constant 0 : index
          %swap3A_453 = tpu.vector_load %arg25[%swap3A_452] {strides = array<i32>} : memref<16xi32, #tpu.memory_space<vmem>>, vector<16xi32>,
          tpu.vector_store %arg25[%swap3A_452], %masked_sort3A_448 {strides = array<i32>} : memref<16xi32, #tpu.memory_space<vmem>>, vector<16xi32>,
          %dma_start3A = arith.constant 0 : i32
          %dma_start3A_454 = arith.constant 0 : i32
          %dma_start3A_455 = tpu.memref_slice %arg3[%dma_start3A, %dma_start3A_454] : memref<100000x1024xf32, #tpu.memory_space<hbm>> -> memref<100000x1024xf32, #tpu.memory_space<hbm>>
          tpu.enqueue_indirect_dma source(%dma_start3A_455 : memref<100000x1024xf32, #tpu.memory_space<hbm>>) target(%arg29 : memref<16x1024xf32, #tpu.memory_space<vmem>>) offsets(%arg21 : memref<16xi32, #tpu.memory_space<vmem>>) semaphore(%arg33 : memref<!tpu.dma_semaphore, #tpu.memory_space<semaphore_mem>>)
        }
      } else {
      }
      %mul3A_358 = arith.constant 4 : i32
      %mul3A_359 = arith.muli %while3A_332, %mul3A_358 : i32
      %add3A_360 = arith.constant 2 : i32
      %add3A_361 = arith.addi %mul3A_359, %add3A_360 : i32
      %gt3A_362 = arith.constant 0 : i32
      %gt3A_363 = arith.cmpi sgt, %while3A_332, %gt3A_362 : i32
      %convert_element_type3A_364 = arith.extui %gt3A_363 : i1 to i32
      %cond3A_365 = arith.constant 0 : i32
      %cond3A_366 = arith.cmpi ne, %convert_element_type3A_364, %cond3A_365 : i32
      scf.if %cond3A_366 {
        %dma_wait3A = arith.constant 0 : i32
        %dma_wait3A_416 = arith.constant 0 : i32
        %dma_wait3A_417 = tpu.memref_slice %arg8[%dma_wait3A, %dma_wait3A_416] : memref<32768x1024xf32, #tpu.memory_space<hbm>> -> memref<32768x1024xf32, #tpu.memory_space<hbm>>
        tpu.wait_indirect_dma semaphore(%arg38 : memref<!tpu.dma_semaphore, #tpu.memory_space<semaphore_mem>>) src(%arg30 : memref<16x1024xf32, #tpu.memory_space<vmem>>) dst(%dma_wait3A_417 : memref<32768x1024xf32, #tpu.memory_space<hbm>>)
      } else {
      }
      %lt3A_367 = arith.cmpi slt, %add3A_361, %add3A_259 : i32
      %convert_element_type3A_368 = arith.extui %lt3A_367 : i1 to i32
      %cond3A_369 = arith.constant 0 : i32
      %cond3A_370 = arith.cmpi ne, %convert_element_type3A_368, %cond3A_369 : i32
      scf.if %cond3A_370 {
        %ge3A = arith.cmpi sge, %add3A_361, %add3A_255 : i32
        %convert_element_type3A_416 = arith.extui %ge3A : i1 to i32
        %add3A_417 = arith.constant 0 : i32
        %add3A_418 = arith.addi %add3A_417, %convert_element_type3A_416 : i32
        %ge3A_419 = arith.cmpi sge, %add3A_361, %add3A_256 : i32
        %convert_element_type3A_420 = arith.extui %ge3A_419 : i1 to i32
        %add3A_421 = arith.addi %add3A_418, %convert_element_type3A_420 : i32
        %ge3A_422 = arith.cmpi sge, %add3A_361, %add3A_257 : i32
        %convert_element_type3A_423 = arith.extui %ge3A_422 : i1 to i32
        %add3A_424 = arith.addi %add3A_421, %convert_element_type3A_423 : i32
        %ge3A_425 = arith.cmpi sge, %add3A_361, %add3A_258 : i32
        %convert_element_type3A_426 = arith.extui %ge3A_425 : i1 to i32
        %add3A_427 = arith.addi %add3A_424, %convert_element_type3A_426 : i32
        %clamp3A = arith.constant 0 : i32
        %clamp3A_428 = arith.constant 4 : i32
        %clamp3A_429 = arith.maxsi %add3A_427, %clamp3A : i32
        %clamp3A_430 = arith.minsi %clamp3A_429, %clamp3A_428 : i32
        %cond3A_431 = arith.constant 0 : i32
        %cond3A_432 = arith.cmpi ne, %clamp3A_430, %cond3A_431 : i32
        scf.if %cond3A_432 {
          %cond3A_433 = arith.constant 1 : i32
          %cond3A_434 = arith.subi %clamp3A_430, %cond3A_433 : i32
          %cond3A_435 = arith.constant 0 : i32
          %cond3A_436 = arith.cmpi ne, %cond3A_434, %cond3A_435 : i32
          scf.if %cond3A_436 {
            %cond3A_437 = arith.constant 1 : i32
            %cond3A_438 = arith.subi %cond3A_434, %cond3A_437 : i32
            %cond3A_439 = arith.constant 0 : i32
            %cond3A_440 = arith.cmpi ne, %cond3A_438, %cond3A_439 : i32
            scf.if %cond3A_440 {
              %cond3A_441 = arith.constant 1 : i32
              %cond3A_442 = arith.subi %cond3A_438, %cond3A_441 : i32
              %cond3A_443 = arith.constant 0 : i32
              %cond3A_444 = arith.cmpi ne, %cond3A_442, %cond3A_443 : i32
              scf.if %cond3A_444 {
                %sub3A_445 = arith.subi %add3A_361, %add3A_258 : i32
                %mul3A_446 = arith.constant 16 : i32
                %mul3A_447 = arith.muli %sub3A_445, %mul3A_446 : i32
                %get3A_448 = arith.index_cast %mul3A_447 : i32 to index
                %get3A_449 = tpu.vector_load %arg14[%get3A_448] {strides = array<i32>} : memref<1040xi32, #tpu.memory_space<vmem>>, vector<16xi32>,
                %mul3A_450 = arith.constant 16 : i32
                %mul3A_451 = arith.muli %sub3A_445, %mul3A_450 : i32
                %get3A_452 = arith.index_cast %mul3A_451 : i32 to index
                %get3A_453 = tpu.vector_load %arg19[%get3A_452] {strides = array<i32>} : memref<1040xi32, #tpu.memory_space<vmem>>, vector<16xi32>,
                %masked_sort3A = arith.constant dense<true> : vector<16xi1>
                %masked_sort3A_454 = arith.constant -2147483648 : i32
                %masked_sort3A_455 = vector.broadcast %masked_sort3A_454 : i32 to vector<16xi32>
                %masked_sort3A_456 = arith.xori %get3A_449, %masked_sort3A_455 : vector<16xi32>
                %masked_sort3A_457, %masked_sort3A_458, %masked_sort3A_459 = tpu.sort %masked_sort3A_456, %get3A_453 masked %masked_sort3A : (vector<16xi32>, vector<16xi32>, vector<16xi1>) -> (vector<16xi1>, vector<16xi32>, vector<16xi32>)
                %masked_sort3A_460 = arith.xori %masked_sort3A_458, %masked_sort3A_455 : vector<16xi32>
                %swap3A_461 = arith.constant 0 : index
                %swap3A_462 = tpu.vector_load %arg22[%swap3A_461] {strides = array<i32>} : memref<16xi32, #tpu.memory_space<vmem>>, vector<16xi32>,
                tpu.vector_store %arg22[%swap3A_461], %masked_sort3A_460 {strides = array<i32>} : memref<16xi32, #tpu.memory_space<vmem>>, vector<16xi32>,
                %swap3A_463 = arith.constant 0 : index
                %swap3A_464 = tpu.vector_load %arg26[%swap3A_463] {strides = array<i32>} : memref<16xi32, #tpu.memory_space<vmem>>, vector<16xi32>,
                tpu.vector_store %arg26[%swap3A_463], %masked_sort3A_459 {strides = array<i32>} : memref<16xi32, #tpu.memory_space<vmem>>, vector<16xi32>,
                %dma_start3A = arith.constant 0 : i32
                %dma_start3A_465 = arith.constant 0 : i32
                %dma_start3A_466 = tpu.memref_slice %arg7[%dma_start3A, %dma_start3A_465] : memref<12000x1024xf32, #tpu.memory_space<hbm>> -> memref<12000x1024xf32, #tpu.memory_space<hbm>>
                tpu.enqueue_indirect_dma source(%dma_start3A_466 : memref<12000x1024xf32, #tpu.memory_space<hbm>>) target(%arg30 : memref<16x1024xf32, #tpu.memory_space<vmem>>) offsets(%arg22 : memref<16xi32, #tpu.memory_space<vmem>>) semaphore(%arg34 : memref<!tpu.dma_semaphore, #tpu.memory_space<semaphore_mem>>)
              } else {
                %sub3A_445 = arith.subi %add3A_361, %add3A_257 : i32
                %mul3A_446 = arith.constant 16 : i32
                %mul3A_447 = arith.muli %sub3A_445, %mul3A_446 : i32
                %get3A_448 = arith.index_cast %mul3A_447 : i32 to index
                %get3A_449 = tpu.vector_load %arg13[%get3A_448] {strides = array<i32>} : memref<1040xi32, #tpu.memory_space<vmem>>, vector<16xi32>,
                %mul3A_450 = arith.constant 16 : i32
                %mul3A_451 = arith.muli %sub3A_445, %mul3A_450 : i32
                %get3A_452 = arith.index_cast %mul3A_451 : i32 to index
                %get3A_453 = tpu.vector_load %arg18[%get3A_452] {strides = array<i32>} : memref<1040xi32, #tpu.memory_space<vmem>>, vector<16xi32>,
                %masked_sort3A = arith.constant dense<true> : vector<16xi1>
                %masked_sort3A_454 = arith.constant -2147483648 : i32
                %masked_sort3A_455 = vector.broadcast %masked_sort3A_454 : i32 to vector<16xi32>
                %masked_sort3A_456 = arith.xori %get3A_449, %masked_sort3A_455 : vector<16xi32>
                %masked_sort3A_457, %masked_sort3A_458, %masked_sort3A_459 = tpu.sort %masked_sort3A_456, %get3A_453 masked %masked_sort3A : (vector<16xi32>, vector<16xi32>, vector<16xi1>) -> (vector<16xi1>, vector<16xi32>, vector<16xi32>)
                %masked_sort3A_460 = arith.xori %masked_sort3A_458, %masked_sort3A_455 : vector<16xi32>
                %swap3A_461 = arith.constant 0 : index
                %swap3A_462 = tpu.vector_load %arg22[%swap3A_461] {strides = array<i32>} : memref<16xi32, #tpu.memory_space<vmem>>, vector<16xi32>,
                tpu.vector_store %arg22[%swap3A_461], %masked_sort3A_460 {strides = array<i32>} : memref<16xi32, #tpu.memory_space<vmem>>, vector<16xi32>,
                %swap3A_463 = arith.constant 0 : index
                %swap3A_464 = tpu.vector_load %arg26[%swap3A_463] {strides = array<i32>} : memref<16xi32, #tpu.memory_space<vmem>>, vector<16xi32>,
                tpu.vector_store %arg26[%swap3A_463], %masked_sort3A_459 {strides = array<i32>} : memref<16xi32, #tpu.memory_space<vmem>>, vector<16xi32>,
                %dma_start3A = arith.constant 0 : i32
                %dma_start3A_465 = arith.constant 0 : i32
                %dma_start3A_466 = tpu.memref_slice %arg6[%dma_start3A, %dma_start3A_465] : memref<5000x1024xf32, #tpu.memory_space<hbm>> -> memref<5000x1024xf32, #tpu.memory_space<hbm>>
                tpu.enqueue_indirect_dma source(%dma_start3A_466 : memref<5000x1024xf32, #tpu.memory_space<hbm>>) target(%arg30 : memref<16x1024xf32, #tpu.memory_space<vmem>>) offsets(%arg22 : memref<16xi32, #tpu.memory_space<vmem>>) semaphore(%arg34 : memref<!tpu.dma_semaphore, #tpu.memory_space<semaphore_mem>>)
              }
            } else {
              %sub3A_441 = arith.subi %add3A_361, %add3A_256 : i32
              %mul3A_442 = arith.constant 16 : i32
              %mul3A_443 = arith.muli %sub3A_441, %mul3A_442 : i32
              %get3A_444 = arith.index_cast %mul3A_443 : i32 to index
              %get3A_445 = tpu.vector_load %arg12[%get3A_444] {strides = array<i32>} : memref<1040xi32, #tpu.memory_space<vmem>>, vector<16xi32>,
              %mul3A_446 = arith.constant 16 : i32
              %mul3A_447 = arith.muli %sub3A_441, %mul3A_446 : i32
              %get3A_448 = arith.index_cast %mul3A_447 : i32 to index
              %get3A_449 = tpu.vector_load %arg17[%get3A_448] {strides = array<i32>} : memref<1040xi32, #tpu.memory_space<vmem>>, vector<16xi32>,
              %masked_sort3A = arith.constant dense<true> : vector<16xi1>
              %masked_sort3A_450 = arith.constant -2147483648 : i32
              %masked_sort3A_451 = vector.broadcast %masked_sort3A_450 : i32 to vector<16xi32>
              %masked_sort3A_452 = arith.xori %get3A_445, %masked_sort3A_451 : vector<16xi32>
              %masked_sort3A_453, %masked_sort3A_454, %masked_sort3A_455 = tpu.sort %masked_sort3A_452, %get3A_449 masked %masked_sort3A : (vector<16xi32>, vector<16xi32>, vector<16xi1>) -> (vector<16xi1>, vector<16xi32>, vector<16xi32>)
              %masked_sort3A_456 = arith.xori %masked_sort3A_454, %masked_sort3A_451 : vector<16xi32>
              %swap3A_457 = arith.constant 0 : index
              %swap3A_458 = tpu.vector_load %arg22[%swap3A_457] {strides = array<i32>} : memref<16xi32, #tpu.memory_space<vmem>>, vector<16xi32>,
              tpu.vector_store %arg22[%swap3A_457], %masked_sort3A_456 {strides = array<i32>} : memref<16xi32, #tpu.memory_space<vmem>>, vector<16xi32>,
              %swap3A_459 = arith.constant 0 : index
              %swap3A_460 = tpu.vector_load %arg26[%swap3A_459] {strides = array<i32>} : memref<16xi32, #tpu.memory_space<vmem>>, vector<16xi32>,
              tpu.vector_store %arg26[%swap3A_459], %masked_sort3A_455 {strides = array<i32>} : memref<16xi32, #tpu.memory_space<vmem>>, vector<16xi32>,
              %dma_start3A = arith.constant 0 : i32
              %dma_start3A_461 = arith.constant 0 : i32
              %dma_start3A_462 = tpu.memref_slice %arg5[%dma_start3A, %dma_start3A_461] : memref<1000x1024xf32, #tpu.memory_space<hbm>> -> memref<1000x1024xf32, #tpu.memory_space<hbm>>
              tpu.enqueue_indirect_dma source(%dma_start3A_462 : memref<1000x1024xf32, #tpu.memory_space<hbm>>) target(%arg30 : memref<16x1024xf32, #tpu.memory_space<vmem>>) offsets(%arg22 : memref<16xi32, #tpu.memory_space<vmem>>) semaphore(%arg34 : memref<!tpu.dma_semaphore, #tpu.memory_space<semaphore_mem>>)
            }
          } else {
            %sub3A_437 = arith.subi %add3A_361, %add3A_255 : i32
            %mul3A_438 = arith.constant 16 : i32
            %mul3A_439 = arith.muli %sub3A_437, %mul3A_438 : i32
            %get3A_440 = arith.index_cast %mul3A_439 : i32 to index
            %get3A_441 = tpu.vector_load %arg11[%get3A_440] {strides = array<i32>} : memref<1040xi32, #tpu.memory_space<vmem>>, vector<16xi32>,
            %mul3A_442 = arith.constant 16 : i32
            %mul3A_443 = arith.muli %sub3A_437, %mul3A_442 : i32
            %get3A_444 = arith.index_cast %mul3A_443 : i32 to index
            %get3A_445 = tpu.vector_load %arg16[%get3A_444] {strides = array<i32>} : memref<1040xi32, #tpu.memory_space<vmem>>, vector<16xi32>,
            %masked_sort3A = arith.constant dense<true> : vector<16xi1>
            %masked_sort3A_446 = arith.constant -2147483648 : i32
            %masked_sort3A_447 = vector.broadcast %masked_sort3A_446 : i32 to vector<16xi32>
            %masked_sort3A_448 = arith.xori %get3A_441, %masked_sort3A_447 : vector<16xi32>
            %masked_sort3A_449, %masked_sort3A_450, %masked_sort3A_451 = tpu.sort %masked_sort3A_448, %get3A_445 masked %masked_sort3A : (vector<16xi32>, vector<16xi32>, vector<16xi1>) -> (vector<16xi1>, vector<16xi32>, vector<16xi32>)
            %masked_sort3A_452 = arith.xori %masked_sort3A_450, %masked_sort3A_447 : vector<16xi32>
            %swap3A_453 = arith.constant 0 : index
            %swap3A_454 = tpu.vector_load %arg22[%swap3A_453] {strides = array<i32>} : memref<16xi32, #tpu.memory_space<vmem>>, vector<16xi32>,
            tpu.vector_store %arg22[%swap3A_453], %masked_sort3A_452 {strides = array<i32>} : memref<16xi32, #tpu.memory_space<vmem>>, vector<16xi32>,
            %swap3A_455 = arith.constant 0 : index
            %swap3A_456 = tpu.vector_load %arg26[%swap3A_455] {strides = array<i32>} : memref<16xi32, #tpu.memory_space<vmem>>, vector<16xi32>,
            tpu.vector_store %arg26[%swap3A_455], %masked_sort3A_451 {strides = array<i32>} : memref<16xi32, #tpu.memory_space<vmem>>, vector<16xi32>,
            %dma_start3A = arith.constant 0 : i32
            %dma_start3A_457 = arith.constant 0 : i32
            %dma_start3A_458 = tpu.memref_slice %arg4[%dma_start3A, %dma_start3A_457] : memref<10000x1024xf32, #tpu.memory_space<hbm>> -> memref<10000x1024xf32, #tpu.memory_space<hbm>>
            tpu.enqueue_indirect_dma source(%dma_start3A_458 : memref<10000x1024xf32, #tpu.memory_space<hbm>>) target(%arg30 : memref<16x1024xf32, #tpu.memory_space<vmem>>) offsets(%arg22 : memref<16xi32, #tpu.memory_space<vmem>>) semaphore(%arg34 : memref<!tpu.dma_semaphore, #tpu.memory_space<semaphore_mem>>)
          }
        } else {
          %sub3A_433 = arith.constant 0 : i32
          %sub3A_434 = arith.subi %add3A_361, %sub3A_433 : i32
          %mul3A_435 = arith.constant 16 : i32
          %mul3A_436 = arith.muli %sub3A_434, %mul3A_435 : i32
          %get3A_437 = arith.index_cast %mul3A_436 : i32 to index
          %get3A_438 = tpu.vector_load %arg10[%get3A_437] {strides = array<i32>} : memref<1040xi32, #tpu.memory_space<vmem>>, vector<16xi32>,
          %mul3A_439 = arith.constant 16 : i32
          %mul3A_440 = arith.muli %sub3A_434, %mul3A_439 : i32
          %get3A_441 = arith.index_cast %mul3A_440 : i32 to index
          %get3A_442 = tpu.vector_load %arg15[%get3A_441] {strides = array<i32>} : memref<1040xi32, #tpu.memory_space<vmem>>, vector<16xi32>,
          %masked_sort3A = arith.constant dense<true> : vector<16xi1>
          %masked_sort3A_443 = arith.constant -2147483648 : i32
          %masked_sort3A_444 = vector.broadcast %masked_sort3A_443 : i32 to vector<16xi32>
          %masked_sort3A_445 = arith.xori %get3A_438, %masked_sort3A_444 : vector<16xi32>
          %masked_sort3A_446, %masked_sort3A_447, %masked_sort3A_448 = tpu.sort %masked_sort3A_445, %get3A_442 masked %masked_sort3A : (vector<16xi32>, vector<16xi32>, vector<16xi1>) -> (vector<16xi1>, vector<16xi32>, vector<16xi32>)
          %masked_sort3A_449 = arith.xori %masked_sort3A_447, %masked_sort3A_444 : vector<16xi32>
          %swap3A_450 = arith.constant 0 : index
          %swap3A_451 = tpu.vector_load %arg22[%swap3A_450] {strides = array<i32>} : memref<16xi32, #tpu.memory_space<vmem>>, vector<16xi32>,
          tpu.vector_store %arg22[%swap3A_450], %masked_sort3A_449 {strides = array<i32>} : memref<16xi32, #tpu.memory_space<vmem>>, vector<16xi32>,
          %swap3A_452 = arith.constant 0 : index
          %swap3A_453 = tpu.vector_load %arg26[%swap3A_452] {strides = array<i32>} : memref<16xi32, #tpu.memory_space<vmem>>, vector<16xi32>,
          tpu.vector_store %arg26[%swap3A_452], %masked_sort3A_448 {strides = array<i32>} : memref<16xi32, #tpu.memory_space<vmem>>, vector<16xi32>,
          %dma_start3A = arith.constant 0 : i32
          %dma_start3A_454 = arith.constant 0 : i32
          %dma_start3A_455 = tpu.memref_slice %arg3[%dma_start3A, %dma_start3A_454] : memref<100000x1024xf32, #tpu.memory_space<hbm>> -> memref<100000x1024xf32, #tpu.memory_space<hbm>>
          tpu.enqueue_indirect_dma source(%dma_start3A_455 : memref<100000x1024xf32, #tpu.memory_space<hbm>>) target(%arg30 : memref<16x1024xf32, #tpu.memory_space<vmem>>) offsets(%arg22 : memref<16xi32, #tpu.memory_space<vmem>>) semaphore(%arg34 : memref<!tpu.dma_semaphore, #tpu.memory_space<semaphore_mem>>)
        }
      } else {
      }
      %mul3A_371 = arith.constant 4 : i32
      %mul3A_372 = arith.muli %while3A_332, %mul3A_371 : i32
      %add3A_373 = arith.constant 3 : i32
      %add3A_374 = arith.addi %mul3A_372, %add3A_373 : i32
      %gt3A_375 = arith.constant 0 : i32
      %gt3A_376 = arith.cmpi sgt, %while3A_332, %gt3A_375 : i32
      %convert_element_type3A_377 = arith.extui %gt3A_376 : i1 to i32
      %cond3A_378 = arith.constant 0 : i32
      %cond3A_379 = arith.cmpi ne, %convert_element_type3A_377, %cond3A_378 : i32
      scf.if %cond3A_379 {
        %dma_wait3A = arith.constant 0 : i32
        %dma_wait3A_416 = arith.constant 0 : i32
        %dma_wait3A_417 = tpu.memref_slice %arg8[%dma_wait3A, %dma_wait3A_416] : memref<32768x1024xf32, #tpu.memory_space<hbm>> -> memref<32768x1024xf32, #tpu.memory_space<hbm>>
        tpu.wait_indirect_dma semaphore(%arg39 : memref<!tpu.dma_semaphore, #tpu.memory_space<semaphore_mem>>) src(%arg31 : memref<16x1024xf32, #tpu.memory_space<vmem>>) dst(%dma_wait3A_417 : memref<32768x1024xf32, #tpu.memory_space<hbm>>)
      } else {
      }
      %lt3A_380 = arith.cmpi slt, %add3A_374, %add3A_259 : i32
      %convert_element_type3A_381 = arith.extui %lt3A_380 : i1 to i32
      %cond3A_382 = arith.constant 0 : i32
      %cond3A_383 = arith.cmpi ne, %convert_element_type3A_381, %cond3A_382 : i32
      scf.if %cond3A_383 {
        %ge3A = arith.cmpi sge, %add3A_374, %add3A_255 : i32
        %convert_element_type3A_416 = arith.extui %ge3A : i1 to i32
        %add3A_417 = arith.constant 0 : i32
        %add3A_418 = arith.addi %add3A_417, %convert_element_type3A_416 : i32
        %ge3A_419 = arith.cmpi sge, %add3A_374, %add3A_256 : i32
        %convert_element_type3A_420 = arith.extui %ge3A_419 : i1 to i32
        %add3A_421 = arith.addi %add3A_418, %convert_element_type3A_420 : i32
        %ge3A_422 = arith.cmpi sge, %add3A_374, %add3A_257 : i32
        %convert_element_type3A_423 = arith.extui %ge3A_422 : i1 to i32
        %add3A_424 = arith.addi %add3A_421, %convert_element_type3A_423 : i32
        %ge3A_425 = arith.cmpi sge, %add3A_374, %add3A_258 : i32
        %convert_element_type3A_426 = arith.extui %ge3A_425 : i1 to i32
        %add3A_427 = arith.addi %add3A_424, %convert_element_type3A_426 : i32
        %clamp3A = arith.constant 0 : i32
        %clamp3A_428 = arith.constant 4 : i32
        %clamp3A_429 = arith.maxsi %add3A_427, %clamp3A : i32
        %clamp3A_430 = arith.minsi %clamp3A_429, %clamp3A_428 : i32
        %cond3A_431 = arith.constant 0 : i32
        %cond3A_432 = arith.cmpi ne, %clamp3A_430, %cond3A_431 : i32
        scf.if %cond3A_432 {
          %cond3A_433 = arith.constant 1 : i32
          %cond3A_434 = arith.subi %clamp3A_430, %cond3A_433 : i32
          %cond3A_435 = arith.constant 0 : i32
          %cond3A_436 = arith.cmpi ne, %cond3A_434, %cond3A_435 : i32
          scf.if %cond3A_436 {
            %cond3A_437 = arith.constant 1 : i32
            %cond3A_438 = arith.subi %cond3A_434, %cond3A_437 : i32
            %cond3A_439 = arith.constant 0 : i32
            %cond3A_440 = arith.cmpi ne, %cond3A_438, %cond3A_439 : i32
            scf.if %cond3A_440 {
              %cond3A_441 = arith.constant 1 : i32
              %cond3A_442 = arith.subi %cond3A_438, %cond3A_441 : i32
              %cond3A_443 = arith.constant 0 : i32
              %cond3A_444 = arith.cmpi ne, %cond3A_442, %cond3A_443 : i32
              scf.if %cond3A_444 {
                %sub3A_445 = arith.subi %add3A_374, %add3A_258 : i32
                %mul3A_446 = arith.constant 16 : i32
                %mul3A_447 = arith.muli %sub3A_445, %mul3A_446 : i32
                %get3A_448 = arith.index_cast %mul3A_447 : i32 to index
                %get3A_449 = tpu.vector_load %arg14[%get3A_448] {strides = array<i32>} : memref<1040xi32, #tpu.memory_space<vmem>>, vector<16xi32>,
                %mul3A_450 = arith.constant 16 : i32
                %mul3A_451 = arith.muli %sub3A_445, %mul3A_450 : i32
                %get3A_452 = arith.index_cast %mul3A_451 : i32 to index
                %get3A_453 = tpu.vector_load %arg19[%get3A_452] {strides = array<i32>} : memref<1040xi32, #tpu.memory_space<vmem>>, vector<16xi32>,
                %masked_sort3A = arith.constant dense<true> : vector<16xi1>
                %masked_sort3A_454 = arith.constant -2147483648 : i32
                %masked_sort3A_455 = vector.broadcast %masked_sort3A_454 : i32 to vector<16xi32>
                %masked_sort3A_456 = arith.xori %get3A_449, %masked_sort3A_455 : vector<16xi32>
                %masked_sort3A_457, %masked_sort3A_458, %masked_sort3A_459 = tpu.sort %masked_sort3A_456, %get3A_453 masked %masked_sort3A : (vector<16xi32>, vector<16xi32>, vector<16xi1>) -> (vector<16xi1>, vector<16xi32>, vector<16xi32>)
                %masked_sort3A_460 = arith.xori %masked_sort3A_458, %masked_sort3A_455 : vector<16xi32>
                %swap3A_461 = arith.constant 0 : index
                %swap3A_462 = tpu.vector_load %arg23[%swap3A_461] {strides = array<i32>} : memref<16xi32, #tpu.memory_space<vmem>>, vector<16xi32>,
                tpu.vector_store %arg23[%swap3A_461], %masked_sort3A_460 {strides = array<i32>} : memref<16xi32, #tpu.memory_space<vmem>>, vector<16xi32>,
                %swap3A_463 = arith.constant 0 : index
                %swap3A_464 = tpu.vector_load %arg27[%swap3A_463] {strides = array<i32>} : memref<16xi32, #tpu.memory_space<vmem>>, vector<16xi32>,
                tpu.vector_store %arg27[%swap3A_463], %masked_sort3A_459 {strides = array<i32>} : memref<16xi32, #tpu.memory_space<vmem>>, vector<16xi32>,
                %dma_start3A = arith.constant 0 : i32
                %dma_start3A_465 = arith.constant 0 : i32
                %dma_start3A_466 = tpu.memref_slice %arg7[%dma_start3A, %dma_start3A_465] : memref<12000x1024xf32, #tpu.memory_space<hbm>> -> memref<12000x1024xf32, #tpu.memory_space<hbm>>
                tpu.enqueue_indirect_dma source(%dma_start3A_466 : memref<12000x1024xf32, #tpu.memory_space<hbm>>) target(%arg31 : memref<16x1024xf32, #tpu.memory_space<vmem>>) offsets(%arg23 : memref<16xi32, #tpu.memory_space<vmem>>) semaphore(%arg35 : memref<!tpu.dma_semaphore, #tpu.memory_space<semaphore_mem>>)
              } else {
                %sub3A_445 = arith.subi %add3A_374, %add3A_257 : i32
                %mul3A_446 = arith.constant 16 : i32
                %mul3A_447 = arith.muli %sub3A_445, %mul3A_446 : i32
                %get3A_448 = arith.index_cast %mul3A_447 : i32 to index
                %get3A_449 = tpu.vector_load %arg13[%get3A_448] {strides = array<i32>} : memref<1040xi32, #tpu.memory_space<vmem>>, vector<16xi32>,
                %mul3A_450 = arith.constant 16 : i32
                %mul3A_451 = arith.muli %sub3A_445, %mul3A_450 : i32
                %get3A_452 = arith.index_cast %mul3A_451 : i32 to index
                %get3A_453 = tpu.vector_load %arg18[%get3A_452] {strides = array<i32>} : memref<1040xi32, #tpu.memory_space<vmem>>, vector<16xi32>,
                %masked_sort3A = arith.constant dense<true> : vector<16xi1>
                %masked_sort3A_454 = arith.constant -2147483648 : i32
                %masked_sort3A_455 = vector.broadcast %masked_sort3A_454 : i32 to vector<16xi32>
                %masked_sort3A_456 = arith.xori %get3A_449, %masked_sort3A_455 : vector<16xi32>
                %masked_sort3A_457, %masked_sort3A_458, %masked_sort3A_459 = tpu.sort %masked_sort3A_456, %get3A_453 masked %masked_sort3A : (vector<16xi32>, vector<16xi32>, vector<16xi1>) -> (vector<16xi1>, vector<16xi32>, vector<16xi32>)
                %masked_sort3A_460 = arith.xori %masked_sort3A_458, %masked_sort3A_455 : vector<16xi32>
                %swap3A_461 = arith.constant 0 : index
                %swap3A_462 = tpu.vector_load %arg23[%swap3A_461] {strides = array<i32>} : memref<16xi32, #tpu.memory_space<vmem>>, vector<16xi32>,
                tpu.vector_store %arg23[%swap3A_461], %masked_sort3A_460 {strides = array<i32>} : memref<16xi32, #tpu.memory_space<vmem>>, vector<16xi32>,
                %swap3A_463 = arith.constant 0 : index
                %swap3A_464 = tpu.vector_load %arg27[%swap3A_463] {strides = array<i32>} : memref<16xi32, #tpu.memory_space<vmem>>, vector<16xi32>,
                tpu.vector_store %arg27[%swap3A_463], %masked_sort3A_459 {strides = array<i32>} : memref<16xi32, #tpu.memory_space<vmem>>, vector<16xi32>,
                %dma_start3A = arith.constant 0 : i32
                %dma_start3A_465 = arith.constant 0 : i32
                %dma_start3A_466 = tpu.memref_slice %arg6[%dma_start3A, %dma_start3A_465] : memref<5000x1024xf32, #tpu.memory_space<hbm>> -> memref<5000x1024xf32, #tpu.memory_space<hbm>>
                tpu.enqueue_indirect_dma source(%dma_start3A_466 : memref<5000x1024xf32, #tpu.memory_space<hbm>>) target(%arg31 : memref<16x1024xf32, #tpu.memory_space<vmem>>) offsets(%arg23 : memref<16xi32, #tpu.memory_space<vmem>>) semaphore(%arg35 : memref<!tpu.dma_semaphore, #tpu.memory_space<semaphore_mem>>)
              }
            } else {
              %sub3A_441 = arith.subi %add3A_374, %add3A_256 : i32
              %mul3A_442 = arith.constant 16 : i32
              %mul3A_443 = arith.muli %sub3A_441, %mul3A_442 : i32
              %get3A_444 = arith.index_cast %mul3A_443 : i32 to index
              %get3A_445 = tpu.vector_load %arg12[%get3A_444] {strides = array<i32>} : memref<1040xi32, #tpu.memory_space<vmem>>, vector<16xi32>,
              %mul3A_446 = arith.constant 16 : i32
              %mul3A_447 = arith.muli %sub3A_441, %mul3A_446 : i32
              %get3A_448 = arith.index_cast %mul3A_447 : i32 to index
              %get3A_449 = tpu.vector_load %arg17[%get3A_448] {strides = array<i32>} : memref<1040xi32, #tpu.memory_space<vmem>>, vector<16xi32>,
              %masked_sort3A = arith.constant dense<true> : vector<16xi1>
              %masked_sort3A_450 = arith.constant -2147483648 : i32
              %masked_sort3A_451 = vector.broadcast %masked_sort3A_450 : i32 to vector<16xi32>
              %masked_sort3A_452 = arith.xori %get3A_445, %masked_sort3A_451 : vector<16xi32>
              %masked_sort3A_453, %masked_sort3A_454, %masked_sort3A_455 = tpu.sort %masked_sort3A_452, %get3A_449 masked %masked_sort3A : (vector<16xi32>, vector<16xi32>, vector<16xi1>) -> (vector<16xi1>, vector<16xi32>, vector<16xi32>)
              %masked_sort3A_456 = arith.xori %masked_sort3A_454, %masked_sort3A_451 : vector<16xi32>
              %swap3A_457 = arith.constant 0 : index
              %swap3A_458 = tpu.vector_load %arg23[%swap3A_457] {strides = array<i32>} : memref<16xi32, #tpu.memory_space<vmem>>, vector<16xi32>,
              tpu.vector_store %arg23[%swap3A_457], %masked_sort3A_456 {strides = array<i32>} : memref<16xi32, #tpu.memory_space<vmem>>, vector<16xi32>,
              %swap3A_459 = arith.constant 0 : index
              %swap3A_460 = tpu.vector_load %arg27[%swap3A_459] {strides = array<i32>} : memref<16xi32, #tpu.memory_space<vmem>>, vector<16xi32>,
              tpu.vector_store %arg27[%swap3A_459], %masked_sort3A_455 {strides = array<i32>} : memref<16xi32, #tpu.memory_space<vmem>>, vector<16xi32>,
              %dma_start3A = arith.constant 0 : i32
              %dma_start3A_461 = arith.constant 0 : i32
              %dma_start3A_462 = tpu.memref_slice %arg5[%dma_start3A, %dma_start3A_461] : memref<1000x1024xf32, #tpu.memory_space<hbm>> -> memref<1000x1024xf32, #tpu.memory_space<hbm>>
              tpu.enqueue_indirect_dma source(%dma_start3A_462 : memref<1000x1024xf32, #tpu.memory_space<hbm>>) target(%arg31 : memref<16x1024xf32, #tpu.memory_space<vmem>>) offsets(%arg23 : memref<16xi32, #tpu.memory_space<vmem>>) semaphore(%arg35 : memref<!tpu.dma_semaphore, #tpu.memory_space<semaphore_mem>>)
            }
          } else {
            %sub3A_437 = arith.subi %add3A_374, %add3A_255 : i32
            %mul3A_438 = arith.constant 16 : i32
            %mul3A_439 = arith.muli %sub3A_437, %mul3A_438 : i32
            %get3A_440 = arith.index_cast %mul3A_439 : i32 to index
            %get3A_441 = tpu.vector_load %arg11[%get3A_440] {strides = array<i32>} : memref<1040xi32, #tpu.memory_space<vmem>>, vector<16xi32>,
            %mul3A_442 = arith.constant 16 : i32
            %mul3A_443 = arith.muli %sub3A_437, %mul3A_442 : i32
            %get3A_444 = arith.index_cast %mul3A_443 : i32 to index
            %get3A_445 = tpu.vector_load %arg16[%get3A_444] {strides = array<i32>} : memref<1040xi32, #tpu.memory_space<vmem>>, vector<16xi32>,
            %masked_sort3A = arith.constant dense<true> : vector<16xi1>
            %masked_sort3A_446 = arith.constant -2147483648 : i32
            %masked_sort3A_447 = vector.broadcast %masked_sort3A_446 : i32 to vector<16xi32>
            %masked_sort3A_448 = arith.xori %get3A_441, %masked_sort3A_447 : vector<16xi32>
            %masked_sort3A_449, %masked_sort3A_450, %masked_sort3A_451 = tpu.sort %masked_sort3A_448, %get3A_445 masked %masked_sort3A : (vector<16xi32>, vector<16xi32>, vector<16xi1>) -> (vector<16xi1>, vector<16xi32>, vector<16xi32>)
            %masked_sort3A_452 = arith.xori %masked_sort3A_450, %masked_sort3A_447 : vector<16xi32>
            %swap3A_453 = arith.constant 0 : index
            %swap3A_454 = tpu.vector_load %arg23[%swap3A_453] {strides = array<i32>} : memref<16xi32, #tpu.memory_space<vmem>>, vector<16xi32>,
            tpu.vector_store %arg23[%swap3A_453], %masked_sort3A_452 {strides = array<i32>} : memref<16xi32, #tpu.memory_space<vmem>>, vector<16xi32>,
            %swap3A_455 = arith.constant 0 : index
            %swap3A_456 = tpu.vector_load %arg27[%swap3A_455] {strides = array<i32>} : memref<16xi32, #tpu.memory_space<vmem>>, vector<16xi32>,
            tpu.vector_store %arg27[%swap3A_455], %masked_sort3A_451 {strides = array<i32>} : memref<16xi32, #tpu.memory_space<vmem>>, vector<16xi32>,
            %dma_start3A = arith.constant 0 : i32
            %dma_start3A_457 = arith.constant 0 : i32
            %dma_start3A_458 = tpu.memref_slice %arg4[%dma_start3A, %dma_start3A_457] : memref<10000x1024xf32, #tpu.memory_space<hbm>> -> memref<10000x1024xf32, #tpu.memory_space<hbm>>
            tpu.enqueue_indirect_dma source(%dma_start3A_458 : memref<10000x1024xf32, #tpu.memory_space<hbm>>) target(%arg31 : memref<16x1024xf32, #tpu.memory_space<vmem>>) offsets(%arg23 : memref<16xi32, #tpu.memory_space<vmem>>) semaphore(%arg35 : memref<!tpu.dma_semaphore, #tpu.memory_space<semaphore_mem>>)
          }
        } else {
          %sub3A_433 = arith.constant 0 : i32
          %sub3A_434 = arith.subi %add3A_374, %sub3A_433 : i32
          %mul3A_435 = arith.constant 16 : i32
          %mul3A_436 = arith.muli %sub3A_434, %mul3A_435 : i32
          %get3A_437 = arith.index_cast %mul3A_436 : i32 to index
          %get3A_438 = tpu.vector_load %arg10[%get3A_437] {strides = array<i32>} : memref<1040xi32, #tpu.memory_space<vmem>>, vector<16xi32>,
          %mul3A_439 = arith.constant 16 : i32
          %mul3A_440 = arith.muli %sub3A_434, %mul3A_439 : i32
          %get3A_441 = arith.index_cast %mul3A_440 : i32 to index
          %get3A_442 = tpu.vector_load %arg15[%get3A_441] {strides = array<i32>} : memref<1040xi32, #tpu.memory_space<vmem>>, vector<16xi32>,
          %masked_sort3A = arith.constant dense<true> : vector<16xi1>
          %masked_sort3A_443 = arith.constant -2147483648 : i32
          %masked_sort3A_444 = vector.broadcast %masked_sort3A_443 : i32 to vector<16xi32>
          %masked_sort3A_445 = arith.xori %get3A_438, %masked_sort3A_444 : vector<16xi32>
          %masked_sort3A_446, %masked_sort3A_447, %masked_sort3A_448 = tpu.sort %masked_sort3A_445, %get3A_442 masked %masked_sort3A : (vector<16xi32>, vector<16xi32>, vector<16xi1>) -> (vector<16xi1>, vector<16xi32>, vector<16xi32>)
          %masked_sort3A_449 = arith.xori %masked_sort3A_447, %masked_sort3A_444 : vector<16xi32>
          %swap3A_450 = arith.constant 0 : index
          %swap3A_451 = tpu.vector_load %arg23[%swap3A_450] {strides = array<i32>} : memref<16xi32, #tpu.memory_space<vmem>>, vector<16xi32>,
          tpu.vector_store %arg23[%swap3A_450], %masked_sort3A_449 {strides = array<i32>} : memref<16xi32, #tpu.memory_space<vmem>>, vector<16xi32>,
          %swap3A_452 = arith.constant 0 : index
          %swap3A_453 = tpu.vector_load %arg27[%swap3A_452] {strides = array<i32>} : memref<16xi32, #tpu.memory_space<vmem>>, vector<16xi32>,
          tpu.vector_store %arg27[%swap3A_452], %masked_sort3A_448 {strides = array<i32>} : memref<16xi32, #tpu.memory_space<vmem>>, vector<16xi32>,
          %dma_start3A = arith.constant 0 : i32
          %dma_start3A_454 = arith.constant 0 : i32
          %dma_start3A_455 = tpu.memref_slice %arg3[%dma_start3A, %dma_start3A_454] : memref<100000x1024xf32, #tpu.memory_space<hbm>> -> memref<100000x1024xf32, #tpu.memory_space<hbm>>
          tpu.enqueue_indirect_dma source(%dma_start3A_455 : memref<100000x1024xf32, #tpu.memory_space<hbm>>) target(%arg31 : memref<16x1024xf32, #tpu.memory_space<vmem>>) offsets(%arg23 : memref<16xi32, #tpu.memory_space<vmem>>) semaphore(%arg35 : memref<!tpu.dma_semaphore, #tpu.memory_space<semaphore_mem>>)
        }
      } else {
      }
      %mul3A_384 = arith.constant 4 : i32
      %mul3A_385 = arith.muli %while3A_332, %mul3A_384 : i32
      %add3A_386 = arith.constant 0 : i32
      %add3A_387 = arith.addi %mul3A_385, %add3A_386 : i32
      %lt3A_388 = arith.cmpi slt, %add3A_387, %add3A_259 : i32
      %convert_element_type3A_389 = arith.extui %lt3A_388 : i1 to i32
      %cond3A_390 = arith.constant 0 : i32
      %cond3A_391 = arith.cmpi ne, %convert_element_type3A_389, %cond3A_390 : i32
      scf.if %cond3A_391 {
        %dma_wait3A = arith.constant 0 : i32
        %dma_wait3A_416 = arith.constant 0 : i32
        %dma_wait3A_417 = tpu.memref_slice %arg3[%dma_wait3A, %dma_wait3A_416] : memref<100000x1024xf32, #tpu.memory_space<hbm>> -> memref<100000x1024xf32, #tpu.memory_space<hbm>>
        tpu.wait_indirect_dma semaphore(%arg32 : memref<!tpu.dma_semaphore, #tpu.memory_space<semaphore_mem>>) src(%dma_wait3A_417 : memref<100000x1024xf32, #tpu.memory_space<hbm>>) dst(%arg28 : memref<16x1024xf32, #tpu.memory_space<vmem>>)
        %dma_start3A = arith.constant 0 : i32
        %dma_start3A_418 = arith.constant 0 : i32
        %dma_start3A_419 = tpu.memref_slice %arg8[%dma_start3A, %dma_start3A_418] : memref<32768x1024xf32, #tpu.memory_space<hbm>> -> memref<32768x1024xf32, #tpu.memory_space<hbm>>
        tpu.enqueue_indirect_dma source(%arg28 : memref<16x1024xf32, #tpu.memory_space<vmem>>) target(%dma_start3A_419 : memref<32768x1024xf32, #tpu.memory_space<hbm>>) offsets(%arg24 : memref<16xi32, #tpu.memory_space<vmem>>) semaphore(%arg36 : memref<!tpu.dma_semaphore, #tpu.memory_space<semaphore_mem>>)
      } else {
      }
      %mul3A_392 = arith.constant 4 : i32
      %mul3A_393 = arith.muli %while3A_332, %mul3A_392 : i32
      %add3A_394 = arith.constant 1 : i32
      %add3A_395 = arith.addi %mul3A_393, %add3A_394 : i32
      %lt3A_396 = arith.cmpi slt, %add3A_395, %add3A_259 : i32
      %convert_element_type3A_397 = arith.extui %lt3A_396 : i1 to i32
      %cond3A_398 = arith.constant 0 : i32
      %cond3A_399 = arith.cmpi ne, %convert_element_type3A_397, %cond3A_398 : i32
      scf.if %cond3A_399 {
        %dma_wait3A = arith.constant 0 : i32
        %dma_wait3A_416 = arith.constant 0 : i32
        %dma_wait3A_417 = tpu.memref_slice %arg3[%dma_wait3A, %dma_wait3A_416] : memref<100000x1024xf32, #tpu.memory_space<hbm>> -> memref<100000x1024xf32, #tpu.memory_space<hbm>>
        tpu.wait_indirect_dma semaphore(%arg33 : memref<!tpu.dma_semaphore, #tpu.memory_space<semaphore_mem>>) src(%dma_wait3A_417 : memref<100000x1024xf32, #tpu.memory_space<hbm>>) dst(%arg29 : memref<16x1024xf32, #tpu.memory_space<vmem>>)
        %dma_start3A = arith.constant 0 : i32
        %dma_start3A_418 = arith.constant 0 : i32
        %dma_start3A_419 = tpu.memref_slice %arg8[%dma_start3A, %dma_start3A_418] : memref<32768x1024xf32, #tpu.memory_space<hbm>> -> memref<32768x1024xf32, #tpu.memory_space<hbm>>
        tpu.enqueue_indirect_dma source(%arg29 : memref<16x1024xf32, #tpu.memory_space<vmem>>) target(%dma_start3A_419 : memref<32768x1024xf32, #tpu.memory_space<hbm>>) offsets(%arg25 : memref<16xi32, #tpu.memory_space<vmem>>) semaphore(%arg37 : memref<!tpu.dma_semaphore, #tpu.memory_space<semaphore_mem>>)
      } else {
      }
      %mul3A_400 = arith.constant 4 : i32
      %mul3A_401 = arith.muli %while3A_332, %mul3A_400 : i32
      %add3A_402 = arith.constant 2 : i32
      %add3A_403 = arith.addi %mul3A_401, %add3A_402 : i32
      %lt3A_404 = arith.cmpi slt, %add3A_403, %add3A_259 : i32
      %convert_element_type3A_405 = arith.extui %lt3A_404 : i1 to i32
      %cond3A_406 = arith.constant 0 : i32
      %cond3A_407 = arith.cmpi ne, %convert_element_type3A_405, %cond3A_406 : i32
      scf.if %cond3A_407 {
        %dma_wait3A = arith.constant 0 : i32
        %dma_wait3A_416 = arith.constant 0 : i32
        %dma_wait3A_417 = tpu.memref_slice %arg3[%dma_wait3A, %dma_wait3A_416] : memref<100000x1024xf32, #tpu.memory_space<hbm>> -> memref<100000x1024xf32, #tpu.memory_space<hbm>>
        tpu.wait_indirect_dma semaphore(%arg34 : memref<!tpu.dma_semaphore, #tpu.memory_space<semaphore_mem>>) src(%dma_wait3A_417 : memref<100000x1024xf32, #tpu.memory_space<hbm>>) dst(%arg30 : memref<16x1024xf32, #tpu.memory_space<vmem>>)
        %dma_start3A = arith.constant 0 : i32
        %dma_start3A_418 = arith.constant 0 : i32
        %dma_start3A_419 = tpu.memref_slice %arg8[%dma_start3A, %dma_start3A_418] : memref<32768x1024xf32, #tpu.memory_space<hbm>> -> memref<32768x1024xf32, #tpu.memory_space<hbm>>
        tpu.enqueue_indirect_dma source(%arg30 : memref<16x1024xf32, #tpu.memory_space<vmem>>) target(%dma_start3A_419 : memref<32768x1024xf32, #tpu.memory_space<hbm>>) offsets(%arg26 : memref<16xi32, #tpu.memory_space<vmem>>) semaphore(%arg38 : memref<!tpu.dma_semaphore, #tpu.memory_space<semaphore_mem>>)
      } else {
      }
      %mul3A_408 = arith.constant 4 : i32
      %mul3A_409 = arith.muli %while3A_332, %mul3A_408 : i32
      %add3A_410 = arith.constant 3 : i32
      %add3A_411 = arith.addi %mul3A_409, %add3A_410 : i32
      %lt3A_412 = arith.cmpi slt, %add3A_411, %add3A_259 : i32
      %convert_element_type3A_413 = arith.extui %lt3A_412 : i1 to i32
      %cond3A_414 = arith.constant 0 : i32
      %cond3A_415 = arith.cmpi ne, %convert_element_type3A_413, %cond3A_414 : i32
      scf.if %cond3A_415 {
        %dma_wait3A = arith.constant 0 : i32
        %dma_wait3A_416 = arith.constant 0 : i32
        %dma_wait3A_417 = tpu.memref_slice %arg3[%dma_wait3A, %dma_wait3A_416] : memref<100000x1024xf32, #tpu.memory_space<hbm>> -> memref<100000x1024xf32, #tpu.memory_space<hbm>>
        tpu.wait_indirect_dma semaphore(%arg35 : memref<!tpu.dma_semaphore, #tpu.memory_space<semaphore_mem>>) src(%dma_wait3A_417 : memref<100000x1024xf32, #tpu.memory_space<hbm>>) dst(%arg31 : memref<16x1024xf32, #tpu.memory_space<vmem>>)
        %dma_start3A = arith.constant 0 : i32
        %dma_start3A_418 = arith.constant 0 : i32
        %dma_start3A_419 = tpu.memref_slice %arg8[%dma_start3A, %dma_start3A_418] : memref<32768x1024xf32, #tpu.memory_space<hbm>> -> memref<32768x1024xf32, #tpu.memory_space<hbm>>
        tpu.enqueue_indirect_dma source(%arg31 : memref<16x1024xf32, #tpu.memory_space<vmem>>) target(%dma_start3A_419 : memref<32768x1024xf32, #tpu.memory_space<hbm>>) offsets(%arg27 : memref<16xi32, #tpu.memory_space<vmem>>) semaphore(%arg39 : memref<!tpu.dma_semaphore, #tpu.memory_space<semaphore_mem>>)
      } else {
      }
    }
    %while3A_294 = arith.constant 1 : i32
    scf.for %while3A_332 = %while3A_292 to %while3A_288 step %while3A_294  : i32 {
      %mul3A_333 = arith.constant 4 : i32
      %mul3A_334 = arith.muli %while3A_332, %mul3A_333 : i32
      %add3A_335 = arith.constant 0 : i32
      %add3A_336 = arith.addi %mul3A_334, %add3A_335 : i32
      %gt3A = arith.constant 0 : i32
      %gt3A_337 = arith.cmpi sgt, %while3A_332, %gt3A : i32
      %convert_element_type3A_338 = arith.extui %gt3A_337 : i1 to i32
      %cond3A_339 = arith.constant 0 : i32
      %cond3A_340 = arith.cmpi ne, %convert_element_type3A_338, %cond3A_339 : i32
      scf.if %cond3A_340 {
        %dma_wait3A = arith.constant 0 : i32
        %dma_wait3A_416 = arith.constant 0 : i32
        %dma_wait3A_417 = tpu.memref_slice %arg8[%dma_wait3A, %dma_wait3A_416] : memref<32768x1024xf32, #tpu.memory_space<hbm>> -> memref<32768x1024xf32, #tpu.memory_space<hbm>>
        tpu.wait_indirect_dma semaphore(%arg36 : memref<!tpu.dma_semaphore, #tpu.memory_space<semaphore_mem>>) src(%arg28 : memref<16x1024xf32, #tpu.memory_space<vmem>>) dst(%dma_wait3A_417 : memref<32768x1024xf32, #tpu.memory_space<hbm>>)
      } else {
      }
      %lt3A_341 = arith.cmpi slt, %add3A_336, %add3A_259 : i32
      %convert_element_type3A_342 = arith.extui %lt3A_341 : i1 to i32
      %cond3A_343 = arith.constant 0 : i32
      %cond3A_344 = arith.cmpi ne, %convert_element_type3A_342, %cond3A_343 : i32
      scf.if %cond3A_344 {
        %ge3A = arith.cmpi sge, %add3A_336, %add3A_255 : i32
        %convert_element_type3A_416 = arith.extui %ge3A : i1 to i32
        %add3A_417 = arith.constant 0 : i32
        %add3A_418 = arith.addi %add3A_417, %convert_element_type3A_416 : i32
        %ge3A_419 = arith.cmpi sge, %add3A_336, %add3A_256 : i32
        %convert_element_type3A_420 = arith.extui %ge3A_419 : i1 to i32
        %add3A_421 = arith.addi %add3A_418, %convert_element_type3A_420 : i32
        %ge3A_422 = arith.cmpi sge, %add3A_336, %add3A_257 : i32
        %convert_element_type3A_423 = arith.extui %ge3A_422 : i1 to i32
        %add3A_424 = arith.addi %add3A_421, %convert_element_type3A_423 : i32
        %ge3A_425 = arith.cmpi sge, %add3A_336, %add3A_258 : i32
        %convert_element_type3A_426 = arith.extui %ge3A_425 : i1 to i32
        %add3A_427 = arith.addi %add3A_424, %convert_element_type3A_426 : i32
        %clamp3A = arith.constant 0 : i32
        %clamp3A_428 = arith.constant 4 : i32
        %clamp3A_429 = arith.maxsi %add3A_427, %clamp3A : i32
        %clamp3A_430 = arith.minsi %clamp3A_429, %clamp3A_428 : i32
        %cond3A_431 = arith.constant 0 : i32
        %cond3A_432 = arith.cmpi ne, %clamp3A_430, %cond3A_431 : i32
        scf.if %cond3A_432 {
          %cond3A_433 = arith.constant 1 : i32
          %cond3A_434 = arith.subi %clamp3A_430, %cond3A_433 : i32
          %cond3A_435 = arith.constant 0 : i32
          %cond3A_436 = arith.cmpi ne, %cond3A_434, %cond3A_435 : i32
          scf.if %cond3A_436 {
            %cond3A_437 = arith.constant 1 : i32
            %cond3A_438 = arith.subi %cond3A_434, %cond3A_437 : i32
            %cond3A_439 = arith.constant 0 : i32
            %cond3A_440 = arith.cmpi ne, %cond3A_438, %cond3A_439 : i32
            scf.if %cond3A_440 {
              %cond3A_441 = arith.constant 1 : i32
              %cond3A_442 = arith.subi %cond3A_438, %cond3A_441 : i32
              %cond3A_443 = arith.constant 0 : i32
              %cond3A_444 = arith.cmpi ne, %cond3A_442, %cond3A_443 : i32
              scf.if %cond3A_444 {
                %sub3A_445 = arith.subi %add3A_336, %add3A_258 : i32
                %mul3A_446 = arith.constant 16 : i32
                %mul3A_447 = arith.muli %sub3A_445, %mul3A_446 : i32
                %get3A_448 = arith.index_cast %mul3A_447 : i32 to index
                %get3A_449 = tpu.vector_load %arg14[%get3A_448] {strides = array<i32>} : memref<1040xi32, #tpu.memory_space<vmem>>, vector<16xi32>,
                %mul3A_450 = arith.constant 16 : i32
                %mul3A_451 = arith.muli %sub3A_445, %mul3A_450 : i32
                %get3A_452 = arith.index_cast %mul3A_451 : i32 to index
                %get3A_453 = tpu.vector_load %arg19[%get3A_452] {strides = array<i32>} : memref<1040xi32, #tpu.memory_space<vmem>>, vector<16xi32>,
                %masked_sort3A = arith.constant dense<true> : vector<16xi1>
                %masked_sort3A_454 = arith.constant -2147483648 : i32
                %masked_sort3A_455 = vector.broadcast %masked_sort3A_454 : i32 to vector<16xi32>
                %masked_sort3A_456 = arith.xori %get3A_449, %masked_sort3A_455 : vector<16xi32>
                %masked_sort3A_457, %masked_sort3A_458, %masked_sort3A_459 = tpu.sort %masked_sort3A_456, %get3A_453 masked %masked_sort3A : (vector<16xi32>, vector<16xi32>, vector<16xi1>) -> (vector<16xi1>, vector<16xi32>, vector<16xi32>)
                %masked_sort3A_460 = arith.xori %masked_sort3A_458, %masked_sort3A_455 : vector<16xi32>
                %swap3A_461 = arith.constant 0 : index
                %swap3A_462 = tpu.vector_load %arg20[%swap3A_461] {strides = array<i32>} : memref<16xi32, #tpu.memory_space<vmem>>, vector<16xi32>,
                tpu.vector_store %arg20[%swap3A_461], %masked_sort3A_460 {strides = array<i32>} : memref<16xi32, #tpu.memory_space<vmem>>, vector<16xi32>,
                %swap3A_463 = arith.constant 0 : index
                %swap3A_464 = tpu.vector_load %arg24[%swap3A_463] {strides = array<i32>} : memref<16xi32, #tpu.memory_space<vmem>>, vector<16xi32>,
                tpu.vector_store %arg24[%swap3A_463], %masked_sort3A_459 {strides = array<i32>} : memref<16xi32, #tpu.memory_space<vmem>>, vector<16xi32>,
                %dma_start3A = arith.constant 0 : i32
                %dma_start3A_465 = arith.constant 0 : i32
                %dma_start3A_466 = tpu.memref_slice %arg7[%dma_start3A, %dma_start3A_465] : memref<12000x1024xf32, #tpu.memory_space<hbm>> -> memref<12000x1024xf32, #tpu.memory_space<hbm>>
                tpu.enqueue_indirect_dma source(%dma_start3A_466 : memref<12000x1024xf32, #tpu.memory_space<hbm>>) target(%arg28 : memref<16x1024xf32, #tpu.memory_space<vmem>>) offsets(%arg20 : memref<16xi32, #tpu.memory_space<vmem>>) semaphore(%arg32 : memref<!tpu.dma_semaphore, #tpu.memory_space<semaphore_mem>>)
              } else {
                %sub3A_445 = arith.subi %add3A_336, %add3A_257 : i32
                %mul3A_446 = arith.constant 16 : i32
                %mul3A_447 = arith.muli %sub3A_445, %mul3A_446 : i32
                %get3A_448 = arith.index_cast %mul3A_447 : i32 to index
                %get3A_449 = tpu.vector_load %arg13[%get3A_448] {strides = array<i32>} : memref<1040xi32, #tpu.memory_space<vmem>>, vector<16xi32>,
                %mul3A_450 = arith.constant 16 : i32
                %mul3A_451 = arith.muli %sub3A_445, %mul3A_450 : i32
                %get3A_452 = arith.index_cast %mul3A_451 : i32 to index
                %get3A_453 = tpu.vector_load %arg18[%get3A_452] {strides = array<i32>} : memref<1040xi32, #tpu.memory_space<vmem>>, vector<16xi32>,
                %masked_sort3A = arith.constant dense<true> : vector<16xi1>
                %masked_sort3A_454 = arith.constant -2147483648 : i32
                %masked_sort3A_455 = vector.broadcast %masked_sort3A_454 : i32 to vector<16xi32>
                %masked_sort3A_456 = arith.xori %get3A_449, %masked_sort3A_455 : vector<16xi32>
                %masked_sort3A_457, %masked_sort3A_458, %masked_sort3A_459 = tpu.sort %masked_sort3A_456, %get3A_453 masked %masked_sort3A : (vector<16xi32>, vector<16xi32>, vector<16xi1>) -> (vector<16xi1>, vector<16xi32>, vector<16xi32>)
                %masked_sort3A_460 = arith.xori %masked_sort3A_458, %masked_sort3A_455 : vector<16xi32>
                %swap3A_461 = arith.constant 0 : index
                %swap3A_462 = tpu.vector_load %arg20[%swap3A_461] {strides = array<i32>} : memref<16xi32, #tpu.memory_space<vmem>>, vector<16xi32>,
                tpu.vector_store %arg20[%swap3A_461], %masked_sort3A_460 {strides = array<i32>} : memref<16xi32, #tpu.memory_space<vmem>>, vector<16xi32>,
                %swap3A_463 = arith.constant 0 : index
                %swap3A_464 = tpu.vector_load %arg24[%swap3A_463] {strides = array<i32>} : memref<16xi32, #tpu.memory_space<vmem>>, vector<16xi32>,
                tpu.vector_store %arg24[%swap3A_463], %masked_sort3A_459 {strides = array<i32>} : memref<16xi32, #tpu.memory_space<vmem>>, vector<16xi32>,
                %dma_start3A = arith.constant 0 : i32
                %dma_start3A_465 = arith.constant 0 : i32
                %dma_start3A_466 = tpu.memref_slice %arg6[%dma_start3A, %dma_start3A_465] : memref<5000x1024xf32, #tpu.memory_space<hbm>> -> memref<5000x1024xf32, #tpu.memory_space<hbm>>
                tpu.enqueue_indirect_dma source(%dma_start3A_466 : memref<5000x1024xf32, #tpu.memory_space<hbm>>) target(%arg28 : memref<16x1024xf32, #tpu.memory_space<vmem>>) offsets(%arg20 : memref<16xi32, #tpu.memory_space<vmem>>) semaphore(%arg32 : memref<!tpu.dma_semaphore, #tpu.memory_space<semaphore_mem>>)
              }
            } else {
              %sub3A_441 = arith.subi %add3A_336, %add3A_256 : i32
              %mul3A_442 = arith.constant 16 : i32
              %mul3A_443 = arith.muli %sub3A_441, %mul3A_442 : i32
              %get3A_444 = arith.index_cast %mul3A_443 : i32 to index
              %get3A_445 = tpu.vector_load %arg12[%get3A_444] {strides = array<i32>} : memref<1040xi32, #tpu.memory_space<vmem>>, vector<16xi32>,
              %mul3A_446 = arith.constant 16 : i32
              %mul3A_447 = arith.muli %sub3A_441, %mul3A_446 : i32
              %get3A_448 = arith.index_cast %mul3A_447 : i32 to index
              %get3A_449 = tpu.vector_load %arg17[%get3A_448] {strides = array<i32>} : memref<1040xi32, #tpu.memory_space<vmem>>, vector<16xi32>,
              %masked_sort3A = arith.constant dense<true> : vector<16xi1>
              %masked_sort3A_450 = arith.constant -2147483648 : i32
              %masked_sort3A_451 = vector.broadcast %masked_sort3A_450 : i32 to vector<16xi32>
              %masked_sort3A_452 = arith.xori %get3A_445, %masked_sort3A_451 : vector<16xi32>
              %masked_sort3A_453, %masked_sort3A_454, %masked_sort3A_455 = tpu.sort %masked_sort3A_452, %get3A_449 masked %masked_sort3A : (vector<16xi32>, vector<16xi32>, vector<16xi1>) -> (vector<16xi1>, vector<16xi32>, vector<16xi32>)
              %masked_sort3A_456 = arith.xori %masked_sort3A_454, %masked_sort3A_451 : vector<16xi32>
              %swap3A_457 = arith.constant 0 : index
              %swap3A_458 = tpu.vector_load %arg20[%swap3A_457] {strides = array<i32>} : memref<16xi32, #tpu.memory_space<vmem>>, vector<16xi32>,
              tpu.vector_store %arg20[%swap3A_457], %masked_sort3A_456 {strides = array<i32>} : memref<16xi32, #tpu.memory_space<vmem>>, vector<16xi32>,
              %swap3A_459 = arith.constant 0 : index
              %swap3A_460 = tpu.vector_load %arg24[%swap3A_459] {strides = array<i32>} : memref<16xi32, #tpu.memory_space<vmem>>, vector<16xi32>,
              tpu.vector_store %arg24[%swap3A_459], %masked_sort3A_455 {strides = array<i32>} : memref<16xi32, #tpu.memory_space<vmem>>, vector<16xi32>,
              %dma_start3A = arith.constant 0 : i32
              %dma_start3A_461 = arith.constant 0 : i32
              %dma_start3A_462 = tpu.memref_slice %arg5[%dma_start3A, %dma_start3A_461] : memref<1000x1024xf32, #tpu.memory_space<hbm>> -> memref<1000x1024xf32, #tpu.memory_space<hbm>>
              tpu.enqueue_indirect_dma source(%dma_start3A_462 : memref<1000x1024xf32, #tpu.memory_space<hbm>>) target(%arg28 : memref<16x1024xf32, #tpu.memory_space<vmem>>) offsets(%arg20 : memref<16xi32, #tpu.memory_space<vmem>>) semaphore(%arg32 : memref<!tpu.dma_semaphore, #tpu.memory_space<semaphore_mem>>)
            }
          } else {
            %sub3A_437 = arith.subi %add3A_336, %add3A_255 : i32
            %mul3A_438 = arith.constant 16 : i32
            %mul3A_439 = arith.muli %sub3A_437, %mul3A_438 : i32
            %get3A_440 = arith.index_cast %mul3A_439 : i32 to index
            %get3A_441 = tpu.vector_load %arg11[%get3A_440] {strides = array<i32>} : memref<1040xi32, #tpu.memory_space<vmem>>, vector<16xi32>,
            %mul3A_442 = arith.constant 16 : i32
            %mul3A_443 = arith.muli %sub3A_437, %mul3A_442 : i32
            %get3A_444 = arith.index_cast %mul3A_443 : i32 to index
            %get3A_445 = tpu.vector_load %arg16[%get3A_444] {strides = array<i32>} : memref<1040xi32, #tpu.memory_space<vmem>>, vector<16xi32>,
            %masked_sort3A = arith.constant dense<true> : vector<16xi1>
            %masked_sort3A_446 = arith.constant -2147483648 : i32
            %masked_sort3A_447 = vector.broadcast %masked_sort3A_446 : i32 to vector<16xi32>
            %masked_sort3A_448 = arith.xori %get3A_441, %masked_sort3A_447 : vector<16xi32>
            %masked_sort3A_449, %masked_sort3A_450, %masked_sort3A_451 = tpu.sort %masked_sort3A_448, %get3A_445 masked %masked_sort3A : (vector<16xi32>, vector<16xi32>, vector<16xi1>) -> (vector<16xi1>, vector<16xi32>, vector<16xi32>)
            %masked_sort3A_452 = arith.xori %masked_sort3A_450, %masked_sort3A_447 : vector<16xi32>
            %swap3A_453 = arith.constant 0 : index
            %swap3A_454 = tpu.vector_load %arg20[%swap3A_453] {strides = array<i32>} : memref<16xi32, #tpu.memory_space<vmem>>, vector<16xi32>,
            tpu.vector_store %arg20[%swap3A_453], %masked_sort3A_452 {strides = array<i32>} : memref<16xi32, #tpu.memory_space<vmem>>, vector<16xi32>,
            %swap3A_455 = arith.constant 0 : index
            %swap3A_456 = tpu.vector_load %arg24[%swap3A_455] {strides = array<i32>} : memref<16xi32, #tpu.memory_space<vmem>>, vector<16xi32>,
            tpu.vector_store %arg24[%swap3A_455], %masked_sort3A_451 {strides = array<i32>} : memref<16xi32, #tpu.memory_space<vmem>>, vector<16xi32>,
            %dma_start3A = arith.constant 0 : i32
            %dma_start3A_457 = arith.constant 0 : i32
            %dma_start3A_458 = tpu.memref_slice %arg4[%dma_start3A, %dma_start3A_457] : memref<10000x1024xf32, #tpu.memory_space<hbm>> -> memref<10000x1024xf32, #tpu.memory_space<hbm>>
            tpu.enqueue_indirect_dma source(%dma_start3A_458 : memref<10000x1024xf32, #tpu.memory_space<hbm>>) target(%arg28 : memref<16x1024xf32, #tpu.memory_space<vmem>>) offsets(%arg20 : memref<16xi32, #tpu.memory_space<vmem>>) semaphore(%arg32 : memref<!tpu.dma_semaphore, #tpu.memory_space<semaphore_mem>>)
          }
        } else {
          %sub3A_433 = arith.constant 0 : i32
          %sub3A_434 = arith.subi %add3A_336, %sub3A_433 : i32
          %mul3A_435 = arith.constant 16 : i32
          %mul3A_436 = arith.muli %sub3A_434, %mul3A_435 : i32
          %get3A_437 = arith.index_cast %mul3A_436 : i32 to index
          %get3A_438 = tpu.vector_load %arg10[%get3A_437] {strides = array<i32>} : memref<1040xi32, #tpu.memory_space<vmem>>, vector<16xi32>,
          %mul3A_439 = arith.constant 16 : i32
          %mul3A_440 = arith.muli %sub3A_434, %mul3A_439 : i32
          %get3A_441 = arith.index_cast %mul3A_440 : i32 to index
          %get3A_442 = tpu.vector_load %arg15[%get3A_441] {strides = array<i32>} : memref<1040xi32, #tpu.memory_space<vmem>>, vector<16xi32>,
          %masked_sort3A = arith.constant dense<true> : vector<16xi1>
          %masked_sort3A_443 = arith.constant -2147483648 : i32
          %masked_sort3A_444 = vector.broadcast %masked_sort3A_443 : i32 to vector<16xi32>
          %masked_sort3A_445 = arith.xori %get3A_438, %masked_sort3A_444 : vector<16xi32>
          %masked_sort3A_446, %masked_sort3A_447, %masked_sort3A_448 = tpu.sort %masked_sort3A_445, %get3A_442 masked %masked_sort3A : (vector<16xi32>, vector<16xi32>, vector<16xi1>) -> (vector<16xi1>, vector<16xi32>, vector<16xi32>)
          %masked_sort3A_449 = arith.xori %masked_sort3A_447, %masked_sort3A_444 : vector<16xi32>
          %swap3A_450 = arith.constant 0 : index
          %swap3A_451 = tpu.vector_load %arg20[%swap3A_450] {strides = array<i32>} : memref<16xi32, #tpu.memory_space<vmem>>, vector<16xi32>,
          tpu.vector_store %arg20[%swap3A_450], %masked_sort3A_449 {strides = array<i32>} : memref<16xi32, #tpu.memory_space<vmem>>, vector<16xi32>,
          %swap3A_452 = arith.constant 0 : index
          %swap3A_453 = tpu.vector_load %arg24[%swap3A_452] {strides = array<i32>} : memref<16xi32, #tpu.memory_space<vmem>>, vector<16xi32>,
          tpu.vector_store %arg24[%swap3A_452], %masked_sort3A_448 {strides = array<i32>} : memref<16xi32, #tpu.memory_space<vmem>>, vector<16xi32>,
          %dma_start3A = arith.constant 0 : i32
          %dma_start3A_454 = arith.constant 0 : i32
          %dma_start3A_455 = tpu.memref_slice %arg3[%dma_start3A, %dma_start3A_454] : memref<100000x1024xf32, #tpu.memory_space<hbm>> -> memref<100000x1024xf32, #tpu.memory_space<hbm>>
          tpu.enqueue_indirect_dma source(%dma_start3A_455 : memref<100000x1024xf32, #tpu.memory_space<hbm>>) target(%arg28 : memref<16x1024xf32, #tpu.memory_space<vmem>>) offsets(%arg20 : memref<16xi32, #tpu.memory_space<vmem>>) semaphore(%arg32 : memref<!tpu.dma_semaphore, #tpu.memory_space<semaphore_mem>>)
        }
      } else {
      }
      %mul3A_345 = arith.constant 4 : i32
      %mul3A_346 = arith.muli %while3A_332, %mul3A_345 : i32
      %add3A_347 = arith.constant 1 : i32
      %add3A_348 = arith.addi %mul3A_346, %add3A_347 : i32
      %gt3A_349 = arith.constant 0 : i32
      %gt3A_350 = arith.cmpi sgt, %while3A_332, %gt3A_349 : i32
      %convert_element_type3A_351 = arith.extui %gt3A_350 : i1 to i32
      %cond3A_352 = arith.constant 0 : i32
      %cond3A_353 = arith.cmpi ne, %convert_element_type3A_351, %cond3A_352 : i32
      scf.if %cond3A_353 {
        %dma_wait3A = arith.constant 0 : i32
        %dma_wait3A_416 = arith.constant 0 : i32
        %dma_wait3A_417 = tpu.memref_slice %arg8[%dma_wait3A, %dma_wait3A_416] : memref<32768x1024xf32, #tpu.memory_space<hbm>> -> memref<32768x1024xf32, #tpu.memory_space<hbm>>
        tpu.wait_indirect_dma semaphore(%arg37 : memref<!tpu.dma_semaphore, #tpu.memory_space<semaphore_mem>>) src(%arg29 : memref<16x1024xf32, #tpu.memory_space<vmem>>) dst(%dma_wait3A_417 : memref<32768x1024xf32, #tpu.memory_space<hbm>>)
      } else {
      }
      %lt3A_354 = arith.cmpi slt, %add3A_348, %add3A_259 : i32
      %convert_element_type3A_355 = arith.extui %lt3A_354 : i1 to i32
      %cond3A_356 = arith.constant 0 : i32
      %cond3A_357 = arith.cmpi ne, %convert_element_type3A_355, %cond3A_356 : i32
      scf.if %cond3A_357 {
        %ge3A = arith.cmpi sge, %add3A_348, %add3A_255 : i32
        %convert_element_type3A_416 = arith.extui %ge3A : i1 to i32
        %add3A_417 = arith.constant 0 : i32
        %add3A_418 = arith.addi %add3A_417, %convert_element_type3A_416 : i32
        %ge3A_419 = arith.cmpi sge, %add3A_348, %add3A_256 : i32
        %convert_element_type3A_420 = arith.extui %ge3A_419 : i1 to i32
        %add3A_421 = arith.addi %add3A_418, %convert_element_type3A_420 : i32
        %ge3A_422 = arith.cmpi sge, %add3A_348, %add3A_257 : i32
        %convert_element_type3A_423 = arith.extui %ge3A_422 : i1 to i32
        %add3A_424 = arith.addi %add3A_421, %convert_element_type3A_423 : i32
        %ge3A_425 = arith.cmpi sge, %add3A_348, %add3A_258 : i32
        %convert_element_type3A_426 = arith.extui %ge3A_425 : i1 to i32
        %add3A_427 = arith.addi %add3A_424, %convert_element_type3A_426 : i32
        %clamp3A = arith.constant 0 : i32
        %clamp3A_428 = arith.constant 4 : i32
        %clamp3A_429 = arith.maxsi %add3A_427, %clamp3A : i32
        %clamp3A_430 = arith.minsi %clamp3A_429, %clamp3A_428 : i32
        %cond3A_431 = arith.constant 0 : i32
        %cond3A_432 = arith.cmpi ne, %clamp3A_430, %cond3A_431 : i32
        scf.if %cond3A_432 {
          %cond3A_433 = arith.constant 1 : i32
          %cond3A_434 = arith.subi %clamp3A_430, %cond3A_433 : i32
          %cond3A_435 = arith.constant 0 : i32
          %cond3A_436 = arith.cmpi ne, %cond3A_434, %cond3A_435 : i32
          scf.if %cond3A_436 {
            %cond3A_437 = arith.constant 1 : i32
            %cond3A_438 = arith.subi %cond3A_434, %cond3A_437 : i32
            %cond3A_439 = arith.constant 0 : i32
            %cond3A_440 = arith.cmpi ne, %cond3A_438, %cond3A_439 : i32
            scf.if %cond3A_440 {
              %cond3A_441 = arith.constant 1 : i32
              %cond3A_442 = arith.subi %cond3A_438, %cond3A_441 : i32
              %cond3A_443 = arith.constant 0 : i32
              %cond3A_444 = arith.cmpi ne, %cond3A_442, %cond3A_443 : i32
              scf.if %cond3A_444 {
                %sub3A_445 = arith.subi %add3A_348, %add3A_258 : i32
                %mul3A_446 = arith.constant 16 : i32
                %mul3A_447 = arith.muli %sub3A_445, %mul3A_446 : i32
                %get3A_448 = arith.index_cast %mul3A_447 : i32 to index
                %get3A_449 = tpu.vector_load %arg14[%get3A_448] {strides = array<i32>} : memref<1040xi32, #tpu.memory_space<vmem>>, vector<16xi32>,
                %mul3A_450 = arith.constant 16 : i32
                %mul3A_451 = arith.muli %sub3A_445, %mul3A_450 : i32
                %get3A_452 = arith.index_cast %mul3A_451 : i32 to index
                %get3A_453 = tpu.vector_load %arg19[%get3A_452] {strides = array<i32>} : memref<1040xi32, #tpu.memory_space<vmem>>, vector<16xi32>,
                %masked_sort3A = arith.constant dense<true> : vector<16xi1>
                %masked_sort3A_454 = arith.constant -2147483648 : i32
                %masked_sort3A_455 = vector.broadcast %masked_sort3A_454 : i32 to vector<16xi32>
                %masked_sort3A_456 = arith.xori %get3A_449, %masked_sort3A_455 : vector<16xi32>
                %masked_sort3A_457, %masked_sort3A_458, %masked_sort3A_459 = tpu.sort %masked_sort3A_456, %get3A_453 masked %masked_sort3A : (vector<16xi32>, vector<16xi32>, vector<16xi1>) -> (vector<16xi1>, vector<16xi32>, vector<16xi32>)
                %masked_sort3A_460 = arith.xori %masked_sort3A_458, %masked_sort3A_455 : vector<16xi32>
                %swap3A_461 = arith.constant 0 : index
                %swap3A_462 = tpu.vector_load %arg21[%swap3A_461] {strides = array<i32>} : memref<16xi32, #tpu.memory_space<vmem>>, vector<16xi32>,
                tpu.vector_store %arg21[%swap3A_461], %masked_sort3A_460 {strides = array<i32>} : memref<16xi32, #tpu.memory_space<vmem>>, vector<16xi32>,
                %swap3A_463 = arith.constant 0 : index
                %swap3A_464 = tpu.vector_load %arg25[%swap3A_463] {strides = array<i32>} : memref<16xi32, #tpu.memory_space<vmem>>, vector<16xi32>,
                tpu.vector_store %arg25[%swap3A_463], %masked_sort3A_459 {strides = array<i32>} : memref<16xi32, #tpu.memory_space<vmem>>, vector<16xi32>,
                %dma_start3A = arith.constant 0 : i32
                %dma_start3A_465 = arith.constant 0 : i32
                %dma_start3A_466 = tpu.memref_slice %arg7[%dma_start3A, %dma_start3A_465] : memref<12000x1024xf32, #tpu.memory_space<hbm>> -> memref<12000x1024xf32, #tpu.memory_space<hbm>>
                tpu.enqueue_indirect_dma source(%dma_start3A_466 : memref<12000x1024xf32, #tpu.memory_space<hbm>>) target(%arg29 : memref<16x1024xf32, #tpu.memory_space<vmem>>) offsets(%arg21 : memref<16xi32, #tpu.memory_space<vmem>>) semaphore(%arg33 : memref<!tpu.dma_semaphore, #tpu.memory_space<semaphore_mem>>)
              } else {
                %sub3A_445 = arith.subi %add3A_348, %add3A_257 : i32
                %mul3A_446 = arith.constant 16 : i32
                %mul3A_447 = arith.muli %sub3A_445, %mul3A_446 : i32
                %get3A_448 = arith.index_cast %mul3A_447 : i32 to index
                %get3A_449 = tpu.vector_load %arg13[%get3A_448] {strides = array<i32>} : memref<1040xi32, #tpu.memory_space<vmem>>, vector<16xi32>,
                %mul3A_450 = arith.constant 16 : i32
                %mul3A_451 = arith.muli %sub3A_445, %mul3A_450 : i32
                %get3A_452 = arith.index_cast %mul3A_451 : i32 to index
                %get3A_453 = tpu.vector_load %arg18[%get3A_452] {strides = array<i32>} : memref<1040xi32, #tpu.memory_space<vmem>>, vector<16xi32>,
                %masked_sort3A = arith.constant dense<true> : vector<16xi1>
                %masked_sort3A_454 = arith.constant -2147483648 : i32
                %masked_sort3A_455 = vector.broadcast %masked_sort3A_454 : i32 to vector<16xi32>
                %masked_sort3A_456 = arith.xori %get3A_449, %masked_sort3A_455 : vector<16xi32>
                %masked_sort3A_457, %masked_sort3A_458, %masked_sort3A_459 = tpu.sort %masked_sort3A_456, %get3A_453 masked %masked_sort3A : (vector<16xi32>, vector<16xi32>, vector<16xi1>) -> (vector<16xi1>, vector<16xi32>, vector<16xi32>)
                %masked_sort3A_460 = arith.xori %masked_sort3A_458, %masked_sort3A_455 : vector<16xi32>
                %swap3A_461 = arith.constant 0 : index
                %swap3A_462 = tpu.vector_load %arg21[%swap3A_461] {strides = array<i32>} : memref<16xi32, #tpu.memory_space<vmem>>, vector<16xi32>,
                tpu.vector_store %arg21[%swap3A_461], %masked_sort3A_460 {strides = array<i32>} : memref<16xi32, #tpu.memory_space<vmem>>, vector<16xi32>,
                %swap3A_463 = arith.constant 0 : index
                %swap3A_464 = tpu.vector_load %arg25[%swap3A_463] {strides = array<i32>} : memref<16xi32, #tpu.memory_space<vmem>>, vector<16xi32>,
                tpu.vector_store %arg25[%swap3A_463], %masked_sort3A_459 {strides = array<i32>} : memref<16xi32, #tpu.memory_space<vmem>>, vector<16xi32>,
                %dma_start3A = arith.constant 0 : i32
                %dma_start3A_465 = arith.constant 0 : i32
                %dma_start3A_466 = tpu.memref_slice %arg6[%dma_start3A, %dma_start3A_465] : memref<5000x1024xf32, #tpu.memory_space<hbm>> -> memref<5000x1024xf32, #tpu.memory_space<hbm>>
                tpu.enqueue_indirect_dma source(%dma_start3A_466 : memref<5000x1024xf32, #tpu.memory_space<hbm>>) target(%arg29 : memref<16x1024xf32, #tpu.memory_space<vmem>>) offsets(%arg21 : memref<16xi32, #tpu.memory_space<vmem>>) semaphore(%arg33 : memref<!tpu.dma_semaphore, #tpu.memory_space<semaphore_mem>>)
              }
            } else {
              %sub3A_441 = arith.subi %add3A_348, %add3A_256 : i32
              %mul3A_442 = arith.constant 16 : i32
              %mul3A_443 = arith.muli %sub3A_441, %mul3A_442 : i32
              %get3A_444 = arith.index_cast %mul3A_443 : i32 to index
              %get3A_445 = tpu.vector_load %arg12[%get3A_444] {strides = array<i32>} : memref<1040xi32, #tpu.memory_space<vmem>>, vector<16xi32>,
              %mul3A_446 = arith.constant 16 : i32
              %mul3A_447 = arith.muli %sub3A_441, %mul3A_446 : i32
              %get3A_448 = arith.index_cast %mul3A_447 : i32 to index
              %get3A_449 = tpu.vector_load %arg17[%get3A_448] {strides = array<i32>} : memref<1040xi32, #tpu.memory_space<vmem>>, vector<16xi32>,
              %masked_sort3A = arith.constant dense<true> : vector<16xi1>
              %masked_sort3A_450 = arith.constant -2147483648 : i32
              %masked_sort3A_451 = vector.broadcast %masked_sort3A_450 : i32 to vector<16xi32>
              %masked_sort3A_452 = arith.xori %get3A_445, %masked_sort3A_451 : vector<16xi32>
              %masked_sort3A_453, %masked_sort3A_454, %masked_sort3A_455 = tpu.sort %masked_sort3A_452, %get3A_449 masked %masked_sort3A : (vector<16xi32>, vector<16xi32>, vector<16xi1>) -> (vector<16xi1>, vector<16xi32>, vector<16xi32>)
              %masked_sort3A_456 = arith.xori %masked_sort3A_454, %masked_sort3A_451 : vector<16xi32>
              %swap3A_457 = arith.constant 0 : index
              %swap3A_458 = tpu.vector_load %arg21[%swap3A_457] {strides = array<i32>} : memref<16xi32, #tpu.memory_space<vmem>>, vector<16xi32>,
              tpu.vector_store %arg21[%swap3A_457], %masked_sort3A_456 {strides = array<i32>} : memref<16xi32, #tpu.memory_space<vmem>>, vector<16xi32>,
              %swap3A_459 = arith.constant 0 : index
              %swap3A_460 = tpu.vector_load %arg25[%swap3A_459] {strides = array<i32>} : memref<16xi32, #tpu.memory_space<vmem>>, vector<16xi32>,
              tpu.vector_store %arg25[%swap3A_459], %masked_sort3A_455 {strides = array<i32>} : memref<16xi32, #tpu.memory_space<vmem>>, vector<16xi32>,
              %dma_start3A = arith.constant 0 : i32
              %dma_start3A_461 = arith.constant 0 : i32
              %dma_start3A_462 = tpu.memref_slice %arg5[%dma_start3A, %dma_start3A_461] : memref<1000x1024xf32, #tpu.memory_space<hbm>> -> memref<1000x1024xf32, #tpu.memory_space<hbm>>
              tpu.enqueue_indirect_dma source(%dma_start3A_462 : memref<1000x1024xf32, #tpu.memory_space<hbm>>) target(%arg29 : memref<16x1024xf32, #tpu.memory_space<vmem>>) offsets(%arg21 : memref<16xi32, #tpu.memory_space<vmem>>) semaphore(%arg33 : memref<!tpu.dma_semaphore, #tpu.memory_space<semaphore_mem>>)
            }
          } else {
            %sub3A_437 = arith.subi %add3A_348, %add3A_255 : i32
            %mul3A_438 = arith.constant 16 : i32
            %mul3A_439 = arith.muli %sub3A_437, %mul3A_438 : i32
            %get3A_440 = arith.index_cast %mul3A_439 : i32 to index
            %get3A_441 = tpu.vector_load %arg11[%get3A_440] {strides = array<i32>} : memref<1040xi32, #tpu.memory_space<vmem>>, vector<16xi32>,
            %mul3A_442 = arith.constant 16 : i32
            %mul3A_443 = arith.muli %sub3A_437, %mul3A_442 : i32
            %get3A_444 = arith.index_cast %mul3A_443 : i32 to index
            %get3A_445 = tpu.vector_load %arg16[%get3A_444] {strides = array<i32>} : memref<1040xi32, #tpu.memory_space<vmem>>, vector<16xi32>,
            %masked_sort3A = arith.constant dense<true> : vector<16xi1>
            %masked_sort3A_446 = arith.constant -2147483648 : i32
            %masked_sort3A_447 = vector.broadcast %masked_sort3A_446 : i32 to vector<16xi32>
            %masked_sort3A_448 = arith.xori %get3A_441, %masked_sort3A_447 : vector<16xi32>
            %masked_sort3A_449, %masked_sort3A_450, %masked_sort3A_451 = tpu.sort %masked_sort3A_448, %get3A_445 masked %masked_sort3A : (vector<16xi32>, vector<16xi32>, vector<16xi1>) -> (vector<16xi1>, vector<16xi32>, vector<16xi32>)
            %masked_sort3A_452 = arith.xori %masked_sort3A_450, %masked_sort3A_447 : vector<16xi32>
            %swap3A_453 = arith.constant 0 : index
            %swap3A_454 = tpu.vector_load %arg21[%swap3A_453] {strides = array<i32>} : memref<16xi32, #tpu.memory_space<vmem>>, vector<16xi32>,
            tpu.vector_store %arg21[%swap3A_453], %masked_sort3A_452 {strides = array<i32>} : memref<16xi32, #tpu.memory_space<vmem>>, vector<16xi32>,
            %swap3A_455 = arith.constant 0 : index
            %swap3A_456 = tpu.vector_load %arg25[%swap3A_455] {strides = array<i32>} : memref<16xi32, #tpu.memory_space<vmem>>, vector<16xi32>,
            tpu.vector_store %arg25[%swap3A_455], %masked_sort3A_451 {strides = array<i32>} : memref<16xi32, #tpu.memory_space<vmem>>, vector<16xi32>,
            %dma_start3A = arith.constant 0 : i32
            %dma_start3A_457 = arith.constant 0 : i32
            %dma_start3A_458 = tpu.memref_slice %arg4[%dma_start3A, %dma_start3A_457] : memref<10000x1024xf32, #tpu.memory_space<hbm>> -> memref<10000x1024xf32, #tpu.memory_space<hbm>>
            tpu.enqueue_indirect_dma source(%dma_start3A_458 : memref<10000x1024xf32, #tpu.memory_space<hbm>>) target(%arg29 : memref<16x1024xf32, #tpu.memory_space<vmem>>) offsets(%arg21 : memref<16xi32, #tpu.memory_space<vmem>>) semaphore(%arg33 : memref<!tpu.dma_semaphore, #tpu.memory_space<semaphore_mem>>)
          }
        } else {
          %sub3A_433 = arith.constant 0 : i32
          %sub3A_434 = arith.subi %add3A_348, %sub3A_433 : i32
          %mul3A_435 = arith.constant 16 : i32
          %mul3A_436 = arith.muli %sub3A_434, %mul3A_435 : i32
          %get3A_437 = arith.index_cast %mul3A_436 : i32 to index
          %get3A_438 = tpu.vector_load %arg10[%get3A_437] {strides = array<i32>} : memref<1040xi32, #tpu.memory_space<vmem>>, vector<16xi32>,
          %mul3A_439 = arith.constant 16 : i32
          %mul3A_440 = arith.muli %sub3A_434, %mul3A_439 : i32
          %get3A_441 = arith.index_cast %mul3A_440 : i32 to index
          %get3A_442 = tpu.vector_load %arg15[%get3A_441] {strides = array<i32>} : memref<1040xi32, #tpu.memory_space<vmem>>, vector<16xi32>,
          %masked_sort3A = arith.constant dense<true> : vector<16xi1>
          %masked_sort3A_443 = arith.constant -2147483648 : i32
          %masked_sort3A_444 = vector.broadcast %masked_sort3A_443 : i32 to vector<16xi32>
          %masked_sort3A_445 = arith.xori %get3A_438, %masked_sort3A_444 : vector<16xi32>
          %masked_sort3A_446, %masked_sort3A_447, %masked_sort3A_448 = tpu.sort %masked_sort3A_445, %get3A_442 masked %masked_sort3A : (vector<16xi32>, vector<16xi32>, vector<16xi1>) -> (vector<16xi1>, vector<16xi32>, vector<16xi32>)
          %masked_sort3A_449 = arith.xori %masked_sort3A_447, %masked_sort3A_444 : vector<16xi32>
          %swap3A_450 = arith.constant 0 : index
          %swap3A_451 = tpu.vector_load %arg21[%swap3A_450] {strides = array<i32>} : memref<16xi32, #tpu.memory_space<vmem>>, vector<16xi32>,
          tpu.vector_store %arg21[%swap3A_450], %masked_sort3A_449 {strides = array<i32>} : memref<16xi32, #tpu.memory_space<vmem>>, vector<16xi32>,
          %swap3A_452 = arith.constant 0 : index
          %swap3A_453 = tpu.vector_load %arg25[%swap3A_452] {strides = array<i32>} : memref<16xi32, #tpu.memory_space<vmem>>, vector<16xi32>,
          tpu.vector_store %arg25[%swap3A_452], %masked_sort3A_448 {strides = array<i32>} : memref<16xi32, #tpu.memory_space<vmem>>, vector<16xi32>,
          %dma_start3A = arith.constant 0 : i32
          %dma_start3A_454 = arith.constant 0 : i32
          %dma_start3A_455 = tpu.memref_slice %arg3[%dma_start3A, %dma_start3A_454] : memref<100000x1024xf32, #tpu.memory_space<hbm>> -> memref<100000x1024xf32, #tpu.memory_space<hbm>>
          tpu.enqueue_indirect_dma source(%dma_start3A_455 : memref<100000x1024xf32, #tpu.memory_space<hbm>>) target(%arg29 : memref<16x1024xf32, #tpu.memory_space<vmem>>) offsets(%arg21 : memref<16xi32, #tpu.memory_space<vmem>>) semaphore(%arg33 : memref<!tpu.dma_semaphore, #tpu.memory_space<semaphore_mem>>)
        }
      } else {
      }
      %mul3A_358 = arith.constant 4 : i32
      %mul3A_359 = arith.muli %while3A_332, %mul3A_358 : i32
      %add3A_360 = arith.constant 2 : i32
      %add3A_361 = arith.addi %mul3A_359, %add3A_360 : i32
      %gt3A_362 = arith.constant 0 : i32
      %gt3A_363 = arith.cmpi sgt, %while3A_332, %gt3A_362 : i32
      %convert_element_type3A_364 = arith.extui %gt3A_363 : i1 to i32
      %cond3A_365 = arith.constant 0 : i32
      %cond3A_366 = arith.cmpi ne, %convert_element_type3A_364, %cond3A_365 : i32
      scf.if %cond3A_366 {
        %dma_wait3A = arith.constant 0 : i32
        %dma_wait3A_416 = arith.constant 0 : i32
        %dma_wait3A_417 = tpu.memref_slice %arg8[%dma_wait3A, %dma_wait3A_416] : memref<32768x1024xf32, #tpu.memory_space<hbm>> -> memref<32768x1024xf32, #tpu.memory_space<hbm>>
        tpu.wait_indirect_dma semaphore(%arg38 : memref<!tpu.dma_semaphore, #tpu.memory_space<semaphore_mem>>) src(%arg30 : memref<16x1024xf32, #tpu.memory_space<vmem>>) dst(%dma_wait3A_417 : memref<32768x1024xf32, #tpu.memory_space<hbm>>)
      } else {
      }
      %lt3A_367 = arith.cmpi slt, %add3A_361, %add3A_259 : i32
      %convert_element_type3A_368 = arith.extui %lt3A_367 : i1 to i32
      %cond3A_369 = arith.constant 0 : i32
      %cond3A_370 = arith.cmpi ne, %convert_element_type3A_368, %cond3A_369 : i32
      scf.if %cond3A_370 {
        %ge3A = arith.cmpi sge, %add3A_361, %add3A_255 : i32
        %convert_element_type3A_416 = arith.extui %ge3A : i1 to i32
        %add3A_417 = arith.constant 0 : i32
        %add3A_418 = arith.addi %add3A_417, %convert_element_type3A_416 : i32
        %ge3A_419 = arith.cmpi sge, %add3A_361, %add3A_256 : i32
        %convert_element_type3A_420 = arith.extui %ge3A_419 : i1 to i32
        %add3A_421 = arith.addi %add3A_418, %convert_element_type3A_420 : i32
        %ge3A_422 = arith.cmpi sge, %add3A_361, %add3A_257 : i32
        %convert_element_type3A_423 = arith.extui %ge3A_422 : i1 to i32
        %add3A_424 = arith.addi %add3A_421, %convert_element_type3A_423 : i32
        %ge3A_425 = arith.cmpi sge, %add3A_361, %add3A_258 : i32
        %convert_element_type3A_426 = arith.extui %ge3A_425 : i1 to i32
        %add3A_427 = arith.addi %add3A_424, %convert_element_type3A_426 : i32
        %clamp3A = arith.constant 0 : i32
        %clamp3A_428 = arith.constant 4 : i32
        %clamp3A_429 = arith.maxsi %add3A_427, %clamp3A : i32
        %clamp3A_430 = arith.minsi %clamp3A_429, %clamp3A_428 : i32
        %cond3A_431 = arith.constant 0 : i32
        %cond3A_432 = arith.cmpi ne, %clamp3A_430, %cond3A_431 : i32
        scf.if %cond3A_432 {
          %cond3A_433 = arith.constant 1 : i32
          %cond3A_434 = arith.subi %clamp3A_430, %cond3A_433 : i32
          %cond3A_435 = arith.constant 0 : i32
          %cond3A_436 = arith.cmpi ne, %cond3A_434, %cond3A_435 : i32
          scf.if %cond3A_436 {
            %cond3A_437 = arith.constant 1 : i32
            %cond3A_438 = arith.subi %cond3A_434, %cond3A_437 : i32
            %cond3A_439 = arith.constant 0 : i32
            %cond3A_440 = arith.cmpi ne, %cond3A_438, %cond3A_439 : i32
            scf.if %cond3A_440 {
              %cond3A_441 = arith.constant 1 : i32
              %cond3A_442 = arith.subi %cond3A_438, %cond3A_441 : i32
              %cond3A_443 = arith.constant 0 : i32
              %cond3A_444 = arith.cmpi ne, %cond3A_442, %cond3A_443 : i32
              scf.if %cond3A_444 {
                %sub3A_445 = arith.subi %add3A_361, %add3A_258 : i32
                %mul3A_446 = arith.constant 16 : i32
                %mul3A_447 = arith.muli %sub3A_445, %mul3A_446 : i32
                %get3A_448 = arith.index_cast %mul3A_447 : i32 to index
                %get3A_449 = tpu.vector_load %arg14[%get3A_448] {strides = array<i32>} : memref<1040xi32, #tpu.memory_space<vmem>>, vector<16xi32>,
                %mul3A_450 = arith.constant 16 : i32
                %mul3A_451 = arith.muli %sub3A_445, %mul3A_450 : i32
                %get3A_452 = arith.index_cast %mul3A_451 : i32 to index
                %get3A_453 = tpu.vector_load %arg19[%get3A_452] {strides = array<i32>} : memref<1040xi32, #tpu.memory_space<vmem>>, vector<16xi32>,
                %masked_sort3A = arith.constant dense<true> : vector<16xi1>
                %masked_sort3A_454 = arith.constant -2147483648 : i32
                %masked_sort3A_455 = vector.broadcast %masked_sort3A_454 : i32 to vector<16xi32>
                %masked_sort3A_456 = arith.xori %get3A_449, %masked_sort3A_455 : vector<16xi32>
                %masked_sort3A_457, %masked_sort3A_458, %masked_sort3A_459 = tpu.sort %masked_sort3A_456, %get3A_453 masked %masked_sort3A : (vector<16xi32>, vector<16xi32>, vector<16xi1>) -> (vector<16xi1>, vector<16xi32>, vector<16xi32>)
                %masked_sort3A_460 = arith.xori %masked_sort3A_458, %masked_sort3A_455 : vector<16xi32>
                %swap3A_461 = arith.constant 0 : index
                %swap3A_462 = tpu.vector_load %arg22[%swap3A_461] {strides = array<i32>} : memref<16xi32, #tpu.memory_space<vmem>>, vector<16xi32>,
                tpu.vector_store %arg22[%swap3A_461], %masked_sort3A_460 {strides = array<i32>} : memref<16xi32, #tpu.memory_space<vmem>>, vector<16xi32>,
                %swap3A_463 = arith.constant 0 : index
                %swap3A_464 = tpu.vector_load %arg26[%swap3A_463] {strides = array<i32>} : memref<16xi32, #tpu.memory_space<vmem>>, vector<16xi32>,
                tpu.vector_store %arg26[%swap3A_463], %masked_sort3A_459 {strides = array<i32>} : memref<16xi32, #tpu.memory_space<vmem>>, vector<16xi32>,
                %dma_start3A = arith.constant 0 : i32
                %dma_start3A_465 = arith.constant 0 : i32
                %dma_start3A_466 = tpu.memref_slice %arg7[%dma_start3A, %dma_start3A_465] : memref<12000x1024xf32, #tpu.memory_space<hbm>> -> memref<12000x1024xf32, #tpu.memory_space<hbm>>
                tpu.enqueue_indirect_dma source(%dma_start3A_466 : memref<12000x1024xf32, #tpu.memory_space<hbm>>) target(%arg30 : memref<16x1024xf32, #tpu.memory_space<vmem>>) offsets(%arg22 : memref<16xi32, #tpu.memory_space<vmem>>) semaphore(%arg34 : memref<!tpu.dma_semaphore, #tpu.memory_space<semaphore_mem>>)
              } else {
                %sub3A_445 = arith.subi %add3A_361, %add3A_257 : i32
                %mul3A_446 = arith.constant 16 : i32
                %mul3A_447 = arith.muli %sub3A_445, %mul3A_446 : i32
                %get3A_448 = arith.index_cast %mul3A_447 : i32 to index
                %get3A_449 = tpu.vector_load %arg13[%get3A_448] {strides = array<i32>} : memref<1040xi32, #tpu.memory_space<vmem>>, vector<16xi32>,
                %mul3A_450 = arith.constant 16 : i32
                %mul3A_451 = arith.muli %sub3A_445, %mul3A_450 : i32
                %get3A_452 = arith.index_cast %mul3A_451 : i32 to index
                %get3A_453 = tpu.vector_load %arg18[%get3A_452] {strides = array<i32>} : memref<1040xi32, #tpu.memory_space<vmem>>, vector<16xi32>,
                %masked_sort3A = arith.constant dense<true> : vector<16xi1>
                %masked_sort3A_454 = arith.constant -2147483648 : i32
                %masked_sort3A_455 = vector.broadcast %masked_sort3A_454 : i32 to vector<16xi32>
                %masked_sort3A_456 = arith.xori %get3A_449, %masked_sort3A_455 : vector<16xi32>
                %masked_sort3A_457, %masked_sort3A_458, %masked_sort3A_459 = tpu.sort %masked_sort3A_456, %get3A_453 masked %masked_sort3A : (vector<16xi32>, vector<16xi32>, vector<16xi1>) -> (vector<16xi1>, vector<16xi32>, vector<16xi32>)
                %masked_sort3A_460 = arith.xori %masked_sort3A_458, %masked_sort3A_455 : vector<16xi32>
                %swap3A_461 = arith.constant 0 : index
                %swap3A_462 = tpu.vector_load %arg22[%swap3A_461] {strides = array<i32>} : memref<16xi32, #tpu.memory_space<vmem>>, vector<16xi32>,
                tpu.vector_store %arg22[%swap3A_461], %masked_sort3A_460 {strides = array<i32>} : memref<16xi32, #tpu.memory_space<vmem>>, vector<16xi32>,
                %swap3A_463 = arith.constant 0 : index
                %swap3A_464 = tpu.vector_load %arg26[%swap3A_463] {strides = array<i32>} : memref<16xi32, #tpu.memory_space<vmem>>, vector<16xi32>,
                tpu.vector_store %arg26[%swap3A_463], %masked_sort3A_459 {strides = array<i32>} : memref<16xi32, #tpu.memory_space<vmem>>, vector<16xi32>,
                %dma_start3A = arith.constant 0 : i32
                %dma_start3A_465 = arith.constant 0 : i32
                %dma_start3A_466 = tpu.memref_slice %arg6[%dma_start3A, %dma_start3A_465] : memref<5000x1024xf32, #tpu.memory_space<hbm>> -> memref<5000x1024xf32, #tpu.memory_space<hbm>>
                tpu.enqueue_indirect_dma source(%dma_start3A_466 : memref<5000x1024xf32, #tpu.memory_space<hbm>>) target(%arg30 : memref<16x1024xf32, #tpu.memory_space<vmem>>) offsets(%arg22 : memref<16xi32, #tpu.memory_space<vmem>>) semaphore(%arg34 : memref<!tpu.dma_semaphore, #tpu.memory_space<semaphore_mem>>)
              }
            } else {
              %sub3A_441 = arith.subi %add3A_361, %add3A_256 : i32
              %mul3A_442 = arith.constant 16 : i32
              %mul3A_443 = arith.muli %sub3A_441, %mul3A_442 : i32
              %get3A_444 = arith.index_cast %mul3A_443 : i32 to index
              %get3A_445 = tpu.vector_load %arg12[%get3A_444] {strides = array<i32>} : memref<1040xi32, #tpu.memory_space<vmem>>, vector<16xi32>,
              %mul3A_446 = arith.constant 16 : i32
              %mul3A_447 = arith.muli %sub3A_441, %mul3A_446 : i32
              %get3A_448 = arith.index_cast %mul3A_447 : i32 to index
              %get3A_449 = tpu.vector_load %arg17[%get3A_448] {strides = array<i32>} : memref<1040xi32, #tpu.memory_space<vmem>>, vector<16xi32>,
              %masked_sort3A = arith.constant dense<true> : vector<16xi1>
              %masked_sort3A_450 = arith.constant -2147483648 : i32
              %masked_sort3A_451 = vector.broadcast %masked_sort3A_450 : i32 to vector<16xi32>
              %masked_sort3A_452 = arith.xori %get3A_445, %masked_sort3A_451 : vector<16xi32>
              %masked_sort3A_453, %masked_sort3A_454, %masked_sort3A_455 = tpu.sort %masked_sort3A_452, %get3A_449 masked %masked_sort3A : (vector<16xi32>, vector<16xi32>, vector<16xi1>) -> (vector<16xi1>, vector<16xi32>, vector<16xi32>)
              %masked_sort3A_456 = arith.xori %masked_sort3A_454, %masked_sort3A_451 : vector<16xi32>
              %swap3A_457 = arith.constant 0 : index
              %swap3A_458 = tpu.vector_load %arg22[%swap3A_457] {strides = array<i32>} : memref<16xi32, #tpu.memory_space<vmem>>, vector<16xi32>,
              tpu.vector_store %arg22[%swap3A_457], %masked_sort3A_456 {strides = array<i32>} : memref<16xi32, #tpu.memory_space<vmem>>, vector<16xi32>,
              %swap3A_459 = arith.constant 0 : index
              %swap3A_460 = tpu.vector_load %arg26[%swap3A_459] {strides = array<i32>} : memref<16xi32, #tpu.memory_space<vmem>>, vector<16xi32>,
              tpu.vector_store %arg26[%swap3A_459], %masked_sort3A_455 {strides = array<i32>} : memref<16xi32, #tpu.memory_space<vmem>>, vector<16xi32>,
              %dma_start3A = arith.constant 0 : i32
              %dma_start3A_461 = arith.constant 0 : i32
              %dma_start3A_462 = tpu.memref_slice %arg5[%dma_start3A, %dma_start3A_461] : memref<1000x1024xf32, #tpu.memory_space<hbm>> -> memref<1000x1024xf32, #tpu.memory_space<hbm>>
              tpu.enqueue_indirect_dma source(%dma_start3A_462 : memref<1000x1024xf32, #tpu.memory_space<hbm>>) target(%arg30 : memref<16x1024xf32, #tpu.memory_space<vmem>>) offsets(%arg22 : memref<16xi32, #tpu.memory_space<vmem>>) semaphore(%arg34 : memref<!tpu.dma_semaphore, #tpu.memory_space<semaphore_mem>>)
            }
          } else {
            %sub3A_437 = arith.subi %add3A_361, %add3A_255 : i32
            %mul3A_438 = arith.constant 16 : i32
            %mul3A_439 = arith.muli %sub3A_437, %mul3A_438 : i32
            %get3A_440 = arith.index_cast %mul3A_439 : i32 to index
            %get3A_441 = tpu.vector_load %arg11[%get3A_440] {strides = array<i32>} : memref<1040xi32, #tpu.memory_space<vmem>>, vector<16xi32>,
            %mul3A_442 = arith.constant 16 : i32
            %mul3A_443 = arith.muli %sub3A_437, %mul3A_442 : i32
            %get3A_444 = arith.index_cast %mul3A_443 : i32 to index
            %get3A_445 = tpu.vector_load %arg16[%get3A_444] {strides = array<i32>} : memref<1040xi32, #tpu.memory_space<vmem>>, vector<16xi32>,
            %masked_sort3A = arith.constant dense<true> : vector<16xi1>
            %masked_sort3A_446 = arith.constant -2147483648 : i32
            %masked_sort3A_447 = vector.broadcast %masked_sort3A_446 : i32 to vector<16xi32>
            %masked_sort3A_448 = arith.xori %get3A_441, %masked_sort3A_447 : vector<16xi32>
            %masked_sort3A_449, %masked_sort3A_450, %masked_sort3A_451 = tpu.sort %masked_sort3A_448, %get3A_445 masked %masked_sort3A : (vector<16xi32>, vector<16xi32>, vector<16xi1>) -> (vector<16xi1>, vector<16xi32>, vector<16xi32>)
            %masked_sort3A_452 = arith.xori %masked_sort3A_450, %masked_sort3A_447 : vector<16xi32>
            %swap3A_453 = arith.constant 0 : index
            %swap3A_454 = tpu.vector_load %arg22[%swap3A_453] {strides = array<i32>} : memref<16xi32, #tpu.memory_space<vmem>>, vector<16xi32>,
            tpu.vector_store %arg22[%swap3A_453], %masked_sort3A_452 {strides = array<i32>} : memref<16xi32, #tpu.memory_space<vmem>>, vector<16xi32>,
            %swap3A_455 = arith.constant 0 : index
            %swap3A_456 = tpu.vector_load %arg26[%swap3A_455] {strides = array<i32>} : memref<16xi32, #tpu.memory_space<vmem>>, vector<16xi32>,
            tpu.vector_store %arg26[%swap3A_455], %masked_sort3A_451 {strides = array<i32>} : memref<16xi32, #tpu.memory_space<vmem>>, vector<16xi32>,
            %dma_start3A = arith.constant 0 : i32
            %dma_start3A_457 = arith.constant 0 : i32
            %dma_start3A_458 = tpu.memref_slice %arg4[%dma_start3A, %dma_start3A_457] : memref<10000x1024xf32, #tpu.memory_space<hbm>> -> memref<10000x1024xf32, #tpu.memory_space<hbm>>
            tpu.enqueue_indirect_dma source(%dma_start3A_458 : memref<10000x1024xf32, #tpu.memory_space<hbm>>) target(%arg30 : memref<16x1024xf32, #tpu.memory_space<vmem>>) offsets(%arg22 : memref<16xi32, #tpu.memory_space<vmem>>) semaphore(%arg34 : memref<!tpu.dma_semaphore, #tpu.memory_space<semaphore_mem>>)
          }
        } else {
          %sub3A_433 = arith.constant 0 : i32
          %sub3A_434 = arith.subi %add3A_361, %sub3A_433 : i32
          %mul3A_435 = arith.constant 16 : i32
          %mul3A_436 = arith.muli %sub3A_434, %mul3A_435 : i32
          %get3A_437 = arith.index_cast %mul3A_436 : i32 to index
          %get3A_438 = tpu.vector_load %arg10[%get3A_437] {strides = array<i32>} : memref<1040xi32, #tpu.memory_space<vmem>>, vector<16xi32>,
          %mul3A_439 = arith.constant 16 : i32
          %mul3A_440 = arith.muli %sub3A_434, %mul3A_439 : i32
          %get3A_441 = arith.index_cast %mul3A_440 : i32 to index
          %get3A_442 = tpu.vector_load %arg15[%get3A_441] {strides = array<i32>} : memref<1040xi32, #tpu.memory_space<vmem>>, vector<16xi32>,
          %masked_sort3A = arith.constant dense<true> : vector<16xi1>
          %masked_sort3A_443 = arith.constant -2147483648 : i32
          %masked_sort3A_444 = vector.broadcast %masked_sort3A_443 : i32 to vector<16xi32>
          %masked_sort3A_445 = arith.xori %get3A_438, %masked_sort3A_444 : vector<16xi32>
          %masked_sort3A_446, %masked_sort3A_447, %masked_sort3A_448 = tpu.sort %masked_sort3A_445, %get3A_442 masked %masked_sort3A : (vector<16xi32>, vector<16xi32>, vector<16xi1>) -> (vector<16xi1>, vector<16xi32>, vector<16xi32>)
          %masked_sort3A_449 = arith.xori %masked_sort3A_447, %masked_sort3A_444 : vector<16xi32>
          %swap3A_450 = arith.constant 0 : index
          %swap3A_451 = tpu.vector_load %arg22[%swap3A_450] {strides = array<i32>} : memref<16xi32, #tpu.memory_space<vmem>>, vector<16xi32>,
          tpu.vector_store %arg22[%swap3A_450], %masked_sort3A_449 {strides = array<i32>} : memref<16xi32, #tpu.memory_space<vmem>>, vector<16xi32>,
          %swap3A_452 = arith.constant 0 : index
          %swap3A_453 = tpu.vector_load %arg26[%swap3A_452] {strides = array<i32>} : memref<16xi32, #tpu.memory_space<vmem>>, vector<16xi32>,
          tpu.vector_store %arg26[%swap3A_452], %masked_sort3A_448 {strides = array<i32>} : memref<16xi32, #tpu.memory_space<vmem>>, vector<16xi32>,
          %dma_start3A = arith.constant 0 : i32
          %dma_start3A_454 = arith.constant 0 : i32
          %dma_start3A_455 = tpu.memref_slice %arg3[%dma_start3A, %dma_start3A_454] : memref<100000x1024xf32, #tpu.memory_space<hbm>> -> memref<100000x1024xf32, #tpu.memory_space<hbm>>
          tpu.enqueue_indirect_dma source(%dma_start3A_455 : memref<100000x1024xf32, #tpu.memory_space<hbm>>) target(%arg30 : memref<16x1024xf32, #tpu.memory_space<vmem>>) offsets(%arg22 : memref<16xi32, #tpu.memory_space<vmem>>) semaphore(%arg34 : memref<!tpu.dma_semaphore, #tpu.memory_space<semaphore_mem>>)
        }
      } else {
      }
      %mul3A_371 = arith.constant 4 : i32
      %mul3A_372 = arith.muli %while3A_332, %mul3A_371 : i32
      %add3A_373 = arith.constant 3 : i32
      %add3A_374 = arith.addi %mul3A_372, %add3A_373 : i32
      %gt3A_375 = arith.constant 0 : i32
      %gt3A_376 = arith.cmpi sgt, %while3A_332, %gt3A_375 : i32
      %convert_element_type3A_377 = arith.extui %gt3A_376 : i1 to i32
      %cond3A_378 = arith.constant 0 : i32
      %cond3A_379 = arith.cmpi ne, %convert_element_type3A_377, %cond3A_378 : i32
      scf.if %cond3A_379 {
        %dma_wait3A = arith.constant 0 : i32
        %dma_wait3A_416 = arith.constant 0 : i32
        %dma_wait3A_417 = tpu.memref_slice %arg8[%dma_wait3A, %dma_wait3A_416] : memref<32768x1024xf32, #tpu.memory_space<hbm>> -> memref<32768x1024xf32, #tpu.memory_space<hbm>>
        tpu.wait_indirect_dma semaphore(%arg39 : memref<!tpu.dma_semaphore, #tpu.memory_space<semaphore_mem>>) src(%arg31 : memref<16x1024xf32, #tpu.memory_space<vmem>>) dst(%dma_wait3A_417 : memref<32768x1024xf32, #tpu.memory_space<hbm>>)
      } else {
      }
      %lt3A_380 = arith.cmpi slt, %add3A_374, %add3A_259 : i32
      %convert_element_type3A_381 = arith.extui %lt3A_380 : i1 to i32
      %cond3A_382 = arith.constant 0 : i32
      %cond3A_383 = arith.cmpi ne, %convert_element_type3A_381, %cond3A_382 : i32
      scf.if %cond3A_383 {
        %ge3A = arith.cmpi sge, %add3A_374, %add3A_255 : i32
        %convert_element_type3A_416 = arith.extui %ge3A : i1 to i32
        %add3A_417 = arith.constant 0 : i32
        %add3A_418 = arith.addi %add3A_417, %convert_element_type3A_416 : i32
        %ge3A_419 = arith.cmpi sge, %add3A_374, %add3A_256 : i32
        %convert_element_type3A_420 = arith.extui %ge3A_419 : i1 to i32
        %add3A_421 = arith.addi %add3A_418, %convert_element_type3A_420 : i32
        %ge3A_422 = arith.cmpi sge, %add3A_374, %add3A_257 : i32
        %convert_element_type3A_423 = arith.extui %ge3A_422 : i1 to i32
        %add3A_424 = arith.addi %add3A_421, %convert_element_type3A_423 : i32
        %ge3A_425 = arith.cmpi sge, %add3A_374, %add3A_258 : i32
        %convert_element_type3A_426 = arith.extui %ge3A_425 : i1 to i32
        %add3A_427 = arith.addi %add3A_424, %convert_element_type3A_426 : i32
        %clamp3A = arith.constant 0 : i32
        %clamp3A_428 = arith.constant 4 : i32
        %clamp3A_429 = arith.maxsi %add3A_427, %clamp3A : i32
        %clamp3A_430 = arith.minsi %clamp3A_429, %clamp3A_428 : i32
        %cond3A_431 = arith.constant 0 : i32
        %cond3A_432 = arith.cmpi ne, %clamp3A_430, %cond3A_431 : i32
        scf.if %cond3A_432 {
          %cond3A_433 = arith.constant 1 : i32
          %cond3A_434 = arith.subi %clamp3A_430, %cond3A_433 : i32
          %cond3A_435 = arith.constant 0 : i32
          %cond3A_436 = arith.cmpi ne, %cond3A_434, %cond3A_435 : i32
          scf.if %cond3A_436 {
            %cond3A_437 = arith.constant 1 : i32
            %cond3A_438 = arith.subi %cond3A_434, %cond3A_437 : i32
            %cond3A_439 = arith.constant 0 : i32
            %cond3A_440 = arith.cmpi ne, %cond3A_438, %cond3A_439 : i32
            scf.if %cond3A_440 {
              %cond3A_441 = arith.constant 1 : i32
              %cond3A_442 = arith.subi %cond3A_438, %cond3A_441 : i32
              %cond3A_443 = arith.constant 0 : i32
              %cond3A_444 = arith.cmpi ne, %cond3A_442, %cond3A_443 : i32
              scf.if %cond3A_444 {
                %sub3A_445 = arith.subi %add3A_374, %add3A_258 : i32
                %mul3A_446 = arith.constant 16 : i32
                %mul3A_447 = arith.muli %sub3A_445, %mul3A_446 : i32
                %get3A_448 = arith.index_cast %mul3A_447 : i32 to index
                %get3A_449 = tpu.vector_load %arg14[%get3A_448] {strides = array<i32>} : memref<1040xi32, #tpu.memory_space<vmem>>, vector<16xi32>,
                %mul3A_450 = arith.constant 16 : i32
                %mul3A_451 = arith.muli %sub3A_445, %mul3A_450 : i32
                %get3A_452 = arith.index_cast %mul3A_451 : i32 to index
                %get3A_453 = tpu.vector_load %arg19[%get3A_452] {strides = array<i32>} : memref<1040xi32, #tpu.memory_space<vmem>>, vector<16xi32>,
                %masked_sort3A = arith.constant dense<true> : vector<16xi1>
                %masked_sort3A_454 = arith.constant -2147483648 : i32
                %masked_sort3A_455 = vector.broadcast %masked_sort3A_454 : i32 to vector<16xi32>
                %masked_sort3A_456 = arith.xori %get3A_449, %masked_sort3A_455 : vector<16xi32>
                %masked_sort3A_457, %masked_sort3A_458, %masked_sort3A_459 = tpu.sort %masked_sort3A_456, %get3A_453 masked %masked_sort3A : (vector<16xi32>, vector<16xi32>, vector<16xi1>) -> (vector<16xi1>, vector<16xi32>, vector<16xi32>)
                %masked_sort3A_460 = arith.xori %masked_sort3A_458, %masked_sort3A_455 : vector<16xi32>
                %swap3A_461 = arith.constant 0 : index
                %swap3A_462 = tpu.vector_load %arg23[%swap3A_461] {strides = array<i32>} : memref<16xi32, #tpu.memory_space<vmem>>, vector<16xi32>,
                tpu.vector_store %arg23[%swap3A_461], %masked_sort3A_460 {strides = array<i32>} : memref<16xi32, #tpu.memory_space<vmem>>, vector<16xi32>,
                %swap3A_463 = arith.constant 0 : index
                %swap3A_464 = tpu.vector_load %arg27[%swap3A_463] {strides = array<i32>} : memref<16xi32, #tpu.memory_space<vmem>>, vector<16xi32>,
                tpu.vector_store %arg27[%swap3A_463], %masked_sort3A_459 {strides = array<i32>} : memref<16xi32, #tpu.memory_space<vmem>>, vector<16xi32>,
                %dma_start3A = arith.constant 0 : i32
                %dma_start3A_465 = arith.constant 0 : i32
                %dma_start3A_466 = tpu.memref_slice %arg7[%dma_start3A, %dma_start3A_465] : memref<12000x1024xf32, #tpu.memory_space<hbm>> -> memref<12000x1024xf32, #tpu.memory_space<hbm>>
                tpu.enqueue_indirect_dma source(%dma_start3A_466 : memref<12000x1024xf32, #tpu.memory_space<hbm>>) target(%arg31 : memref<16x1024xf32, #tpu.memory_space<vmem>>) offsets(%arg23 : memref<16xi32, #tpu.memory_space<vmem>>) semaphore(%arg35 : memref<!tpu.dma_semaphore, #tpu.memory_space<semaphore_mem>>)
              } else {
                %sub3A_445 = arith.subi %add3A_374, %add3A_257 : i32
                %mul3A_446 = arith.constant 16 : i32
                %mul3A_447 = arith.muli %sub3A_445, %mul3A_446 : i32
                %get3A_448 = arith.index_cast %mul3A_447 : i32 to index
                %get3A_449 = tpu.vector_load %arg13[%get3A_448] {strides = array<i32>} : memref<1040xi32, #tpu.memory_space<vmem>>, vector<16xi32>,
                %mul3A_450 = arith.constant 16 : i32
                %mul3A_451 = arith.muli %sub3A_445, %mul3A_450 : i32
                %get3A_452 = arith.index_cast %mul3A_451 : i32 to index
                %get3A_453 = tpu.vector_load %arg18[%get3A_452] {strides = array<i32>} : memref<1040xi32, #tpu.memory_space<vmem>>, vector<16xi32>,
                %masked_sort3A = arith.constant dense<true> : vector<16xi1>
                %masked_sort3A_454 = arith.constant -2147483648 : i32
                %masked_sort3A_455 = vector.broadcast %masked_sort3A_454 : i32 to vector<16xi32>
                %masked_sort3A_456 = arith.xori %get3A_449, %masked_sort3A_455 : vector<16xi32>
                %masked_sort3A_457, %masked_sort3A_458, %masked_sort3A_459 = tpu.sort %masked_sort3A_456, %get3A_453 masked %masked_sort3A : (vector<16xi32>, vector<16xi32>, vector<16xi1>) -> (vector<16xi1>, vector<16xi32>, vector<16xi32>)
                %masked_sort3A_460 = arith.xori %masked_sort3A_458, %masked_sort3A_455 : vector<16xi32>
                %swap3A_461 = arith.constant 0 : index
                %swap3A_462 = tpu.vector_load %arg23[%swap3A_461] {strides = array<i32>} : memref<16xi32, #tpu.memory_space<vmem>>, vector<16xi32>,
                tpu.vector_store %arg23[%swap3A_461], %masked_sort3A_460 {strides = array<i32>} : memref<16xi32, #tpu.memory_space<vmem>>, vector<16xi32>,
                %swap3A_463 = arith.constant 0 : index
                %swap3A_464 = tpu.vector_load %arg27[%swap3A_463] {strides = array<i32>} : memref<16xi32, #tpu.memory_space<vmem>>, vector<16xi32>,
                tpu.vector_store %arg27[%swap3A_463], %masked_sort3A_459 {strides = array<i32>} : memref<16xi32, #tpu.memory_space<vmem>>, vector<16xi32>,
                %dma_start3A = arith.constant 0 : i32
                %dma_start3A_465 = arith.constant 0 : i32
                %dma_start3A_466 = tpu.memref_slice %arg6[%dma_start3A, %dma_start3A_465] : memref<5000x1024xf32, #tpu.memory_space<hbm>> -> memref<5000x1024xf32, #tpu.memory_space<hbm>>
                tpu.enqueue_indirect_dma source(%dma_start3A_466 : memref<5000x1024xf32, #tpu.memory_space<hbm>>) target(%arg31 : memref<16x1024xf32, #tpu.memory_space<vmem>>) offsets(%arg23 : memref<16xi32, #tpu.memory_space<vmem>>) semaphore(%arg35 : memref<!tpu.dma_semaphore, #tpu.memory_space<semaphore_mem>>)
              }
            } else {
              %sub3A_441 = arith.subi %add3A_374, %add3A_256 : i32
              %mul3A_442 = arith.constant 16 : i32
              %mul3A_443 = arith.muli %sub3A_441, %mul3A_442 : i32
              %get3A_444 = arith.index_cast %mul3A_443 : i32 to index
              %get3A_445 = tpu.vector_load %arg12[%get3A_444] {strides = array<i32>} : memref<1040xi32, #tpu.memory_space<vmem>>, vector<16xi32>,
              %mul3A_446 = arith.constant 16 : i32
              %mul3A_447 = arith.muli %sub3A_441, %mul3A_446 : i32
              %get3A_448 = arith.index_cast %mul3A_447 : i32 to index
              %get3A_449 = tpu.vector_load %arg17[%get3A_448] {strides = array<i32>} : memref<1040xi32, #tpu.memory_space<vmem>>, vector<16xi32>,
              %masked_sort3A = arith.constant dense<true> : vector<16xi1>
              %masked_sort3A_450 = arith.constant -2147483648 : i32
              %masked_sort3A_451 = vector.broadcast %masked_sort3A_450 : i32 to vector<16xi32>
              %masked_sort3A_452 = arith.xori %get3A_445, %masked_sort3A_451 : vector<16xi32>
              %masked_sort3A_453, %masked_sort3A_454, %masked_sort3A_455 = tpu.sort %masked_sort3A_452, %get3A_449 masked %masked_sort3A : (vector<16xi32>, vector<16xi32>, vector<16xi1>) -> (vector<16xi1>, vector<16xi32>, vector<16xi32>)
              %masked_sort3A_456 = arith.xori %masked_sort3A_454, %masked_sort3A_451 : vector<16xi32>
              %swap3A_457 = arith.constant 0 : index
              %swap3A_458 = tpu.vector_load %arg23[%swap3A_457] {strides = array<i32>} : memref<16xi32, #tpu.memory_space<vmem>>, vector<16xi32>,
              tpu.vector_store %arg23[%swap3A_457], %masked_sort3A_456 {strides = array<i32>} : memref<16xi32, #tpu.memory_space<vmem>>, vector<16xi32>,
              %swap3A_459 = arith.constant 0 : index
              %swap3A_460 = tpu.vector_load %arg27[%swap3A_459] {strides = array<i32>} : memref<16xi32, #tpu.memory_space<vmem>>, vector<16xi32>,
              tpu.vector_store %arg27[%swap3A_459], %masked_sort3A_455 {strides = array<i32>} : memref<16xi32, #tpu.memory_space<vmem>>, vector<16xi32>,
              %dma_start3A = arith.constant 0 : i32
              %dma_start3A_461 = arith.constant 0 : i32
              %dma_start3A_462 = tpu.memref_slice %arg5[%dma_start3A, %dma_start3A_461] : memref<1000x1024xf32, #tpu.memory_space<hbm>> -> memref<1000x1024xf32, #tpu.memory_space<hbm>>
              tpu.enqueue_indirect_dma source(%dma_start3A_462 : memref<1000x1024xf32, #tpu.memory_space<hbm>>) target(%arg31 : memref<16x1024xf32, #tpu.memory_space<vmem>>) offsets(%arg23 : memref<16xi32, #tpu.memory_space<vmem>>) semaphore(%arg35 : memref<!tpu.dma_semaphore, #tpu.memory_space<semaphore_mem>>)
            }
          } else {
            %sub3A_437 = arith.subi %add3A_374, %add3A_255 : i32
            %mul3A_438 = arith.constant 16 : i32
            %mul3A_439 = arith.muli %sub3A_437, %mul3A_438 : i32
            %get3A_440 = arith.index_cast %mul3A_439 : i32 to index
            %get3A_441 = tpu.vector_load %arg11[%get3A_440] {strides = array<i32>} : memref<1040xi32, #tpu.memory_space<vmem>>, vector<16xi32>,
            %mul3A_442 = arith.constant 16 : i32
            %mul3A_443 = arith.muli %sub3A_437, %mul3A_442 : i32
            %get3A_444 = arith.index_cast %mul3A_443 : i32 to index
            %get3A_445 = tpu.vector_load %arg16[%get3A_444] {strides = array<i32>} : memref<1040xi32, #tpu.memory_space<vmem>>, vector<16xi32>,
            %masked_sort3A = arith.constant dense<true> : vector<16xi1>
            %masked_sort3A_446 = arith.constant -2147483648 : i32
            %masked_sort3A_447 = vector.broadcast %masked_sort3A_446 : i32 to vector<16xi32>
            %masked_sort3A_448 = arith.xori %get3A_441, %masked_sort3A_447 : vector<16xi32>
            %masked_sort3A_449, %masked_sort3A_450, %masked_sort3A_451 = tpu.sort %masked_sort3A_448, %get3A_445 masked %masked_sort3A : (vector<16xi32>, vector<16xi32>, vector<16xi1>) -> (vector<16xi1>, vector<16xi32>, vector<16xi32>)
            %masked_sort3A_452 = arith.xori %masked_sort3A_450, %masked_sort3A_447 : vector<16xi32>
            %swap3A_453 = arith.constant 0 : index
            %swap3A_454 = tpu.vector_load %arg23[%swap3A_453] {strides = array<i32>} : memref<16xi32, #tpu.memory_space<vmem>>, vector<16xi32>,
            tpu.vector_store %arg23[%swap3A_453], %masked_sort3A_452 {strides = array<i32>} : memref<16xi32, #tpu.memory_space<vmem>>, vector<16xi32>,
            %swap3A_455 = arith.constant 0 : index
            %swap3A_456 = tpu.vector_load %arg27[%swap3A_455] {strides = array<i32>} : memref<16xi32, #tpu.memory_space<vmem>>, vector<16xi32>,
            tpu.vector_store %arg27[%swap3A_455], %masked_sort3A_451 {strides = array<i32>} : memref<16xi32, #tpu.memory_space<vmem>>, vector<16xi32>,
            %dma_start3A = arith.constant 0 : i32
            %dma_start3A_457 = arith.constant 0 : i32
            %dma_start3A_458 = tpu.memref_slice %arg4[%dma_start3A, %dma_start3A_457] : memref<10000x1024xf32, #tpu.memory_space<hbm>> -> memref<10000x1024xf32, #tpu.memory_space<hbm>>
            tpu.enqueue_indirect_dma source(%dma_start3A_458 : memref<10000x1024xf32, #tpu.memory_space<hbm>>) target(%arg31 : memref<16x1024xf32, #tpu.memory_space<vmem>>) offsets(%arg23 : memref<16xi32, #tpu.memory_space<vmem>>) semaphore(%arg35 : memref<!tpu.dma_semaphore, #tpu.memory_space<semaphore_mem>>)
          }
        } else {
          %sub3A_433 = arith.constant 0 : i32
          %sub3A_434 = arith.subi %add3A_374, %sub3A_433 : i32
          %mul3A_435 = arith.constant 16 : i32
          %mul3A_436 = arith.muli %sub3A_434, %mul3A_435 : i32
          %get3A_437 = arith.index_cast %mul3A_436 : i32 to index
          %get3A_438 = tpu.vector_load %arg10[%get3A_437] {strides = array<i32>} : memref<1040xi32, #tpu.memory_space<vmem>>, vector<16xi32>,
          %mul3A_439 = arith.constant 16 : i32
          %mul3A_440 = arith.muli %sub3A_434, %mul3A_439 : i32
          %get3A_441 = arith.index_cast %mul3A_440 : i32 to index
          %get3A_442 = tpu.vector_load %arg15[%get3A_441] {strides = array<i32>} : memref<1040xi32, #tpu.memory_space<vmem>>, vector<16xi32>,
          %masked_sort3A = arith.constant dense<true> : vector<16xi1>
          %masked_sort3A_443 = arith.constant -2147483648 : i32
          %masked_sort3A_444 = vector.broadcast %masked_sort3A_443 : i32 to vector<16xi32>
          %masked_sort3A_445 = arith.xori %get3A_438, %masked_sort3A_444 : vector<16xi32>
          %masked_sort3A_446, %masked_sort3A_447, %masked_sort3A_448 = tpu.sort %masked_sort3A_445, %get3A_442 masked %masked_sort3A : (vector<16xi32>, vector<16xi32>, vector<16xi1>) -> (vector<16xi1>, vector<16xi32>, vector<16xi32>)
          %masked_sort3A_449 = arith.xori %masked_sort3A_447, %masked_sort3A_444 : vector<16xi32>
          %swap3A_450 = arith.constant 0 : index
          %swap3A_451 = tpu.vector_load %arg23[%swap3A_450] {strides = array<i32>} : memref<16xi32, #tpu.memory_space<vmem>>, vector<16xi32>,
          tpu.vector_store %arg23[%swap3A_450], %masked_sort3A_449 {strides = array<i32>} : memref<16xi32, #tpu.memory_space<vmem>>, vector<16xi32>,
          %swap3A_452 = arith.constant 0 : index
          %swap3A_453 = tpu.vector_load %arg27[%swap3A_452] {strides = array<i32>} : memref<16xi32, #tpu.memory_space<vmem>>, vector<16xi32>,
          tpu.vector_store %arg27[%swap3A_452], %masked_sort3A_448 {strides = array<i32>} : memref<16xi32, #tpu.memory_space<vmem>>, vector<16xi32>,
          %dma_start3A = arith.constant 0 : i32
          %dma_start3A_454 = arith.constant 0 : i32
          %dma_start3A_455 = tpu.memref_slice %arg3[%dma_start3A, %dma_start3A_454] : memref<100000x1024xf32, #tpu.memory_space<hbm>> -> memref<100000x1024xf32, #tpu.memory_space<hbm>>
          tpu.enqueue_indirect_dma source(%dma_start3A_455 : memref<100000x1024xf32, #tpu.memory_space<hbm>>) target(%arg31 : memref<16x1024xf32, #tpu.memory_space<vmem>>) offsets(%arg23 : memref<16xi32, #tpu.memory_space<vmem>>) semaphore(%arg35 : memref<!tpu.dma_semaphore, #tpu.memory_space<semaphore_mem>>)
        }
      } else {
      }
      %mul3A_384 = arith.constant 4 : i32
      %mul3A_385 = arith.muli %while3A_332, %mul3A_384 : i32
      %add3A_386 = arith.constant 0 : i32
      %add3A_387 = arith.addi %mul3A_385, %add3A_386 : i32
      %lt3A_388 = arith.cmpi slt, %add3A_387, %add3A_259 : i32
      %convert_element_type3A_389 = arith.extui %lt3A_388 : i1 to i32
      %cond3A_390 = arith.constant 0 : i32
      %cond3A_391 = arith.cmpi ne, %convert_element_type3A_389, %cond3A_390 : i32
      scf.if %cond3A_391 {
        %dma_wait3A = arith.constant 0 : i32
        %dma_wait3A_416 = arith.constant 0 : i32
        %dma_wait3A_417 = tpu.memref_slice %arg3[%dma_wait3A, %dma_wait3A_416] : memref<100000x1024xf32, #tpu.memory_space<hbm>> -> memref<100000x1024xf32, #tpu.memory_space<hbm>>
        tpu.wait_indirect_dma semaphore(%arg32 : memref<!tpu.dma_semaphore, #tpu.memory_space<semaphore_mem>>) src(%dma_wait3A_417 : memref<100000x1024xf32, #tpu.memory_space<hbm>>) dst(%arg28 : memref<16x1024xf32, #tpu.memory_space<vmem>>)
        %dma_start3A = arith.constant 0 : i32
        %dma_start3A_418 = arith.constant 0 : i32
        %dma_start3A_419 = tpu.memref_slice %arg8[%dma_start3A, %dma_start3A_418] : memref<32768x1024xf32, #tpu.memory_space<hbm>> -> memref<32768x1024xf32, #tpu.memory_space<hbm>>
        tpu.enqueue_indirect_dma source(%arg28 : memref<16x1024xf32, #tpu.memory_space<vmem>>) target(%dma_start3A_419 : memref<32768x1024xf32, #tpu.memory_space<hbm>>) offsets(%arg24 : memref<16xi32, #tpu.memory_space<vmem>>) semaphore(%arg36 : memref<!tpu.dma_semaphore, #tpu.memory_space<semaphore_mem>>)
      } else {
      }
      %mul3A_392 = arith.constant 4 : i32
      %mul3A_393 = arith.muli %while3A_332, %mul3A_392 : i32
      %add3A_394 = arith.constant 1 : i32
      %add3A_395 = arith.addi %mul3A_393, %add3A_394 : i32
      %lt3A_396 = arith.cmpi slt, %add3A_395, %add3A_259 : i32
      %convert_element_type3A_397 = arith.extui %lt3A_396 : i1 to i32
      %cond3A_398 = arith.constant 0 : i32
      %cond3A_399 = arith.cmpi ne, %convert_element_type3A_397, %cond3A_398 : i32
      scf.if %cond3A_399 {
        %dma_wait3A = arith.constant 0 : i32
        %dma_wait3A_416 = arith.constant 0 : i32
        %dma_wait3A_417 = tpu.memref_slice %arg3[%dma_wait3A, %dma_wait3A_416] : memref<100000x1024xf32, #tpu.memory_space<hbm>> -> memref<100000x1024xf32, #tpu.memory_space<hbm>>
        tpu.wait_indirect_dma semaphore(%arg33 : memref<!tpu.dma_semaphore, #tpu.memory_space<semaphore_mem>>) src(%dma_wait3A_417 : memref<100000x1024xf32, #tpu.memory_space<hbm>>) dst(%arg29 : memref<16x1024xf32, #tpu.memory_space<vmem>>)
        %dma_start3A = arith.constant 0 : i32
        %dma_start3A_418 = arith.constant 0 : i32
        %dma_start3A_419 = tpu.memref_slice %arg8[%dma_start3A, %dma_start3A_418] : memref<32768x1024xf32, #tpu.memory_space<hbm>> -> memref<32768x1024xf32, #tpu.memory_space<hbm>>
        tpu.enqueue_indirect_dma source(%arg29 : memref<16x1024xf32, #tpu.memory_space<vmem>>) target(%dma_start3A_419 : memref<32768x1024xf32, #tpu.memory_space<hbm>>) offsets(%arg25 : memref<16xi32, #tpu.memory_space<vmem>>) semaphore(%arg37 : memref<!tpu.dma_semaphore, #tpu.memory_space<semaphore_mem>>)
      } else {
      }
      %mul3A_400 = arith.constant 4 : i32
      %mul3A_401 = arith.muli %while3A_332, %mul3A_400 : i32
      %add3A_402 = arith.constant 2 : i32
      %add3A_403 = arith.addi %mul3A_401, %add3A_402 : i32
      %lt3A_404 = arith.cmpi slt, %add3A_403, %add3A_259 : i32
      %convert_element_type3A_405 = arith.extui %lt3A_404 : i1 to i32
      %cond3A_406 = arith.constant 0 : i32
      %cond3A_407 = arith.cmpi ne, %convert_element_type3A_405, %cond3A_406 : i32
      scf.if %cond3A_407 {
        %dma_wait3A = arith.constant 0 : i32
        %dma_wait3A_416 = arith.constant 0 : i32
        %dma_wait3A_417 = tpu.memref_slice %arg3[%dma_wait3A, %dma_wait3A_416] : memref<100000x1024xf32, #tpu.memory_space<hbm>> -> memref<100000x1024xf32, #tpu.memory_space<hbm>>
        tpu.wait_indirect_dma semaphore(%arg34 : memref<!tpu.dma_semaphore, #tpu.memory_space<semaphore_mem>>) src(%dma_wait3A_417 : memref<100000x1024xf32, #tpu.memory_space<hbm>>) dst(%arg30 : memref<16x1024xf32, #tpu.memory_space<vmem>>)
        %dma_start3A = arith.constant 0 : i32
        %dma_start3A_418 = arith.constant 0 : i32
        %dma_start3A_419 = tpu.memref_slice %arg8[%dma_start3A, %dma_start3A_418] : memref<32768x1024xf32, #tpu.memory_space<hbm>> -> memref<32768x1024xf32, #tpu.memory_space<hbm>>
        tpu.enqueue_indirect_dma source(%arg30 : memref<16x1024xf32, #tpu.memory_space<vmem>>) target(%dma_start3A_419 : memref<32768x1024xf32, #tpu.memory_space<hbm>>) offsets(%arg26 : memref<16xi32, #tpu.memory_space<vmem>>) semaphore(%arg38 : memref<!tpu.dma_semaphore, #tpu.memory_space<semaphore_mem>>)
      } else {
      }
      %mul3A_408 = arith.constant 4 : i32
      %mul3A_409 = arith.muli %while3A_332, %mul3A_408 : i32
      %add3A_410 = arith.constant 3 : i32
      %add3A_411 = arith.addi %mul3A_409, %add3A_410 : i32
      %lt3A_412 = arith.cmpi slt, %add3A_411, %add3A_259 : i32
      %convert_element_type3A_413 = arith.extui %lt3A_412 : i1 to i32
      %cond3A_414 = arith.constant 0 : i32
      %cond3A_415 = arith.cmpi ne, %convert_element_type3A_413, %cond3A_414 : i32
      scf.if %cond3A_415 {
        %dma_wait3A = arith.constant 0 : i32
        %dma_wait3A_416 = arith.constant 0 : i32
        %dma_wait3A_417 = tpu.memref_slice %arg3[%dma_wait3A, %dma_wait3A_416] : memref<100000x1024xf32, #tpu.memory_space<hbm>> -> memref<100000x1024xf32, #tpu.memory_space<hbm>>
        tpu.wait_indirect_dma semaphore(%arg35 : memref<!tpu.dma_semaphore, #tpu.memory_space<semaphore_mem>>) src(%dma_wait3A_417 : memref<100000x1024xf32, #tpu.memory_space<hbm>>) dst(%arg31 : memref<16x1024xf32, #tpu.memory_space<vmem>>)
        %dma_start3A = arith.constant 0 : i32
        %dma_start3A_418 = arith.constant 0 : i32
        %dma_start3A_419 = tpu.memref_slice %arg8[%dma_start3A, %dma_start3A_418] : memref<32768x1024xf32, #tpu.memory_space<hbm>> -> memref<32768x1024xf32, #tpu.memory_space<hbm>>
        tpu.enqueue_indirect_dma source(%arg31 : memref<16x1024xf32, #tpu.memory_space<vmem>>) target(%dma_start3A_419 : memref<32768x1024xf32, #tpu.memory_space<hbm>>) offsets(%arg27 : memref<16xi32, #tpu.memory_space<vmem>>) semaphore(%arg39 : memref<!tpu.dma_semaphore, #tpu.memory_space<semaphore_mem>>)
      } else {
      }
    }
    %sub3A_295 = arith.constant 1 : i32
    %sub3A_296 = arith.subi %select_n3A_285, %sub3A_295 : i32
    %mul3A_297 = arith.constant 4 : i32
    %mul3A_298 = arith.muli %sub3A_296, %mul3A_297 : i32
    %add3A_299 = arith.constant 0 : i32
    %add3A_300 = arith.addi %mul3A_298, %add3A_299 : i32
    %lt3A = arith.cmpi slt, %add3A_300, %add3A_259 : i32
    %convert_element_type3A = arith.extui %lt3A : i1 to i32
    %cond3A = arith.constant 0 : i32
    %cond3A_301 = arith.cmpi ne, %convert_element_type3A, %cond3A : i32
    scf.if %cond3A_301 {
      %dma_wait3A = arith.constant 0 : i32
      %dma_wait3A_332 = arith.constant 0 : i32
      %dma_wait3A_333 = tpu.memref_slice %arg8[%dma_wait3A, %dma_wait3A_332] : memref<32768x1024xf32, #tpu.memory_space<hbm>> -> memref<32768x1024xf32, #tpu.memory_space<hbm>>
      tpu.wait_indirect_dma semaphore(%arg36 : memref<!tpu.dma_semaphore, #tpu.memory_space<semaphore_mem>>) src(%arg28 : memref<16x1024xf32, #tpu.memory_space<vmem>>) dst(%dma_wait3A_333 : memref<32768x1024xf32, #tpu.memory_space<hbm>>)
    } else {
    }
    %sub3A_302 = arith.constant 1 : i32
    %sub3A_303 = arith.subi %select_n3A_285, %sub3A_302 : i32
    %mul3A_304 = arith.constant 4 : i32
    %mul3A_305 = arith.muli %sub3A_303, %mul3A_304 : i32
    %add3A_306 = arith.constant 1 : i32
    %add3A_307 = arith.addi %mul3A_305, %add3A_306 : i32
    %lt3A_308 = arith.cmpi slt, %add3A_307, %add3A_259 : i32
    %convert_element_type3A_309 = arith.extui %lt3A_308 : i1 to i32
    %cond3A_310 = arith.constant 0 : i32
    %cond3A_311 = arith.cmpi ne, %convert_element_type3A_309, %cond3A_310 : i32
    scf.if %cond3A_311 {
      %dma_wait3A = arith.constant 0 : i32
      %dma_wait3A_332 = arith.constant 0 : i32
      %dma_wait3A_333 = tpu.memref_slice %arg8[%dma_wait3A, %dma_wait3A_332] : memref<32768x1024xf32, #tpu.memory_space<hbm>> -> memref<32768x1024xf32, #tpu.memory_space<hbm>>
      tpu.wait_indirect_dma semaphore(%arg37 : memref<!tpu.dma_semaphore, #tpu.memory_space<semaphore_mem>>) src(%arg29 : memref<16x1024xf32, #tpu.memory_space<vmem>>) dst(%dma_wait3A_333 : memref<32768x1024xf32, #tpu.memory_space<hbm>>)
    } else {
    }
    %sub3A_312 = arith.constant 1 : i32
    %sub3A_313 = arith.subi %select_n3A_285, %sub3A_312 : i32
    %mul3A_314 = arith.constant 4 : i32
    %mul3A_315 = arith.muli %sub3A_313, %mul3A_314 : i32
    %add3A_316 = arith.constant 2 : i32
    %add3A_317 = arith.addi %mul3A_315, %add3A_316 : i32
    %lt3A_318 = arith.cmpi slt, %add3A_317, %add3A_259 : i32
    %convert_element_type3A_319 = arith.extui %lt3A_318 : i1 to i32
    %cond3A_320 = arith.constant 0 : i32
    %cond3A_321 = arith.cmpi ne, %convert_element_type3A_319, %cond3A_320 : i32
    scf.if %cond3A_321 {
      %dma_wait3A = arith.constant 0 : i32
      %dma_wait3A_332 = arith.constant 0 : i32
      %dma_wait3A_333 = tpu.memref_slice %arg8[%dma_wait3A, %dma_wait3A_332] : memref<32768x1024xf32, #tpu.memory_space<hbm>> -> memref<32768x1024xf32, #tpu.memory_space<hbm>>
      tpu.wait_indirect_dma semaphore(%arg38 : memref<!tpu.dma_semaphore, #tpu.memory_space<semaphore_mem>>) src(%arg30 : memref<16x1024xf32, #tpu.memory_space<vmem>>) dst(%dma_wait3A_333 : memref<32768x1024xf32, #tpu.memory_space<hbm>>)
    } else {
    }
    %sub3A_322 = arith.constant 1 : i32
    %sub3A_323 = arith.subi %select_n3A_285, %sub3A_322 : i32
    %mul3A_324 = arith.constant 4 : i32
    %mul3A_325 = arith.muli %sub3A_323, %mul3A_324 : i32
    %add3A_326 = arith.constant 3 : i32
    %add3A_327 = arith.addi %mul3A_325, %add3A_326 : i32
    %lt3A_328 = arith.cmpi slt, %add3A_327, %add3A_259 : i32
    %convert_element_type3A_329 = arith.extui %lt3A_328 : i1 to i32
    %cond3A_330 = arith.constant 0 : i32
    %cond3A_331 = arith.cmpi ne, %convert_element_type3A_329, %cond3A_330 : i32
    scf.if %cond3A_331 {
      %dma_wait3A = arith.constant 0 : i32
      %dma_wait3A_332 = arith.constant 0 : i32
      %dma_wait3A_333 = tpu.memref_slice %arg8[%dma_wait3A, %dma_wait3A_332] : memref<32768x1024xf32, #tpu.memory_space<hbm>> -> memref<32768x1024xf32, #tpu.memory_space<hbm>>
      tpu.wait_indirect_dma semaphore(%arg39 : memref<!tpu.dma_semaphore, #tpu.memory_space<semaphore_mem>>) src(%arg31 : memref<16x1024xf32, #tpu.memory_space<vmem>>) dst(%dma_wait3A_333 : memref<32768x1024xf32, #tpu.memory_space<hbm>>)
    } else {
    }
    return
  }
}

</mosaic_0001>

<sc_bundles>
// kernel: _embed.3.cloned.1.call-start
scs
__scs_entry_jumppad:
0x0: {  	(pc) =	sbr.rel $0x88, $3  }
0x1: {  	(tag) =	ssettag $0x0;
	lr =	simm.s32 $0x1  }
0x2: {  	[smem:$0x3F9B] =	sst lr;
	_ =	strace $0xD0000000  }
0x3: {  	_ = 	snop  }
0x4: {  	_ = 	snop  }
0x5: {  	_ = 	snop  }
0x6: {  	_ = 	snop  }
0x7: {  	_ = 	snop  }
__scs_overlays_trampoline_lowered:
0x8: {  	[smem:$0x3FAA] =	sst s0  }
0x9: {  	[smem:$0x3FAB] =	sst s1  }
0xa: {  	[smem:$0x3FAC] =	sst s2  }
0xb: {  	[smem:$0x3FAD] =	sst s3  }
0xc: {  	[smem:$0x3FAE] =	sst s4  }
0xd: {  	[smem:$0x3FAF] =	sst s5  }
0xe: {  	[smem:$0x3FB0] =	sst s6  }
0xf: {  	[smem:$0x3FB1] =	sst s7  }
0x10: {  	[smem:$0x3FB2] =	sst s8  }
0x11: {  	[smem:$0x3FB3] =	sst s9;
	s0 =	simm.s32 @!p0 $0x0  }
0x12: {  	s1 =	sld [smem:$0x3F99];
	s0 =	simm.s32 @p0 $0x1  }
0x13: {  	[smem:$0x3FB4] =	sst s0;
	s0 =	simm.s32 @!p1 $0x0  }
0x14: {  	s2 =	sld [smem:$0x3F98];
	s0 =	simm.s32 @p1 $0x1  }
0x15: {  	[smem:$0x3FB5] =	sst s0;
	s0 =	simm.s32 @!p2 $0x0  }
0x16: {  	s3 =	sld [smem:$0x3FDB];
	s0 =	simm.s32 @p2 $0x1  }
0x17: {  	s4 =	simm.s32 $0x1BF5;
	[smem:$0x3FB7] =	sst s0  }
0x18: {  	s0 =	sld [smem:$0x3F9A];
	_ =	swait.ge [sflag:s4], $0x0  }
0x19: {  	s7 =	sld [smem:$0x3F9B]  }
0x1a: {  	s8 =	sadd.s32 $0xFFFFE003, lr  }
0x1b: {  	s9 =	sadd.s32 $0xFFFFFEF7, lr;
	s5 =	simm.s32 $0xFFFFFFFF;
	p2 =	slt.u32 s8, $0xFFFFF086  }
0x1c: {  	p1 =	slt.u32 s9, $0xF7A;
	s5 =	simm.s32 @!p2 $0x0  }
0x1d: {  	s5 =	simm.s32 @p1 $0x1;
	p0 =	seq.s32 s7, s2  }
0x1e: {  	s7 =	smul.u32 @!p0 $0xF7A, s2;
	p2 =	seq.s32 @!p0 s5, $0x0  }
0x1f: {  	s9 =	smul.u32 $0xF7A, s1;
	s8 =	simm.s32 @!p0 $0x1BF5;
	p2 =	por !p2, p0  }
0x20: {  	[sflag:s8] =	ssyncset.s32 @!p0 $0xFFFFF086;
	s6 =	sadd.s32 @!p0 s3, s7;
	s7 =	simm.s32 @!p0 $0x108  }
0x21: {  	s3 =	sadd.s32 s3, s9;
	s6 =	sadd.s32 @!p0 $0x88, s6;
	s7 =	simm.s32 @p2 $0x1082  }
0x22: {  	[simem:s7], [sflag:s8] =	dma.local @!p0 [hbm:s6], $0xF7A  }
0x23: {  	s9 =	sor.u32 $0xD0000000, s2;
	s6 =	simm.s32 $0x108;
	_ =	swait.ge @!p0 [sflag:s8], $0x0  }
0x24: {  	s3 =	sadd.s32 $0x88, s3;
	s6 =	simm.s32 @!p1 $0x1082;
	[sflag:s4] =	ssyncset.s32 $0xFFFFF086  }
0x25: {  	[simem:s6], [sflag:s4] =	dma.local [hbm:s3], $0xF7A  }
0x26: {  	[smem:$0x3F9B] =	sst s1;
	(tag) =	ssettag s2;
	_ =	strace s9  }
0x27: {  	s1 =	sld [smem:$0x3FAB]  }
0x28: {  	s2 =	sld [smem:$0x3FAC]  }
0x29: {  	s4 =	sld [smem:$0x3FAE]  }
0x2a: {  	p0 =	seq.s32 s5, $0x0;
	s5 =	sld [smem:$0x3FAF]  }
0x2b: {  	s6 =	sld [smem:$0x3FB0]  }
0x2c: {  	s7 =	sld [smem:$0x3FB1]  }
0x2d: {  	s3 =	simm.s32 $0x108;
	s8 =	sld [smem:$0x3FB2]  }
0x2e: {  	s3 =	simm.s32 @!p0 $0x1082;
	s9 =	sld [smem:$0x3FB3]  }
0x2f: {  	lr =	sadd.s32 s0, s3;
	s0 =	sld [smem:$0x3FAA]  }
0x30: {  	s3 =	sld [smem:$0x3FAD]  }
0x31: {  	[smem:$0x3FB6] =	sst s10  }
0x32: {  	s10 =	sld [smem:$0x3FB4];
	_ =	sdelay $0x3  }
0x33: {  	p0 =	seq.s32 s10, $0x1;
	s10 =	sld [smem:$0x3FB6];
	_ =	sdelay $0x3  }
0x34: {  	[smem:$0x3FB6] =	sst s10  }
0x35: {  	s10 =	sld [smem:$0x3FB5];
	_ =	sdelay $0x3  }
0x36: {  	p1 =	seq.s32 s10, $0x1;
	s10 =	sld [smem:$0x3FB6];
	_ =	sdelay $0x3  }
0x37: {  	[smem:$0x3FB6] =	sst s10  }
0x38: {  	s10 =	sld [smem:$0x3FB7]  }
0x39: {  	_ = 	snop;
	(pc) =	sbr.ind lr, $3  }
0x3a: {  	_ = 	snop  }
0x3b: {  	_ = 	snop  }
0x3c: {  	p2 =	seq.s32 s10, $0x1;
	s10 =	sld [smem:$0x3FB6]  }
0x3d: {  	_ =	shalt  }
0x3e: {  	_ =	shalt  }
0x3f: {  	_ =	shalt  }
0x40: {  	_ =	shalt  }
0x41: {  	_ =	shalt  }
0x42: {  	_ =	shalt  }
0x43: {  	_ =	shalt  }
0x44: {  	_ =	shalt  }
0x45: {  	_ =	shalt  }
0x46: {  	_ =	shalt  }
0x47: {  	_ =	shalt  }
0x48: {  	_ =	shalt  }
0x49: {  	_ =	shalt  }
0x4a: {  	_ =	shalt  }
0x4b: {  	_ =	shalt  }
0x4c: {  	_ =	shalt  }
0x4d: {  	_ =	shalt  }
0x4e: {  	_ =	shalt  }
0x4f: {  	_ =	shalt  }
0x50: {  	_ =	shalt  }
0x51: {  	_ =	shalt  }
0x52: {  	_ =	shalt  }
0x53: {  	_ =	shalt  }
0x54: {  	_ =	shalt  }
0x55: {  	_ =	shalt  }
0x56: {  	_ =	shalt  }
0x57: {  	_ =	shalt  }
0x58: {  	_ =	shalt  }
0x59: {  	_ =	shalt  }
0x5a: {  	_ =	shalt  }
0x5b: {  	_ =	shalt  }
0x5c: {  	_ =	shalt  }
0x5d: {  	_ =	shalt  }
0x5e: {  	_ =	shalt  }
0x5f: {  	_ =	shalt  }
0x60: {  	_ =	shalt  }
0x61: {  	_ =	shalt  }
0x62: {  	_ =	shalt  }
0x63: {  	_ =	shalt  }
0x64: {  	_ =	shalt  }
0x65: {  	_ =	shalt  }
0x66: {  	_ =	shalt  }
0x67: {  	_ =	shalt  }
0x68: {  	_ =	shalt  }
0x69: {  	_ =	shalt  }
0x6a: {  	_ =	shalt  }
0x6b: {  	_ =	shalt  }
0x6c: {  	_ =	shalt  }
0x6d: {  	_ =	shalt  }
0x6e: {  	_ =	shalt  }
0x6f: {  	_ =	shalt  }
0x70: {  	_ =	shalt  }
0x71: {  	_ =	shalt  }
0x72: {  	_ =	shalt  }
0x73: {  	_ =	shalt  }
0x74: {  	_ =	shalt  }
0x75: {  	_ =	shalt  }
0x76: {  	_ =	shalt  }
0x77: {  	_ =	shalt  }
0x78: {  	_ =	shalt  }
0x79: {  	_ =	shalt  }
0x7a: {  	_ =	shalt  }
0x7b: {  	_ =	shalt  }
0x7c: {  	_ =	shalt  }
0x7d: {  	_ =	shalt  }
0x7e: {  	_ =	shalt  }
0x7f: {  	_ =	shalt  }
0x80: {  	_ =	shalt  }
0x81: {  	_ =	shalt  }
0x82: {  	_ =	shalt  }
0x83: {  	_ =	shalt  }
0x84: {  	_ =	shalt  }
0x85: {  	_ =	shalt  }
0x86: {  	_ =	shalt  }
0x87: {  	_ =	shalt  }
.Lfunc_end0:
.L_simem_size_0:
called_computation_lowered:
.L_overlay_start_0:
0x88: {  	s2 =	sld [smem:$0x3FD9]  }
0x89: {  	s3 =	sld [smem:$0x3FFE];
	_ =	sdelay $0x1  }
0x8a: {  	s1 =	srdreg.scid  }
0x8b: {  	s0 =	sand.u32 $0x1, s1  }
0x8c: {  	s18 =	sshll.u32 s0, $0xA;
	s2 =	sadd.s32 s3, s2  }
0x8d: {  	s2 =	sadd.s32 s2, s18  }
0x8e: {  	[smem:$0x3FC2] =	sst s2  }
0x8f: {  	_ = 	snop  }
0x90: {  	s2 =	sld [smem:$0x3FC9]  }
0x91: {  	s19 =	sld [smem:$0x3FC8]  }
0x92: {  	s4 =	sld [smem:$0x3FC7]  }
0x93: {  	s5 =	sld [smem:$0x3FC6]  }
0x94: {  	s6 =	sld [smem:$0x3FC5]  }
0x95: {  	s7 =	sld [smem:$0x3FC4]  }
0x96: {  	s8 =	sld [smem:$0x3FD0];
	(tm) =	ssettm $0x1  }
0x97: {  	s9 =	sld [smem:$0x3FFB];
	_ =	sdelay $0x3  }
0x98: {  	_ =	strace s9  }
0x99: {  	s9 =	sld [smem:$0x3FFC];
	_ =	sdelay $0x3  }
0x9a: {  	_ =	strace s9  }
0x9b: {  	s9 =	sld [smem:$0x3FFD];
	_ =	sdelay $0x3  }
0x9c: {  	_ =	strace s9  }
0x9d: {  	_ =	strace $0x8FFFFFFF  }
0x9e: {  	s20 =	sld [smem:$0x3FDB];
	_ =	sdelay $0x1  }
0x9f: {  	s10 =	simm.s32 $_scs_section_size  }
0xa0: {  	s11 =	simm.s32 $_size__tile_overlayer_lowered;
	s12 =	simm.s32 $_tile_overlayer_lowered  }
0xa1: {  	s23 =	simm.s32 $0x1BFF;
	s22 =	sshll.u32 s12, $0x1;
	s9 =	sadd.s32 s10, s20  }
0xa2: {  	s13 =	simm.s32 $0x0;
	s21 =	sshll.u32 s11, $0x1;
	s11 =	sadd.s32 s22, s9  }
0xa3: {  	[timem:s13], [sflag:s23] =	dma.local [hbm:s11], s21  }
0xa4: {  	_ =	swait.ge [sflag:s23], s21  }
0xa5: {  	s10 =	ssub.s32 $0x0, s21;
	[sflag:s23] =	ssyncset.done $0x0  }
0xa6: {  	[sflag:s23] =	ssyncadd.s32 s10;
	_ =	sdelay $0x1  }
0xa7: {  	s24 =	simm.s32 $0x1B8B  }
0xa8: {  	_ =	swait.ge [sflag:s24], $0x1  }
0xa9: {  	[sflag:s24] =	ssyncset.done $0x0  }
0xaa: {  	s25 =	simm.s32 $0x1B8E;
	[sflag:s24] =	ssyncadd.s32 $0xFFFFFFFF  }
0xab: {  	s26 =	simm.s32 $execute0_lowered;
	[smem:$0x3FD2] =	sst s25  }
0xac: {  	s10 =	sshll.u32 s26, $0x1;
	_ =	strace $0x80000046;
	[dreg:$0x1] =	wrdreg $0xFFFFFFFF  }
0xad: {  	s28 =	simm.s32 $_size_execute0_lowered;
	s9 =	sadd.s32 s9, s10;
	[dreg:$0x0] =	wrdreg $0x0  }
0xae: {  	s10 =	sshll.u32 s28, $0x1;
	[dreg:$0x2] =	wrdreg s9  }
0xaf: {  	[dreg:$0x3] =	wrdreg s10  }
0xb0: {  	[dreg:$0x4] =	wrdreg $0xC0  }
0xb1: {  	_ =	task [dreg:s13], $0x5FFFF  }
0xb2: {  	[dreg:$0x1] =	wrdreg $0xFFFFFFFF  }
0xb3: {  	[dreg:$0x0] =	wrdreg $0x60  }
0xb4: {  	[dreg:$0x2] =	wrdreg s2  }
0xb5: {  	[dreg:$0x3] =	wrdreg s19  }
0xb6: {  	[dreg:$0x4] =	wrdreg s4  }
0xb7: {  	[dreg:$0x5] =	wrdreg s5  }
0xb8: {  	[dreg:$0x6] =	wrdreg s6  }
0xb9: {  	[dreg:$0x7] =	wrdreg s7  }
0xba: {  	[dreg:$0x8] =	wrdreg s8  }
0xbb: {  	[dreg:$0x9] =	wrdreg $0x9  }
0xbc: {  	_ =	task.clear_ibuf [dreg:s13], $0xAFFFF;
	_ =	strace $0x90000046  }
0xbd: {  	s29 =	simm.s32 $0x9;
	_ =	strace $0x80000048  }
0xbe: {  	_ =	swait.ge [sflag:s29], $0x1  }
0xbf: {  	[sflag:s29] =	ssyncadd.s32 $0xFFFFFFFF  }
0xc0: {  	_ =	strace $0x90000048  }
0xc1: {  	_ =	sfence  }
0xc2: {  	s30 =	sld [smem:$0x0];
	_ =	sdelay $0x2  }
0xc3: {  	s31 =	sshll.u32 s1, $0xD;
	s1 =	sshrl.u32 s1, $0x2  }
0xc4: {  	s3 =	sand.u32 $0x4000, s31;
	s1 =	sadd.s32 s1, s30  }
0xc5: {  	s0 =	sor.u32 s3, s0;
	s1 =	sshll.u32 s1, $0x11  }
0xc6: {  	s0 =	sor.u32 s1, s0  }
0xc7: {  	s0 =	sadd.s32 $0x8F2B, s0  }
0xc8: {  	[sflag:s0] =	ssyncadd.remote.s32 $0x1  }
0xc9: {  	_ =	sfence.sel $0xFFFF  }
0xca: {  	[dreg:$0x0] =	wrdreg $0xFFFFFFFF;
	(pc) =	sbr.abs _section_cstart, $3  }
0xcb: {  	[dreg:$0x1] =	wrdreg $0xFFFFFFFF  }
0xcc: {  	_ =	task.clear_ibuf [dreg:s13], $0x2FFFF;
	_ =	strace $0x9FFFFFFF  }
0xcd: {  	(tm) =	ssettm $0x7FFFFFFF  }
tec
execute0_lowered:
.L_overlay_start_1:
0x0: {  	(tag) =	ssettag $0x1  }
0x1: {  	s0 =	rddreg [dreg:$0x0]  }
0x2: {  	s4 =	rddreg [dreg:$0x1]  }
0x3: {  	s5 =	rddreg [dreg:$0x2]  }
0x4: {  	s6 =	rddreg [dreg:$0x3]  }
0x5: {  	s7 =	rddreg [dreg:$0x4]  }
0x6: {  	s9 =	rddreg [dreg:$0x5];
	s1 =	srdreg.scid  }
0x7: {  	s10 =	rddreg [dreg:$0x6];
	s2 =	stileid.u32;
	s1 =	sand.u32 $0x1, s1  }
0x8: {  	s8 =	simm.s32 $0x0;
	s2 =	sshll.u32 s2, $0xB;
	s3 =	sshll.u32 s1, $0xA  }
0x9: {  	s31 =	simm.s32 $0xD00;
	[smem:$0x7FF] =	sst s8;
	s3 =	sor.u32 s3, s2  }
0xa: {  	s11 =	sadd.s32 $0x100, s7;
	s12 =	sadd.s32 $0x200, s7;
	[dreg:$0x8] =	wrdreg s3  }
0xb: {  	s13 =	sadd.s32 $0x300, s7;
	_ =	strace $0x80000047;
	[dreg:$0xa] =	wrdreg s11  }
0xc: {  	s14 =	sadd.s32 $0x100, s6;
	s15 =	sadd.s32 $0x200, s6;
	[dreg:$0xb] =	wrdreg s12  }
0xd: {  	s16 =	sadd.s32 $0x300, s6;
	s17 =	sadd.s32 $0x100, s5;
	[dreg:$0xc] =	wrdreg s13  }
0xe: {  	s18 =	sadd.s32 $0x200, s5;
	s19 =	sadd.s32 $0x300, s5;
	[dreg:$0xd] =	wrdreg s14  }
0xf: {  	s20 =	sadd.s32 $0x100, s4;
	s21 =	sadd.s32 $0x200, s4;
	[dreg:$0xe] =	wrdreg s15  }
0x10: {  	s22 =	sadd.s32 $0x300, s4;
	s23 =	sadd.s32 $0x100, s9;
	[dreg:$0xf] =	wrdreg s16  }
0x11: {  	s24 =	sadd.s32 $0x200, s9;
	s28 =	sadd.s32 $0x100, s10;
	[dreg:$0x10] =	wrdreg s17  }
0x12: {  	s29 =	sadd.s32 $0x200, s10;
	s30 =	sadd.s32 $0x300, s10;
	[dreg:$0x11] =	wrdreg s18  }
0x13: {  	s4 =	simm.s32 $0x1A80;
	s10 =	simm.s32 $0x880;
	[dreg:$0x12] =	wrdreg s19  }
0x14: {  	s5 =	simm.s32 $0x1600;
	s1 =	ssub.s32 $0x2, s1;
	[dreg:$0x13] =	wrdreg s20  }
0x15: {  	s6 =	simm.s32 $0x2C80;
	s26 =	sshrl.u32 s1, $0x1;
	[dreg:$0x14] =	wrdreg s21  }
0x16: {  	s2 =	simm.s32 $0x2800;
	s3 =	sshrl.u32 s3, $0x3;
	[dreg:$0x15] =	wrdreg s22  }
.Ltmp0:
0x17: {  	s1 =	ssub.s32 s1, s26;
	[dreg:$0x16] =	wrdreg s23;
	(pc) =	sbr.rel .LBB2_1-.Ltmp0, $4  }
0x18: {  	s26 =	sadd.s32 $0x300, s9;
	s9 =	simm.s32 $0x2380;
	[dreg:$0x17] =	wrdreg s24  }
0x19: {  	v0 =	vlaneseq.u32;
	s0 =	sadd.s32 s0, s3;
	s25 =	smax.u32 s1, $0x1;
	[dreg:$0x19] =	wrdreg s26  }
0x1a: {  	v1 =	vimm.s32 $0x0;
	vm0 =	vmmov $0xffff;
	v3 =	vshrl.u32 v0, $0x3;
	s3 =	simm.s32 $0x400;
	s1 =	simm.s32 $0x1180;
	[dreg:$0x9] =	wrdreg s0  }
0x1b: {  	v2 =	vand.u32 $0x7, v0;
	v4 =	vor.u32 $0x8, v0;
	v3 =	vmul.u32 $0x8, v3;
	s11 =	simm.s32 $0x0;
	[dreg:$0x18] =	wrdreg s25;
	s25 =	simm.s32 $0x1F00  }
.LBB2_53:
0x1c: {  	s0 =	rddreg [dreg:$0x1c]  }
0x1d: {  	s0 =	sshll.u32 s0, $0x2  }
0x1e: {  	s7 =	sadd.s32 $0xFFFFFFFC, s0  }
0x1f: {  	p0 =	sge.s32 s7, s11  }
0x20: {  	s7 =	simm.s32 @!p0 $0x5  }
0x21: {  	s12 =	sadd.s32 $0xFFFFFFFD, s0;
	_ =	swait.ge @!p0 [sflag:s7], $0x4000  }
0x22: {  	p1 =	sge.s32 s12, s11;
	[sflag:s7] =	ssyncset.done @!p0 $0x0  }
0x23: {  	[sflag:s7] =	ssyncadd.s32 @!p0 $0xFFFFC000;
	s7 =	simm.s32 @!p1 $0x6  }
0x24: {  	s23 =	sadd.s32 $0xFFFFFFFE, s0;
	_ =	swait.ge @!p1 [sflag:s7], $0x4000  }
0x25: {  	p0 =	sge.s32 s23, s11;
	[sflag:s7] =	ssyncset.done @!p1 $0x0  }
0x26: {  	[sflag:s7] =	ssyncadd.s32 @!p1 $0xFFFFC000;
	s7 =	simm.s32 @!p0 $0x7  }
0x27: {  	_ =	swait.ge @!p0 [sflag:s7], $0x4000  }
0x28: {  	p1 =	sgt.s32 s0, s11;
	[sflag:s7] =	ssyncset.done @!p0 $0x0  }
0x29: {  	s0 =	simm.s32 @!p1 $0x8;
	[sflag:s7] =	ssyncadd.s32 @!p0 $0xFFFFC000  }
0x2a: {  	_ =	swait.ge @!p1 [sflag:s0], $0x4000  }
0x2b: {  	s24 =	rddreg [dreg:$0x1a]  }
0x2c: {  	s26 =	rddreg [dreg:$0x18];
	s11 =	sadd.s32 $0x1, s24  }
0x2d: {  	p0 =	sne.s32 s11, s26  }
.Ltmp1:
0x2e: {  	_ = 	snop;
	(pc) =	sbr.rel @!p0 .LBB2_54-.Ltmp1, $3  }
0x2f: {  	_ =	sdelay $0x1  }
0x30: {  	[sflag:s0] =	ssyncset.done @!p1 $0x0  }
0x31: {  	[sflag:s0] =	ssyncadd.s32 @!p1 $0xFFFFC000  }
.LBB2_1:
0x32: {  	[dreg:$0x1a] =	wrdreg s11  }
0x33: {  	s0 =	rddreg [dreg:$0x9];
	s24 =	simm.s32 $0x9  }
0x34: {  	[tilespmem:s8], [sflag:$0x9] =	stream.linear.gather [hbm4b:s0+s8], $0x400, $0x38;
	[tilespmem:$0x13500] =	vst v63  }
0x35: {  	_ =	swait.ge [sflag:s24], $0x400  }
0x36: {  	[sflag:s24] =	ssyncset.done $0x0  }
0x37: {  	s26 =	simm.s32 $0x0;
	[sflag:s24] =	ssyncadd.s32 $0xFFFFFC00  }
0x38: {  	v5 =	vld [tilespmem:s26+$0x0];
	_ =	sdelay $0x4  }
0x39: {  	vm5 =	vlt.u32 v5, $0x186A0  }
0x3a: {  	v7 =	vadd.s32 $0xFFFE7960, v5;
	v6 =	vsel vm5, $0x1, v1  }
0x3b: {  	vm4 =	vlt.u32 v7, $0x2710;
	(xrf0) =	vadd.scan.msk.s32 $0xffff, v6  }
0x3c: {  	v8 =	vadd.s32 $0xFFFE5250, v5;
	v6 =	vsel vm4, $0x1, v1  }
0x3d: {  	vm3 =	vlt.u32 v8, $0x3E8;
	(xrf0) =	vadd.scan.msk.s32 $0xffff, v6  }
0x3e: {  	v12 =	vadd.s32 $0xFFFE4E68, v5;
	v6 =	vsel vm3, $0x1, v1  }
0x3f: {  	vm2 =	vlt.u32 v12, $0x1388;
	(xrf0) =	vadd.scan.msk.s32 $0xffff, v6  }
0x40: {  	v13 =	vadd.s32 $0xFFFE3AE0, v5;
	v6 =	vsel vm2, $0x1, v1  }
0x41: {  	vm1 =	vlt.u32 v13, $0x2EE0;
	v9, _, _ =	vpop (xrf0);
	(xrf0) =	vadd.scan.msk.s32 $0xffff, v6  }
0x42: {  	v10 =	vsel vm1, $0x1, v1;
	v6 =	vadd.s32 v9, v1  }
0x43: {  	v14, _, _ =	vpop (xrf0);
	(xrf0) =	vadd.scan.msk.s32 $0xffff, v10;
	v6 =	vadd.s32 $0xFFFFFFFF, v6  }
0x44: {  	v10 =	vadd.s32 v14, v1;
	vm6 =	vgt.s32 v6, $0x0  }
0x45: {  	v15, _, _ =	vpop (xrf0);
	v10 =	vadd.s32 $0xFFFFFFFF, v10;
	v6 =	vnsel vm6, $0x0, v6  }
0x46: {  	v11 =	vadd.s32 v15, v1;
	vm12 =	vgt.s32 v10, $0x0  }
0x47: {  	v16 =	vnsel vm12, $0x0, v10;
	v10 =	vadd.s32 $0xFFFFFFFF, v11;
	v17, _, _ =	vpop (xrf0)  }
0x48: {  	vm13 =	vgt.s32 v10, $0x0;
	v11 =	vadd.s32 v17, v1  }
0x49: {  	s0 =	rddreg [dreg:$0x8];
	v18 =	vnsel vm13, $0x0, v10;
	v19, _, _ =	vpop (xrf0);
	v11 =	vadd.s32 $0xFFFFFFFF, v11  }
0x4a: {  	v10 =	vor.u32 s0, v0;
	[tilespmem:v6+s3+$0x0] =	vst.idx.msk vm5, v5;
	vm14 =	vgt.s32 v11, $0x0;
	v5 =	vadd.s32 v19, v1  }
0x4b: {  	[tilespmem:v6+s4+$0x0] =	vst.idx.msk vm5, v10;
	v20 =	vnsel vm14, $0x0, v11;
	v5 =	vadd.s32 $0xFFFFFFFF, v5  }
0x4c: {  	[tilespmem:v16+s10+$0x0] =	vst.idx.msk vm4, v7;
	vm15 =	vgt.s32 v5, $0x0  }
0x4d: {  	[tilespmem:v16+s25+$0x0] =	vst.idx.msk vm4, v10;
	v11 =	vnsel vm15, $0x0, v5  }
0x4e: {  	v5 =	vbroadcast v9, $0xF;
	[tilespmem:v18+s31+$0x0] =	vst.idx.msk vm3, v8  }
0x4f: {  	v6 =	vbroadcast v14, $0xF;
	v7 =	vbroadcast v15, $0xF;
	[tilespmem:v18+s9+$0x0] =	vst.idx.msk vm3, v10  }
0x50: {  	v63 =	vbroadcast v19, $0xF;
	v9 =	vadd.s32 v1, v5;
	v5 =	vbroadcast v17, $0xF;
	[tilespmem:v20+s1+$0x0] =	vst.idx.msk vm2, v12  }
0x51: {  	v8 =	vadd.s32 v1, v6;
	v6 =	vadd.s32 v1, v7;
	[tilespmem:v20+s2+$0x0] =	vst.idx.msk vm2, v10  }
0x52: {  	s11 =	simm.s32 $0x40;
	s7 =	simm.s32 $0x80;
	v7 =	vadd.s32 v1, v5;
	v5 =	vadd.s32 v1, v63;
	[tilespmem:v11+s5+$0x0] =	vst.idx.msk vm1, v13  }
.LBB2_2:
0x53: {  	s13 =	sshra.s32 s11, $0x2  }
0x54: {  	[tilespmem:v11+s6+$0x0] =	vst.idx.msk vm1, v10;
	s0 =	sadd.s32 $0x10, s0;
	s11 =	smov.u32 s7;
	s12 =	sadd.s32 $0x40, s7  }
0x55: {  	p0 =	sne.s32 s7, $0xFC0;
	v11 =	vld [tilespmem:s13+$0x0];
	_ =	sdelay $0x4  }
0x56: {  	vm5 =	vlt.u32 v11, $0x186A0  }
0x57: {  	v12 =	vadd.s32 $0xFFFE7960, v11;
	v10 =	vsel vm5, $0x1, v1  }
0x58: {  	vm2 =	vlt.u32 v12, $0x2710;
	(xrf0) =	vadd.scan.msk.s32 $0xffff, v10  }
0x59: {  	v13 =	vadd.s32 $0xFFFE5250, v11;
	v10 =	vsel vm2, $0x1, v1  }
0x5a: {  	vm3 =	vlt.u32 v13, $0x3E8;
	(xrf0) =	vadd.scan.msk.s32 $0xffff, v10  }
0x5b: {  	v14 =	vadd.s32 $0xFFFE4E68, v11;
	v10 =	vsel vm3, $0x1, v1  }
0x5c: {  	vm4 =	vlt.u32 v14, $0x1388;
	(xrf0) =	vadd.scan.msk.s32 $0xffff, v10  }
0x5d: {  	v15 =	vadd.s32 $0xFFFE3AE0, v11;
	v10 =	vsel vm4, $0x1, v1  }
0x5e: {  	vm1 =	vlt.u32 v15, $0x2EE0;
	v16, _, _ =	vpop (xrf0);
	(xrf0) =	vadd.scan.msk.s32 $0xffff, v10  }
0x5f: {  	v18 =	vsel vm1, $0x1, v1;
	v17 =	vadd.s32 v16, v9;
	v16 =	vbroadcast v16, $0xF  }
0x60: {  	v10 =	vor.u32 s0, v0;
	v17 =	vadd.s32 $0xFFFFFFFF, v17;
	v19, _, _ =	vpop (xrf0);
	(xrf0) =	vadd.scan.msk.s32 $0xffff, v18  }
0x61: {  	vm6 =	vgt.s32 v17, $0x0;
	v20 =	vadd.s32 v19, v8;
	v19 =	vbroadcast v19, $0xF  }
0x62: {  	v9 =	vadd.s32 v9, v16;
	v17 =	vnsel vm6, $0x0, v17;
	v16 =	vadd.s32 $0xFFFFFFFF, v20;
	v18, _, _ =	vpop (xrf0)  }
0x63: {  	vm6 =	vgt.s32 v16, $0x0;
	v21 =	vadd.s32 v18, v6;
	v18 =	vbroadcast v18, $0xF  }
0x64: {  	v8 =	vadd.s32 v8, v19;
	v16 =	vnsel vm6, $0x0, v16;
	v19 =	vadd.s32 $0xFFFFFFFF, v21;
	v20, _, _ =	vpop (xrf0)  }
0x65: {  	vm6 =	vgt.s32 v19, $0x0;
	v22 =	vadd.s32 v20, v7;
	v20 =	vbroadcast v20, $0xF  }
0x66: {  	v6 =	vadd.s32 v6, v18;
	v19 =	vnsel vm6, $0x0, v19;
	v18 =	vadd.s32 $0xFFFFFFFF, v22;
	v21, _, _ =	vpop (xrf0)  }
0x67: {  	[tilespmem:v17+s3+$0x0] =	vst.idx.msk vm5, v11;
	vm6 =	vgt.s32 v18, $0x0;
	v11 =	vadd.s32 v21, v5;
	v21 =	vbroadcast v21, $0xF  }
0x68: {  	v7 =	vadd.s32 v7, v20;
	[tilespmem:v17+s4+$0x0] =	vst.idx.msk vm5, v10;
	v17 =	vnsel vm6, $0x0, v18;
	v11 =	vadd.s32 $0xFFFFFFFF, v11  }
0x69: {  	[tilespmem:v16+s10+$0x0] =	vst.idx.msk vm2, v12;
	vm5 =	vgt.s32 v11, $0x0;
	v5 =	vadd.s32 v5, v21  }
0x6a: {  	[tilespmem:v16+s25+$0x0] =	vst.idx.msk vm2, v10;
	v11 =	vnsel vm5, $0x0, v11  }
.Ltmp2:
0x6b: {  	[tilespmem:v19+s31+$0x0] =	vst.idx.msk vm3, v13;
	(pc) =	sbr.rel @p0 .LBB2_2-.Ltmp2, $4  }
0x6c: {  	[tilespmem:v19+s9+$0x0] =	vst.idx.msk vm3, v10  }
0x6d: {  	[tilespmem:v17+s1+$0x0] =	vst.idx.msk vm4, v14  }
0x6e: {  	[tilespmem:v17+s2+$0x0] =	vst.idx.msk vm4, v10  }
0x6f: {  	s7 =	smov.u32 s12;
	[tilespmem:v11+s5+$0x0] =	vst.idx.msk vm1, v15  }
0x70: {  	_ =	sdelay $0x4  }
0x71: {  	s7 =	sshra.s32 s11, $0x2;
	[tilespmem:v11+s6+$0x0] =	vst.idx.msk vm1, v10  }
0x72: {  	v10 =	vld [tilespmem:s7+$0x0];
	_ =	sdelay $0x4  }
0x73: {  	vm5 =	vlt.u32 v10, $0x186A0;
	v51 =	vadd.s32 $0xFFFE7960, v10  }
0x74: {  	v13 =	vadd.s32 $0xFFFE5250, v10;
	v12 =	vsel vm5, $0x1, v1;
	vm4 =	vlt.u32 v51, $0x2710  }
0x75: {  	vm2 =	vlt.u32 v13, $0x3E8;
	(xrf0) =	vadd.scan.msk.s32 $0xffff, v12;
	v52 =	vsel vm4, $0x1, v1  }
0x76: {  	v14 =	vadd.s32 $0xFFFE4E68, v10;
	v53 =	vsel vm2, $0x1, v1;
	(xrf0) =	vadd.scan.msk.s32 $0xffff, v52  }
0x77: {  	vm3 =	vlt.u32 v14, $0x1388;
	(xrf0) =	vadd.scan.msk.s32 $0xffff, v53  }
0x78: {  	v54 =	vsel vm3, $0x1, v1  }
0x79: {  	v15 =	vadd.s32 $0xFFFE3AE0, v10;
	(xrf0) =	vadd.scan.msk.s32 $0xffff, v54  }
0x7a: {  	vm1 =	vlt.u32 v15, $0x2EE0  }
0x7b: {  	v55 =	vsel vm1, $0x1, v1;
	v56, _, _ =	vpop (xrf0)  }
0x7c: {  	(xrf0) =	vadd.scan.msk.s32 $0xffff, v55;
	v16, _, _ =	vpop (xrf0);
	v17 =	vbroadcast v56, $0xF  }
0x7d: {  	v18 =	vbroadcast v16, $0xF;
	v19, _, _ =	vpop (xrf0)  }
0x7e: {  	v17 =	vadd.s32 v9, v17;
	v20 =	vbroadcast v19, $0xF  }
0x7f: {  	v60 =	vadd.s32 v56, v9;
	v21, _, _ =	vpop (xrf0);
	v18 =	vadd.s32 v8, v18;
	(v2sf) =	vpush v17, $0x0  }
0x80: {  	v22 =	vbroadcast v21, $0xF;
	v20 =	vadd.s32 v6, v20;
	(v2sf) =	vpush v18, $0x0  }
0x81: {  	v62 =	vadd.s32 v16, v8;
	v9 =	vadd.s32 $0xFFFFFFFF, v60;
	(v2sf) =	vpush v20, $0x0  }
0x82: {  	v57, _, _ =	vpop (xrf0);
	vm6 =	vgt.s32 v9, $0x0;
	v8 =	vadd.s32 $0xFFFFFFFF, v62;
	v59 =	vadd.s32 v7, v22  }
0x83: {  	v58 =	vbroadcast v57, $0xF;
	v9 =	vnsel vm6, $0x0, v9;
	(v2sf) =	vpush v59, $0x0  }
0x84: {  	vm12 =	vgt.s32 v8, $0x0;
	v6 =	vadd.s32 v19, v6  }
0x85: {  	v8 =	vnsel vm12, $0x0, v8;
	v6 =	vadd.s32 $0xFFFFFFFF, v6;
	v61 =	vadd.s32 v5, v58  }
0x86: {  	v7 =	vadd.s32 v21, v7;
	vm13 =	vgt.s32 v6, $0x0;
	(v2sf) =	vpush v61, $0x0  }
0x87: {  	s0 =	sadd.s32 $0x10, s0;
	v7 =	vadd.s32 $0xFFFFFFFF, v7;
	v6 =	vnsel vm13, $0x0, v6  }
0x88: {  	v63 =	vor.u32 s0, v0;
	v5 =	vadd.s32 v57, v5;
	vm14 =	vgt.s32 v7, $0x0;
	[tilespmem:v9+s3+$0x0] =	vst.idx.msk vm5, v10  }
0x89: {  	v5 =	vadd.s32 $0xFFFFFFFF, v5;
	v7 =	vnsel vm14, $0x0, v7;
	[tilespmem:v9+s4+$0x0] =	vst.idx.msk vm5, v63  }
0x8a: {  	vm15 =	vgt.s32 v5, $0x0;
	[tilespmem:v8+s10+$0x0] =	vst.idx.msk vm4, v51  }
0x8b: {  	v5 =	vnsel vm15, $0x0, v5;
	[tilespmem:v8+s25+$0x0] =	vst.idx.msk vm4, v63  }
0x8c: {  	[tilespmem:v6+s31+$0x0] =	vst.idx.msk vm2, v13  }
0x8d: {  	[tilespmem:v6+s9+$0x0] =	vst.idx.msk vm2, v63  }
0x8e: {  	s0 =	simm.s32 $0x1;
	[tilespmem:v7+s1+$0x0] =	vst.idx.msk vm3, v14;
	s22 =	spop (v2sf)  }
0x8f: {  	[tilespmem:v7+s2+$0x0] =	vst.idx.msk vm3, v63;
	s7 =	spop (v2sf);
	s13 =	sadd.s32 $0xFFFFFFFF, s22;
	s23 =	sadd.s32 $0xF, s22  }
0x90: {  	[tilespmem:v5+s5+$0x0] =	vst.idx.msk vm1, v15;
	s11 =	spop (v2sf);
	p0 =	sgt.s32 s13, $0x0;
	s14 =	sadd.s32 $0xFFFFFFFF, s7  }
0x91: {  	[tilespmem:v5+s6+$0x0] =	vst.idx.msk vm1, v63;
	s18 =	sshra.s32 s23, $0x1F;
	s19 =	sand.u32 $0xF, s23;
	s13 =	simm.s32 @!p0 $0x0  }
0x92: {  	p2 =	slt.s32 s23, $0x1;
	s24 =	sadd.s32 $0xF, s7;
	s16 =	spop (v2sf);
	v5 =	vld.msk [tilespmem:s13+$0x400 ss:$0x0], $0xffff  }
0x93: {  	p0 =	sgt.s32 s14, $0x0;
	s17 =	sadd.s32 $0xFFFFFFFF, s11;
	s18 =	sshrl.u32 s18, $0x1C;
	v6 =	vld.msk [tilespmem:s13+$0x1A80 ss:$0x0], $0xffff  }
0x94: {  	p1 =	sne.s32 s19, $0x0;
	s26 =	sand.u32 $0xF, s24;
	s20 =	sshra.s32 s24, $0x1F  }
0x95: {  	p4 =	slt.s32 s24, $0x1;
	s15 =	spop (v2sf);
	s14 =	simm.s32 @!p0 $0x0  }
0x96: {  	p0 =	sgt.s32 s17, $0x0;
	s12 =	sadd.s32 $0xFFFFFFFF, s16;
	s13 =	sadd.s32 s18, s23  }
0x97: {  	p3 =	sne.s32 s26, $0x0;
	s17 =	simm.s32 @!p0 $0x0;
	p0 =	sgt.s32 s12, $0x0;
	[tilespmem:s22+$0x400] =	vst v5  }
0x98: {  	s19 =	sshrl.u32 s20, $0x1C;
	s12 =	simm.s32 @!p0 $0x0;
	p0 =	por !p2, !p1;
	[tilespmem:s22+$0x1A80] =	vst v6  }
0x99: {  	s13 =	sshra.s32 s13, $0x4;
	s21 =	sadd.s32 s19, s24;
	p0 =	por !p0, !p0;
	v5 =	vld.msk [tilespmem:s14+$0x880 ss:$0x0], $0xffff  }
0x9a: {  	s19 =	sadd.s32 $0xF, s16;
	s0 =	simm.s32 @!p0 $0x0;
	p0 =	por !p4, !p3;
	v6 =	vld.msk [tilespmem:s14+$0x1F00 ss:$0x0], $0xffff  }
0x9b: {  	p1 =	slt.s32 s19, $0x1;
	s20 =	ssub.s32 s13, s0;
	p0 =	por !p0, !p0  }
0x9c: {  	s13 =	simm.s32 $0x1;
	s22 =	sadd.s32 $0xF, s11;
	s0 =	sshra.s32 s21, $0x4  }
0x9d: {  	s21 =	sshra.s32 s19, $0x1F;
	s13 =	simm.s32 @!p0 $0x0;
	s23 =	sand.u32 $0xF, s22  }
0x9e: {  	s24 =	sshra.s32 s22, $0x1F;
	p6 =	slt.s32 s22, $0x1;
	s14 =	simm.s32 $0x1;
	[tilespmem:s7+$0x880] =	vst v5  }
0x9f: {  	p5 =	sne.s32 s23, $0x0;
	s0 =	ssub.s32 s0, s13;
	s26 =	sshrl.u32 s24, $0x1C;
	[tilespmem:s7+$0x1F00] =	vst v6  }
0xa0: {  	s13 =	simm.s32 $0x1;
	s23 =	sadd.s32 $0xF, s15;
	p0 =	por !p6, !p5;
	v5 =	vld.msk [tilespmem:s17+$0xD00 ss:$0x0], $0xffff  }
0xa1: {  	s18 =	sadd.s32 s26, s22;
	s22 =	sand.u32 $0xF, s19;
	s24 =	sand.u32 $0xF, s23;
	v6 =	vld.msk [tilespmem:s17+$0x2380 ss:$0x0], $0xffff  }
0xa2: {  	s26 =	sshra.s32 s23, $0x1F;
	p0 =	por !p0, !p0;
	p2 =	sne.s32 s22, $0x0  }
0xa3: {  	p4 =	slt.s32 s23, $0x1;
	s13 =	simm.s32 @!p0 $0x0;
	p0 =	por !p1, !p2  }
0xa4: {  	p3 =	sne.s32 s24, $0x0;
	s7 =	sshra.s32 s18, $0x4;
	p0 =	por !p0, !p0  }
0xa5: {  	s18 =	simm.s32 $0x1;
	s7 =	ssub.s32 s7, s13;
	s13 =	sshrl.u32 s21, $0x1C;
	[tilespmem:s11+$0xD00] =	vst v5  }
0xa6: {  	s18 =	simm.s32 @!p0 $0x0;
	p0 =	por !p4, !p3;
	s13 =	sadd.s32 s13, s19;
	[tilespmem:s11+$0x2380] =	vst v6  }
0xa7: {  	s19 =	sshrl.u32 s26, $0x1C;
	p0 =	por !p0, !p0;
	s13 =	sshra.s32 s13, $0x4;
	v5 =	vld.msk [tilespmem:s12+$0x1180 ss:$0x0], $0xffff  }
0xa8: {  	s14 =	simm.s32 @!p0 $0x0;
	s11 =	sadd.s32 s19, s23;
	v6 =	vld.msk [tilespmem:s12+$0x2800 ss:$0x0], $0xffff;
	s12 =	sadd.s32 s20, s0  }
0xa9: {  	s21 =	ssub.s32 s13, s18;
	s22 =	sshra.s32 s11, $0x4;
	s13 =	sadd.s32 s12, s7  }
0xaa: {  	s0 =	ssub.s32 s22, s14;
	s14 =	sadd.s32 s13, s21  }
0xab: {  	s7 =	sadd.s32 $0xFFFFFFFF, s15;
	s11 =	sadd.s32 s14, s0  }
0xac: {  	p0 =	sgt.s32 s7, $0x0;
	s0 =	sadd.s32 $0x3, s11  }
0xad: {  	s7 =	simm.s32 @!p0 $0x0;
	[tilespmem:s16+$0x1180] =	vst v5;
	s23 =	sand.u32 $0x3, s0  }
0xae: {  	p6 =	slt.s32 s11, $0xFFFFFFFE;
	[tilespmem:s16+$0x2800] =	vst v6;
	s24 =	sshra.s32 s0, $0x1F;
	p5 =	sne.s32 s23, $0x0  }
0xaf: {  	v5 =	vld.msk [tilespmem:s7+$0x1600 ss:$0x0], $0xffff;
	s26 =	sshrl.u32 s24, $0x1E;
	p0 =	por !p6, !p5  }
0xb0: {  	v6 =	vld.msk [tilespmem:s7+$0x2C80 ss:$0x0], $0xffff;
	s7 =	simm.s32 $0x1;
	s0 =	sadd.s32 s26, s0;
	p0 =	por !p0, !p0  }
0xb1: {  	s0 =	sshra.s32 s0, $0x2;
	s7 =	simm.s32 @!p0 $0x0  }
0xb2: {  	s0 =	ssub.s32 s0, s7  }
0xb3: {  	p0 =	slt.s32 s0, $0x1  }
.Ltmp3:
0xb4: {  	_ = 	snop;
	(pc) =	sbr.rel @p0 .LBB2_53-.Ltmp3, $3  }
0xb5: {  	_ =	sdelay $0x1  }
0xb6: {  	[dreg:$0x1b] =	wrdreg s20;
	[tilespmem:s15+$0x1600] =	vst v5  }
0xb7: {  	[dreg:$0x1c] =	wrdreg s0;
	[tilespmem:s15+$0x2C80] =	vst v6  }
.Ltmp4:
0xb8: {  	(pc) =	sbr.rel .LBB2_5-.Ltmp4, $3  }
0xb9: {  	_ =	sdelay $0x1  }
0xba: {  	s15 =	simm.s32 $0x400;
	s16 =	simm.s32 $0x1A80  }
0xbb: {  	s17 =	simm.s32 $0x0;
	s18 =	rddreg [dreg:$0x1c];
	s19 =	simm.s32 $0x0  }
.LBB2_46:
0xbc: {  	s23 =	rddreg [dreg:$0x5]  }
0xbd: {  	s20 =	rddreg [dreg:$0x16]  }
0xbe: {  	s24 =	ssub.s32 s0, s14;
	s21 =	rddreg [dreg:$0x17]  }
0xbf: {  	s22 =	simm.s32 $0x2C80;
	s7 =	simm.s32 $0x1600;
	s0 =	rddreg [dreg:$0x19]  }
.LBB2_51:
0xc0: {  	s24 =	sshll.u32 s24, $0x4  }
0xc1: {  	s7 =	sadd.s32 s24, s7  }
0xc2: {  	s24 =	sadd.s32 s24, s22;
	v5 =	vld [tilespmem:s7+$0x0]  }
0xc3: {  	v6 =	vld [tilespmem:s24+$0x0];
	_ =	sdelay $0x3  }
0xc4: {  	v5 =	vxor.u32 $0x80000000, v5  }
0xc5: {  	(xrf1) =	vsort.ascd.msk.u32 $0xffff, v5, v6;
	_ =	sdelay $0xd  }
0xc6: {  	v5, v6, _ =	vpop (xrf1)  }
0xc7: {  	v5 =	vxor.u32 $0x80000000, v5  }
0xc8: {  	[tilespmem:$0x3280] =	vst v5  }
0xc9: {  	v5 =	vld [tilespmem:$0x3280];
	_ =	sdelay $0x4  }
0xca: {  	v7 =	vshll.u32 v5, $0x3  }
0xcb: {  	v5 =	vand.u32 $0x7, v5;
	v7 =	vand.u32 $0xFFFFFFC0, v7  }
0xcc: {  	v5 =	vor.u32 v5, v7  }
0xcd: {  	v7 =	vperm.xlane v5, v2;
	_ =	sdelay $0x1  }
0xce: {  	v7 =	vadd.s32 v3, v7;
	_ =	sdelay $0x3  }
0xcf: {  	s26 =	simm.s32 $0xF500;
	[tilespmem:$0x3480] =	vst v6  }
0xd0: {  	[tilespmem:s26], [sflag:$0x4] =	stream.indirect_vreg.gather [hbm4b:s23+s8], $0x80, v7, vm0, $0xb8;
	[tilespmem:$0x13500] =	vst v63  }
0xd1: {  	s22 =	simm.s32 $0xFD00;
	v5 =	vperm.xlane v5, v4  }
0xd2: {  	[tilespmem:s22], [sflag:$0x4] =	stream.indirect_vreg.gather [hbm4b:s20+s8], $0x80, v7, vm0, $0xb8;
	[tilespmem:$0x13500] =	vst v63  }
0xd3: {  	s24 =	simm.s32 $0x10500;
	v5 =	vadd.s32 v3, v5  }
0xd4: {  	[tilespmem:s24], [sflag:$0x4] =	stream.indirect_vreg.gather [hbm4b:s21+s8], $0x80, v7, vm0, $0xb8;
	[tilespmem:$0x13500] =	vst v63  }
0xd5: {  	s26 =	simm.s32 $0x10D00  }
0xd6: {  	[tilespmem:s26], [sflag:$0x4] =	stream.indirect_vreg.gather [hbm4b:s0+s8], $0x80, v7, vm0, $0xb8;
	[tilespmem:$0x13500] =	vst v63  }
0xd7: {  	s22 =	simm.s32 $0x11500  }
0xd8: {  	[tilespmem:s22], [sflag:$0x4] =	stream.indirect_vreg.gather [hbm4b:s23+s8], $0x80, v5, vm0, $0xb8;
	[tilespmem:$0x13500] =	vst v63  }
0xd9: {  	s23 =	simm.s32 $0x11D00  }
0xda: {  	[tilespmem:s23], [sflag:$0x4] =	stream.indirect_vreg.gather [hbm4b:s20+s8], $0x80, v5, vm0, $0xb8;
	[tilespmem:$0x13500] =	vst v63  }
0xdb: {  	s24 =	simm.s32 $0x12500  }
0xdc: {  	[tilespmem:s24], [sflag:$0x4] =	stream.indirect_vreg.gather [hbm4b:s21+s8], $0x80, v5, vm0, $0xb8;
	[tilespmem:$0x13500] =	vst v63  }
0xdd: {  	s26 =	simm.s32 $0x12D00  }
0xde: {  	[tilespmem:s26], [sflag:$0x4] =	stream.indirect_vreg.gather [hbm4b:s0+s8], $0x80, v5, vm0, $0xb8;
	[tilespmem:$0x13500] =	vst v63  }
.LBB2_52:
0xdf: {  	s0 =	simm.s32 @!p0 $0x1  }
0xe0: {  	_ =	swait.ge @!p0 [sflag:s0], $0x4000  }
0xe1: {  	[sflag:s0] =	ssyncset.done @!p0 $0x0  }
0xe2: {  	[sflag:s0] =	ssyncadd.s32 @!p0 $0xFFFFC000  }
0xe3: {  	v5 =	vld @!p0 [tilespmem:$0x3300];
	_ =	sdelay $0x4  }
0xe4: {  	v6 =	vshll.u32 @!p0 v5, $0x3  }
0xe5: {  	v7 =	vlaneseq.u32 @!p0;
	v5 =	vand.u32 @!p0 $0x7, v5;
	v6 =	vand.u32 @!p0 $0xFFFFFFC0, v6  }
0xe6: {  	v8 =	vshrl.u32 @!p0 v7, $0x3;
	v5 =	vor.u32 @!p0 v5, v6;
	v6 =	vand.u32 @!p0 $0x7, v7  }
0xe7: {  	v8 =	vmul.u32 @!p0 $0x8, v8;
	v6 =	vperm.xlane @!p0 v5, v6;
	_ =	sdelay $0x1  }
0xe8: {  	v6 =	vadd.s32 @!p0 v8, v6;
	_ =	sdelay $0x3  }
0xe9: {  	vm1 =	vmmov @!p0 $0xffff;
	s7 =	simm.s32 @!p0 $0x3500;
	s0 =	simm.s32 @!p0 $0x0;
	s20 =	rddreg [dreg:$0x6]  }
0xea: {  	v7 =	vor.u32 @!p0 $0x8, v7;
	[hbm4b:s20+s0] =	stream.indirect_vreg.scatter @!p0 [tilespmem:s7], [sflag:$0x5], $0x80, v6, vm1, $0xb8;
	[tilespmem:$0x13500] =	vst v63  }
0xeb: {  	v5 =	vperm.xlane @!p0 v5, v7;
	s7 =	simm.s32 @!p0 $0x3D00  }
0xec: {  	[hbm4b:s28+s0] =	stream.indirect_vreg.scatter @!p0 [tilespmem:s7], [sflag:$0x5], $0x80, v6, vm1, $0xb8;
	[tilespmem:$0x13500] =	vst v63  }
0xed: {  	v5 =	vadd.s32 @!p0 v8, v5;
	s7 =	simm.s32 @!p0 $0x4500  }
0xee: {  	[hbm4b:s29+s0] =	stream.indirect_vreg.scatter @!p0 [tilespmem:s7], [sflag:$0x5], $0x80, v6, vm1, $0xb8;
	[tilespmem:$0x13500] =	vst v63  }
0xef: {  	s7 =	simm.s32 @!p0 $0x4D00  }
0xf0: {  	[hbm4b:s30+s0] =	stream.indirect_vreg.scatter @!p0 [tilespmem:s7], [sflag:$0x5], $0x80, v6, vm1, $0xb8;
	[tilespmem:$0x13500] =	vst v63  }
0xf1: {  	s7 =	simm.s32 @!p0 $0x5500  }
0xf2: {  	[hbm4b:s20+s0] =	stream.indirect_vreg.scatter @!p0 [tilespmem:s7], [sflag:$0x5], $0x80, v5, vm1, $0xb8;
	[tilespmem:$0x13500] =	vst v63  }
0xf3: {  	s7 =	simm.s32 @!p0 $0x5D00  }
0xf4: {  	[hbm4b:s28+s0] =	stream.indirect_vreg.scatter @!p0 [tilespmem:s7], [sflag:$0x5], $0x80, v5, vm1, $0xb8;
	[tilespmem:$0x13500] =	vst v63  }
0xf5: {  	s7 =	simm.s32 @!p0 $0x6500  }
0xf6: {  	[hbm4b:s29+s0] =	stream.indirect_vreg.scatter @!p0 [tilespmem:s7], [sflag:$0x5], $0x80, v5, vm1, $0xb8;
	[tilespmem:$0x13500] =	vst v63  }
0xf7: {  	s7 =	simm.s32 @!p0 $0x6D00  }
0xf8: {  	[hbm4b:s30+s0] =	stream.indirect_vreg.scatter @!p0 [tilespmem:s7], [sflag:$0x5], $0x80, v5, vm1, $0xb8;
	[tilespmem:$0x13500] =	vst v63  }
0xf9: {  	s0 =	simm.s32 @!p1 $0x2  }
0xfa: {  	_ =	swait.ge @!p1 [sflag:s0], $0x4000  }
0xfb: {  	[sflag:s0] =	ssyncset.done @!p1 $0x0  }
0xfc: {  	[sflag:s0] =	ssyncadd.s32 @!p1 $0xFFFFC000  }
0xfd: {  	v5 =	vld @!p1 [tilespmem:$0x3380];
	_ =	sdelay $0x4  }
0xfe: {  	v6 =	vshll.u32 @!p1 v5, $0x3  }
0xff: {  	v7 =	vlaneseq.u32 @!p1;
	v5 =	vand.u32 @!p1 $0x7, v5;
	v6 =	vand.u32 @!p1 $0xFFFFFFC0, v6  }
0x100: {  	v8 =	vshrl.u32 @!p1 v7, $0x3;
	v5 =	vor.u32 @!p1 v5, v6;
	v6 =	vand.u32 @!p1 $0x7, v7  }
0x101: {  	v8 =	vmul.u32 @!p1 $0x8, v8;
	v6 =	vperm.xlane @!p1 v5, v6;
	_ =	sdelay $0x1  }
0x102: {  	v6 =	vadd.s32 @!p1 v8, v6;
	_ =	sdelay $0x3  }
0x103: {  	vm1 =	vmmov @!p1 $0xffff;
	s7 =	simm.s32 @!p1 $0x7500;
	s0 =	simm.s32 @!p1 $0x0  }
0x104: {  	v7 =	vor.u32 @!p1 $0x8, v7;
	[hbm4b:s20+s0] =	stream.indirect_vreg.scatter @!p1 [tilespmem:s7], [sflag:$0x6], $0x80, v6, vm1, $0xb8;
	[tilespmem:$0x13500] =	vst v63  }
0x105: {  	v5 =	vperm.xlane @!p1 v5, v7;
	s7 =	simm.s32 @!p1 $0x7D00  }
0x106: {  	[hbm4b:s28+s0] =	stream.indirect_vreg.scatter @!p1 [tilespmem:s7], [sflag:$0x6], $0x80, v6, vm1, $0xb8;
	[tilespmem:$0x13500] =	vst v63  }
0x107: {  	v5 =	vadd.s32 @!p1 v8, v5;
	s7 =	simm.s32 @!p1 $0x8500  }
0x108: {  	[hbm4b:s29+s0] =	stream.indirect_vreg.scatter @!p1 [tilespmem:s7], [sflag:$0x6], $0x80, v6, vm1, $0xb8;
	[tilespmem:$0x13500] =	vst v63  }
0x109: {  	s7 =	simm.s32 @!p1 $0x8D00  }
0x10a: {  	[hbm4b:s30+s0] =	stream.indirect_vreg.scatter @!p1 [tilespmem:s7], [sflag:$0x6], $0x80, v6, vm1, $0xb8;
	[tilespmem:$0x13500] =	vst v63  }
0x10b: {  	s7 =	simm.s32 @!p1 $0x9500  }
0x10c: {  	[hbm4b:s20+s0] =	stream.indirect_vreg.scatter @!p1 [tilespmem:s7], [sflag:$0x6], $0x80, v5, vm1, $0xb8;
	[tilespmem:$0x13500] =	vst v63  }
0x10d: {  	s7 =	simm.s32 @!p1 $0x9D00  }
0x10e: {  	[hbm4b:s28+s0] =	stream.indirect_vreg.scatter @!p1 [tilespmem:s7], [sflag:$0x6], $0x80, v5, vm1, $0xb8;
	[tilespmem:$0x13500] =	vst v63  }
0x10f: {  	s7 =	simm.s32 @!p1 $0xA500  }
0x110: {  	[hbm4b:s29+s0] =	stream.indirect_vreg.scatter @!p1 [tilespmem:s7], [sflag:$0x6], $0x80, v5, vm1, $0xb8;
	[tilespmem:$0x13500] =	vst v63  }
0x111: {  	s7 =	simm.s32 @!p1 $0xAD00  }
0x112: {  	[hbm4b:s30+s0] =	stream.indirect_vreg.scatter @!p1 [tilespmem:s7], [sflag:$0x6], $0x80, v5, vm1, $0xb8;
	[tilespmem:$0x13500] =	vst v63  }
0x113: {  	s0 =	simm.s32 @!p3 $0x3  }
0x114: {  	_ =	swait.ge @!p3 [sflag:s0], $0x4000  }
0x115: {  	[sflag:s0] =	ssyncset.done @!p3 $0x0  }
0x116: {  	[sflag:s0] =	ssyncadd.s32 @!p3 $0xFFFFC000  }
0x117: {  	v5 =	vld @!p3 [tilespmem:$0x3400];
	_ =	sdelay $0x4  }
0x118: {  	v6 =	vshll.u32 @!p3 v5, $0x3  }
0x119: {  	v7 =	vlaneseq.u32 @!p3;
	v5 =	vand.u32 @!p3 $0x7, v5;
	v6 =	vand.u32 @!p3 $0xFFFFFFC0, v6  }
0x11a: {  	v8 =	vshrl.u32 @!p3 v7, $0x3;
	v5 =	vor.u32 @!p3 v5, v6;
	v6 =	vand.u32 @!p3 $0x7, v7  }
0x11b: {  	v8 =	vmul.u32 @!p3 $0x8, v8;
	v6 =	vperm.xlane @!p3 v5, v6;
	_ =	sdelay $0x1  }
0x11c: {  	v6 =	vadd.s32 @!p3 v8, v6;
	_ =	sdelay $0x3  }
0x11d: {  	vm1 =	vmmov @!p3 $0xffff;
	s7 =	simm.s32 @!p3 $0xB500;
	s0 =	simm.s32 @!p3 $0x0  }
0x11e: {  	v7 =	vor.u32 @!p3 $0x8, v7;
	[hbm4b:s20+s0] =	stream.indirect_vreg.scatter @!p3 [tilespmem:s7], [sflag:$0x7], $0x80, v6, vm1, $0xb8;
	[tilespmem:$0x13500] =	vst v63  }
0x11f: {  	v5 =	vperm.xlane @!p3 v5, v7;
	s7 =	simm.s32 @!p3 $0xBD00  }
0x120: {  	[hbm4b:s28+s0] =	stream.indirect_vreg.scatter @!p3 [tilespmem:s7], [sflag:$0x7], $0x80, v6, vm1, $0xb8;
	[tilespmem:$0x13500] =	vst v63  }
0x121: {  	v5 =	vadd.s32 @!p3 v8, v5;
	s7 =	simm.s32 @!p3 $0xC500  }
0x122: {  	[hbm4b:s29+s0] =	stream.indirect_vreg.scatter @!p3 [tilespmem:s7], [sflag:$0x7], $0x80, v6, vm1, $0xb8;
	[tilespmem:$0x13500] =	vst v63  }
0x123: {  	s7 =	simm.s32 @!p3 $0xCD00  }
0x124: {  	[hbm4b:s30+s0] =	stream.indirect_vreg.scatter @!p3 [tilespmem:s7], [sflag:$0x7], $0x80, v6, vm1, $0xb8;
	[tilespmem:$0x13500] =	vst v63  }
0x125: {  	s7 =	simm.s32 @!p3 $0xD500  }
0x126: {  	[hbm4b:s20+s0] =	stream.indirect_vreg.scatter @!p3 [tilespmem:s7], [sflag:$0x7], $0x80, v5, vm1, $0xb8;
	[tilespmem:$0x13500] =	vst v63  }
0x127: {  	s7 =	simm.s32 @!p3 $0xDD00  }
0x128: {  	[hbm4b:s28+s0] =	stream.indirect_vreg.scatter @!p3 [tilespmem:s7], [sflag:$0x7], $0x80, v5, vm1, $0xb8;
	[tilespmem:$0x13500] =	vst v63  }
0x129: {  	s7 =	simm.s32 @!p3 $0xE500  }
0x12a: {  	[hbm4b:s29+s0] =	stream.indirect_vreg.scatter @!p3 [tilespmem:s7], [sflag:$0x7], $0x80, v5, vm1, $0xb8;
	[tilespmem:$0x13500] =	vst v63  }
0x12b: {  	s7 =	simm.s32 @!p3 $0xED00  }
0x12c: {  	[hbm4b:s30+s0] =	stream.indirect_vreg.scatter @!p3 [tilespmem:s7], [sflag:$0x7], $0x80, v5, vm1, $0xb8;
	[tilespmem:$0x13500] =	vst v63  }
0x12d: {  	s0 =	simm.s32 @!p4 $0x4  }
0x12e: {  	_ =	swait.ge @!p4 [sflag:s0], $0x4000  }
0x12f: {  	[sflag:s0] =	ssyncset.done @!p4 $0x0  }
0x130: {  	[sflag:s0] =	ssyncadd.s32 @!p4 $0xFFFFC000  }
0x131: {  	v5 =	vld @!p4 [tilespmem:$0x3480];
	_ =	sdelay $0x4  }
0x132: {  	v6 =	vshll.u32 @!p4 v5, $0x3  }
0x133: {  	v7 =	vlaneseq.u32 @!p4;
	v5 =	vand.u32 @!p4 $0x7, v5;
	v6 =	vand.u32 @!p4 $0xFFFFFFC0, v6  }
0x134: {  	v8 =	vshrl.u32 @!p4 v7, $0x3;
	v5 =	vor.u32 @!p4 v5, v6;
	v6 =	vand.u32 @!p4 $0x7, v7  }
0x135: {  	v8 =	vmul.u32 @!p4 $0x8, v8;
	v6 =	vperm.xlane @!p4 v5, v6;
	_ =	sdelay $0x1  }
0x136: {  	v6 =	vadd.s32 @!p4 v8, v6;
	_ =	sdelay $0x3  }
0x137: {  	vm1 =	vmmov @!p4 $0xffff;
	s7 =	simm.s32 @!p4 $0xF500;
	s0 =	simm.s32 @!p4 $0x0  }
0x138: {  	v7 =	vor.u32 @!p4 $0x8, v7;
	[hbm4b:s20+s0] =	stream.indirect_vreg.scatter @!p4 [tilespmem:s7], [sflag:$0x8], $0x80, v6, vm1, $0xb8;
	[tilespmem:$0x13500] =	vst v63  }
0x139: {  	v5 =	vperm.xlane @!p4 v5, v7;
	s7 =	simm.s32 @!p4 $0xFD00  }
0x13a: {  	[hbm4b:s28+s0] =	stream.indirect_vreg.scatter @!p4 [tilespmem:s7], [sflag:$0x8], $0x80, v6, vm1, $0xb8;
	[tilespmem:$0x13500] =	vst v63  }
0x13b: {  	v5 =	vadd.s32 @!p4 v8, v5;
	s7 =	simm.s32 @!p4 $0x10500  }
0x13c: {  	[hbm4b:s29+s0] =	stream.indirect_vreg.scatter @!p4 [tilespmem:s7], [sflag:$0x8], $0x80, v6, vm1, $0xb8;
	[tilespmem:$0x13500] =	vst v63  }
0x13d: {  	s7 =	simm.s32 @!p4 $0x10D00  }
0x13e: {  	[hbm4b:s30+s0] =	stream.indirect_vreg.scatter @!p4 [tilespmem:s7], [sflag:$0x8], $0x80, v6, vm1, $0xb8;
	[tilespmem:$0x13500] =	vst v63  }
0x13f: {  	s18 =	sadd.s32 $0xFFFFFFFF, s18;
	s7 =	simm.s32 @!p4 $0x11500  }
0x140: {  	[hbm4b:s20+s0] =	stream.indirect_vreg.scatter @!p4 [tilespmem:s7], [sflag:$0x8], $0x80, v5, vm1, $0xb8;
	[tilespmem:$0x13500] =	vst v63  }
0x141: {  	p0 =	sne.s32 s18, $0x0;
	s7 =	simm.s32 @!p4 $0x11D00  }
0x142: {  	[hbm4b:s28+s0] =	stream.indirect_vreg.scatter @!p4 [tilespmem:s7], [sflag:$0x8], $0x80, v5, vm1, $0xb8;
	[tilespmem:$0x13500] =	vst v63  }
.Ltmp5:
0x143: {  	_ = 	snop;
	(pc) =	sbr.rel @!p0 .LBB2_53-.Ltmp5, $4  }
0x144: {  	s19 =	sadd.s32 $0x1, s19;
	s15 =	sadd.s32 $0x40, s15;
	s7 =	simm.s32 @!p4 $0x12500  }
0x145: {  	[hbm4b:s29+s0] =	stream.indirect_vreg.scatter @!p4 [tilespmem:s7], [sflag:$0x8], $0x80, v5, vm1, $0xb8;
	[tilespmem:$0x13500] =	vst v63  }
0x146: {  	s16 =	sadd.s32 $0x40, s16;
	s17 =	sadd.s32 $0x4, s17;
	s7 =	simm.s32 @!p4 $0x12D00  }
0x147: {  	[hbm4b:s30+s0] =	stream.indirect_vreg.scatter @!p4 [tilespmem:s7], [sflag:$0x8], $0x80, v5, vm1, $0xb8;
	[tilespmem:$0x13500] =	vst v63  }
.LBB2_5:
0x148: {  	p0 =	sge.s32 s17, s11  }
.Ltmp6:
0x149: {  	p2 =	seq.s32 s17, $0x0;
	(pc) =	sbr.rel @p0 .LBB2_16-.Ltmp6, $4  }
0x14a: {  	s0 =	simm.s32 @!p2 $0x5  }
0x14b: {  	_ =	swait.ge @!p2 [sflag:s0], $0x4000  }
0x14c: {  	[sflag:s0] =	ssyncset.done @!p2 $0x0  }
0x14d: {  	s23 =	sshll.u32 s19, $0x2;
	[sflag:s0] =	ssyncadd.s32 @!p2 $0xFFFFC000  }
0x14e: {  	s0 =	rddreg [dreg:$0x1b];
	p3 =	sge.s32 s17, s12  }
0x14f: {  	s7 =	simm.s32 $0x1;
	p1 =	sge.s32 s17, s0;
	s0 =	simm.s32 $0x1  }
0x150: {  	s7 =	simm.s32 @!p3 $0x0;
	s0 =	simm.s32 @!p1 $0x0  }
0x151: {  	p1 =	sge.s32 s17, s13;
	s0 =	sadd.s32 s7, s0;
	s7 =	simm.s32 $0x1  }
0x152: {  	s20 =	simm.s32 $0x1;
	s7 =	simm.s32 @!p1 $0x0;
	p1 =	sge.s32 s17, s14  }
0x153: {  	s0 =	sadd.s32 s7, s0;
	s20 =	simm.s32 @!p1 $0x0  }
0x154: {  	s7 =	sadd.s32 s20, s0  }
0x155: {  	p1 =	sgt.s32 s7, $0x1  }
.Ltmp7:
0x156: {  	_ = 	snop;
	(pc) =	sbr.rel @p1 .LBB2_10-.Ltmp7, $1  }
0x157: {  	_ =	sdelay $0x3  }
0x158: {  	p1 =	seq.s32 s7, $0x0  }
.Ltmp8:
0x159: {  	_ = 	snop;
	(pc) =	sbr.rel @p1 .LBB2_15-.Ltmp8, $4  }
0x15a: {  	s24 =	rddreg [dreg:$0x1]  }
0x15b: {  	s20 =	rddreg [dreg:$0x13]  }
0x15c: {  	s21 =	rddreg [dreg:$0x14]  }
0x15d: {  	s0 =	smov.u32 s15;
	s26 =	smov.u32 s16;
	s22 =	rddreg [dreg:$0x15]  }
0x15e: {  	p1 =	seq.s32 s7, $0x1  }
.Ltmp9:
0x15f: {  	_ = 	snop;
	(pc) =	sbr.rel @!p1 .LBB2_12-.Ltmp9, $1  }
0x160: {  	_ =	sdelay $0x3  }
.Ltmp10:
0x161: {  	s0 =	rddreg [dreg:$0x1b];
	(pc) =	sbr.rel .LBB2_15-.Ltmp10, $4  }
0x162: {  	s24 =	rddreg [dreg:$0x2]  }
0x163: {  	s20 =	rddreg [dreg:$0x10];
	s0 =	ssub.s32 s23, s0  }
0x164: {  	s21 =	rddreg [dreg:$0x11];
	s7 =	sshll.u32 s0, $0x4  }
0x165: {  	s22 =	rddreg [dreg:$0x12];
	s0 =	sadd.s32 $0x880, s7;
	s26 =	sadd.s32 $0x1F00, s7  }
.LBB2_10:
0x166: {  	p1 =	seq.s32 s7, $0x2  }
.Ltmp11:
0x167: {  	_ = 	snop;
	(pc) =	sbr.rel @p1 .LBB2_14-.Ltmp11, $1  }
0x168: {  	_ =	sdelay $0x3  }
0x169: {  	p1 =	seq.s32 s7, $0x3  }
.Ltmp12:
0x16a: {  	_ = 	snop;
	(pc) =	sbr.rel @!p1 .LBB2_12-.Ltmp12, $1  }
0x16b: {  	_ =	sdelay $0x3  }
.Ltmp13:
0x16c: {  	(pc) =	sbr.rel .LBB2_15-.Ltmp13, $4  }
0x16d: {  	s24 =	rddreg [dreg:$0x4]  }
0x16e: {  	s0 =	ssub.s32 s23, s13;
	s20 =	rddreg [dreg:$0xa]  }
0x16f: {  	s21 =	rddreg [dreg:$0xb];
	s7 =	sshll.u32 s0, $0x4  }
0x170: {  	s22 =	rddreg [dreg:$0xc];
	s0 =	sadd.s32 $0x1180, s7;
	s26 =	sadd.s32 $0x2800, s7  }
.LBB2_12:
.Ltmp14:
0x171: {  	(pc) =	sbr.rel .LBB2_15-.Ltmp14, $4  }
0x172: {  	s24 =	rddreg [dreg:$0x5]  }
0x173: {  	s0 =	ssub.s32 s23, s14;
	s20 =	rddreg [dreg:$0x16]  }
0x174: {  	s21 =	rddreg [dreg:$0x17];
	s7 =	sshll.u32 s0, $0x4  }
0x175: {  	s22 =	rddreg [dreg:$0x19];
	s0 =	sadd.s32 $0x1600, s7;
	s26 =	sadd.s32 $0x2C80, s7  }
.LBB2_14:
0x176: {  	s24 =	rddreg [dreg:$0x3]  }
0x177: {  	s0 =	ssub.s32 s23, s12;
	s20 =	rddreg [dreg:$0xd]  }
0x178: {  	s21 =	rddreg [dreg:$0xe];
	s7 =	sshll.u32 s0, $0x4  }
0x179: {  	s22 =	rddreg [dreg:$0xf];
	s0 =	sadd.s32 $0xD00, s7;
	s26 =	sadd.s32 $0x2380, s7  }
.LBB2_15:
0x17a: {  	v5 =	vld [tilespmem:s0+$0x0]  }
0x17b: {  	v6 =	vld [tilespmem:s26+$0x0];
	_ =	sdelay $0x3  }
0x17c: {  	v5 =	vxor.u32 $0x80000000, v5  }
0x17d: {  	(xrf1) =	vsort.ascd.msk.u32 $0xffff, v5, v6;
	_ =	sdelay $0xd  }
0x17e: {  	v5, v6, _ =	vpop (xrf1)  }
0x17f: {  	v5 =	vxor.u32 $0x80000000, v5  }
0x180: {  	[tilespmem:$0x3100] =	vst v5  }
0x181: {  	v5 =	vld [tilespmem:$0x3100];
	_ =	sdelay $0x4  }
0x182: {  	v7 =	vshll.u32 v5, $0x3  }
0x183: {  	v5 =	vand.u32 $0x7, v5;
	v7 =	vand.u32 $0xFFFFFFC0, v7  }
0x184: {  	v5 =	vor.u32 v5, v7  }
0x185: {  	v7 =	vperm.xlane v5, v2;
	_ =	sdelay $0x1  }
0x186: {  	v7 =	vadd.s32 v3, v7;
	_ =	sdelay $0x3  }
0x187: {  	s26 =	simm.s32 $0x3500;
	[tilespmem:$0x3300] =	vst v6  }
0x188: {  	[tilespmem:s26], [sflag:$0x1] =	stream.indirect_vreg.gather [hbm4b:s24+s8], $0x80, v7, vm0, $0xb8;
	[tilespmem:$0x13500] =	vst v63  }
0x189: {  	s7 =	simm.s32 $0x3D00;
	v5 =	vperm.xlane v5, v4  }
0x18a: {  	[tilespmem:s7], [sflag:$0x1] =	stream.indirect_vreg.gather [hbm4b:s20+s8], $0x80, v7, vm0, $0xb8;
	[tilespmem:$0x13500] =	vst v63  }
0x18b: {  	v5 =	vadd.s32 v3, v5;
	s26 =	simm.s32 $0x4500  }
0x18c: {  	[tilespmem:s26], [sflag:$0x1] =	stream.indirect_vreg.gather [hbm4b:s21+s8], $0x80, v7, vm0, $0xb8;
	[tilespmem:$0x13500] =	vst v63  }
0x18d: {  	s7 =	simm.s32 $0x4D00  }
0x18e: {  	[tilespmem:s7], [sflag:$0x1] =	stream.indirect_vreg.gather [hbm4b:s22+s8], $0x80, v7, vm0, $0xb8;
	[tilespmem:$0x13500] =	vst v63  }
0x18f: {  	s26 =	simm.s32 $0x5500  }
0x190: {  	[tilespmem:s26], [sflag:$0x1] =	stream.indirect_vreg.gather [hbm4b:s24+s8], $0x80, v5, vm0, $0xb8;
	[tilespmem:$0x13500] =	vst v63  }
0x191: {  	s7 =	simm.s32 $0x5D00  }
0x192: {  	[tilespmem:s7], [sflag:$0x1] =	stream.indirect_vreg.gather [hbm4b:s20+s8], $0x80, v5, vm0, $0xb8;
	[tilespmem:$0x13500] =	vst v63  }
0x193: {  	s24 =	simm.s32 $0x6500  }
0x194: {  	[tilespmem:s24], [sflag:$0x1] =	stream.indirect_vreg.gather [hbm4b:s21+s8], $0x80, v5, vm0, $0xb8;
	[tilespmem:$0x13500] =	vst v63  }
0x195: {  	s26 =	simm.s32 $0x6D00  }
0x196: {  	[tilespmem:s26], [sflag:$0x1] =	stream.indirect_vreg.gather [hbm4b:s22+s8], $0x80, v5, vm0, $0xb8;
	[tilespmem:$0x13500] =	vst v63  }
.LBB2_16:
0x197: {  	s24 =	sadd.s32 $0x1, s17  }
0x198: {  	p1 =	sge.s32 s24, s11  }
.Ltmp15:
0x199: {  	_ = 	snop;
	(pc) =	sbr.rel @p1 .LBB2_28-.Ltmp15, $4  }
0x19a: {  	s0 =	simm.s32 @!p2 $0x6  }
0x19b: {  	_ =	swait.ge @!p2 [sflag:s0], $0x4000  }
0x19c: {  	[sflag:s0] =	ssyncset.done @!p2 $0x0  }
0x19d: {  	[sflag:s0] =	ssyncadd.s32 @!p2 $0xFFFFC000  }
0x19e: {  	s0 =	rddreg [dreg:$0x1b];
	p4 =	sge.s32 s24, s12  }
0x19f: {  	s7 =	simm.s32 $0x1;
	p3 =	sge.s32 s24, s0;
	s0 =	simm.s32 $0x1  }
0x1a0: {  	s7 =	simm.s32 @!p4 $0x0;
	s0 =	simm.s32 @!p3 $0x0  }
0x1a1: {  	p3 =	sge.s32 s24, s13;
	s0 =	sadd.s32 s7, s0;
	s7 =	simm.s32 $0x1  }
0x1a2: {  	s20 =	simm.s32 $0x1;
	s7 =	simm.s32 @!p3 $0x0;
	p3 =	sge.s32 s24, s14  }
0x1a3: {  	s0 =	sadd.s32 s7, s0;
	s20 =	simm.s32 @!p3 $0x0  }
0x1a4: {  	s7 =	sadd.s32 s20, s0  }
0x1a5: {  	p3 =	sgt.s32 s7, $0x1  }
.Ltmp16:
0x1a6: {  	_ = 	snop;
	(pc) =	sbr.rel @p3 .LBB2_20-.Ltmp16, $2  }
0x1a7: {  	_ =	sdelay $0x2  }
0x1a8: {  	s0 =	sor.u32 $0x1, s23  }
0x1a9: {  	p3 =	seq.s32 s7, $0x0  }
.Ltmp17:
0x1aa: {  	_ = 	snop;
	(pc) =	sbr.rel @p3 .LBB2_19-.Ltmp17, $1  }
0x1ab: {  	_ =	sdelay $0x3  }
0x1ac: {  	p3 =	seq.s32 s7, $0x1  }
.Ltmp18:
0x1ad: {  	_ = 	snop;
	(pc) =	sbr.rel @!p3 .LBB2_22-.Ltmp18, $1  }
0x1ae: {  	_ =	sdelay $0x3  }
.Ltmp19:
0x1af: {  	s7 =	rddreg [dreg:$0x1b];
	(pc) =	sbr.rel .LBB2_27-.Ltmp19, $4  }
0x1b0: {  	s26 =	rddreg [dreg:$0x2]  }
0x1b1: {  	s20 =	rddreg [dreg:$0x10]  }
0x1b2: {  	s22 =	simm.s32 $0x1F00;
	s21 =	rddreg [dreg:$0x11]  }
0x1b3: {  	s24 =	ssub.s32 s0, s7;
	s7 =	simm.s32 $0x880;
	s0 =	rddreg [dreg:$0x12]  }
.LBB2_20:
0x1b4: {  	p3 =	seq.s32 s7, $0x2  }
.Ltmp20:
0x1b5: {  	_ = 	snop;
	(pc) =	sbr.rel @p3 .LBB2_24-.Ltmp20, $1  }
0x1b6: {  	_ =	sdelay $0x3  }
0x1b7: {  	p3 =	seq.s32 s7, $0x3  }
.Ltmp21:
0x1b8: {  	_ = 	snop;
	(pc) =	sbr.rel @!p3 .LBB2_22-.Ltmp21, $1  }
0x1b9: {  	_ =	sdelay $0x3  }
.Ltmp22:
0x1ba: {  	(pc) =	sbr.rel .LBB2_27-.Ltmp22, $4  }
0x1bb: {  	s26 =	rddreg [dreg:$0x4]  }
0x1bc: {  	s20 =	rddreg [dreg:$0xa]  }
0x1bd: {  	s24 =	ssub.s32 s0, s13;
	s21 =	rddreg [dreg:$0xb]  }
0x1be: {  	s22 =	simm.s32 $0x2800;
	s7 =	simm.s32 $0x1180;
	s0 =	rddreg [dreg:$0xc]  }
.LBB2_22:
.Ltmp23:
0x1bf: {  	(pc) =	sbr.rel .LBB2_27-.Ltmp23, $4  }
0x1c0: {  	s26 =	rddreg [dreg:$0x5]  }
0x1c1: {  	s20 =	rddreg [dreg:$0x16]  }
0x1c2: {  	s24 =	ssub.s32 s0, s14;
	s21 =	rddreg [dreg:$0x17]  }
0x1c3: {  	s22 =	simm.s32 $0x2C80;
	s7 =	simm.s32 $0x1600;
	s0 =	rddreg [dreg:$0x19]  }
.LBB2_19:
.Ltmp24:
0x1c4: {  	(pc) =	sbr.rel .LBB2_27-.Ltmp24, $4  }
0x1c5: {  	s26 =	rddreg [dreg:$0x1]  }
0x1c6: {  	s20 =	rddreg [dreg:$0x13]  }
0x1c7: {  	s21 =	rddreg [dreg:$0x14]  }
0x1c8: {  	s22 =	simm.s32 $0x1A80;
	s7 =	simm.s32 $0x400;
	s0 =	rddreg [dreg:$0x15]  }
.LBB2_24:
0x1c9: {  	s26 =	rddreg [dreg:$0x3]  }
0x1ca: {  	s20 =	rddreg [dreg:$0xd]  }
0x1cb: {  	s24 =	ssub.s32 s0, s12;
	s21 =	rddreg [dreg:$0xe]  }
0x1cc: {  	s22 =	simm.s32 $0x2380;
	s7 =	simm.s32 $0xD00;
	s0 =	rddreg [dreg:$0xf]  }
.LBB2_27:
0x1cd: {  	s24 =	sshll.u32 s24, $0x4  }
0x1ce: {  	s7 =	sadd.s32 s24, s7  }
0x1cf: {  	s22 =	sadd.s32 s24, s22;
	v5 =	vld [tilespmem:s7+$0x0]  }
0x1d0: {  	v6 =	vld [tilespmem:s22+$0x0];
	_ =	sdelay $0x3  }
0x1d1: {  	v5 =	vxor.u32 $0x80000000, v5  }
0x1d2: {  	(xrf1) =	vsort.ascd.msk.u32 $0xffff, v5, v6;
	_ =	sdelay $0xd  }
0x1d3: {  	v5, v6, _ =	vpop (xrf1)  }
0x1d4: {  	v5 =	vxor.u32 $0x80000000, v5  }
0x1d5: {  	[tilespmem:$0x3180] =	vst v5  }
0x1d6: {  	v5 =	vld [tilespmem:$0x3180];
	_ =	sdelay $0x4  }
0x1d7: {  	v7 =	vshll.u32 v5, $0x3  }
0x1d8: {  	v5 =	vand.u32 $0x7, v5;
	v7 =	vand.u32 $0xFFFFFFC0, v7  }
0x1d9: {  	v5 =	vor.u32 v5, v7  }
0x1da: {  	v7 =	vperm.xlane v5, v2;
	_ =	sdelay $0x1  }
0x1db: {  	v7 =	vadd.s32 v3, v7;
	_ =	sdelay $0x3  }
0x1dc: {  	s24 =	simm.s32 $0x7500;
	[tilespmem:$0x3380] =	vst v6  }
0x1dd: {  	[tilespmem:s24], [sflag:$0x2] =	stream.indirect_vreg.gather [hbm4b:s26+s8], $0x80, v7, vm0, $0xb8;
	[tilespmem:$0x13500] =	vst v63  }
0x1de: {  	s22 =	simm.s32 $0x7D00;
	v5 =	vperm.xlane v5, v4  }
0x1df: {  	[tilespmem:s22], [sflag:$0x2] =	stream.indirect_vreg.gather [hbm4b:s20+s8], $0x80, v7, vm0, $0xb8;
	[tilespmem:$0x13500] =	vst v63  }
0x1e0: {  	v5 =	vadd.s32 v3, v5;
	s24 =	simm.s32 $0x8500  }
0x1e1: {  	[tilespmem:s24], [sflag:$0x2] =	stream.indirect_vreg.gather [hbm4b:s21+s8], $0x80, v7, vm0, $0xb8;
	[tilespmem:$0x13500] =	vst v63  }
0x1e2: {  	s22 =	simm.s32 $0x8D00  }
0x1e3: {  	[tilespmem:s22], [sflag:$0x2] =	stream.indirect_vreg.gather [hbm4b:s0+s8], $0x80, v7, vm0, $0xb8;
	[tilespmem:$0x13500] =	vst v63  }
0x1e4: {  	s24 =	simm.s32 $0x9500  }
0x1e5: {  	[tilespmem:s24], [sflag:$0x2] =	stream.indirect_vreg.gather [hbm4b:s26+s8], $0x80, v5, vm0, $0xb8;
	[tilespmem:$0x13500] =	vst v63  }
0x1e6: {  	s22 =	simm.s32 $0x9D00  }
0x1e7: {  	[tilespmem:s22], [sflag:$0x2] =	stream.indirect_vreg.gather [hbm4b:s20+s8], $0x80, v5, vm0, $0xb8;
	[tilespmem:$0x13500] =	vst v63  }
0x1e8: {  	s24 =	simm.s32 $0xA500  }
0x1e9: {  	[tilespmem:s24], [sflag:$0x2] =	stream.indirect_vreg.gather [hbm4b:s21+s8], $0x80, v5, vm0, $0xb8;
	[tilespmem:$0x13500] =	vst v63  }
0x1ea: {  	s26 =	simm.s32 $0xAD00  }
0x1eb: {  	[tilespmem:s26], [sflag:$0x2] =	stream.indirect_vreg.gather [hbm4b:s0+s8], $0x80, v5, vm0, $0xb8;
	[tilespmem:$0x13500] =	vst v63  }
.LBB2_28:
0x1ec: {  	s24 =	sadd.s32 $0x2, s17  }
0x1ed: {  	p3 =	sge.s32 s24, s11  }
.Ltmp25:
0x1ee: {  	_ = 	snop;
	(pc) =	sbr.rel @p3 .LBB2_40-.Ltmp25, $4  }
0x1ef: {  	s0 =	simm.s32 @!p2 $0x7  }
0x1f0: {  	_ =	swait.ge @!p2 [sflag:s0], $0x4000  }
0x1f1: {  	[sflag:s0] =	ssyncset.done @!p2 $0x0  }
0x1f2: {  	[sflag:s0] =	ssyncadd.s32 @!p2 $0xFFFFC000  }
0x1f3: {  	s0 =	rddreg [dreg:$0x1b];
	p5 =	sge.s32 s24, s12  }
0x1f4: {  	s7 =	simm.s32 $0x1;
	p4 =	sge.s32 s24, s0;
	s0 =	simm.s32 $0x1  }
0x1f5: {  	s7 =	simm.s32 @!p5 $0x0;
	s0 =	simm.s32 @!p4 $0x0  }
0x1f6: {  	p4 =	sge.s32 s24, s13;
	s0 =	sadd.s32 s7, s0;
	s7 =	simm.s32 $0x1  }
0x1f7: {  	s20 =	simm.s32 $0x1;
	s7 =	simm.s32 @!p4 $0x0;
	p4 =	sge.s32 s24, s14  }
0x1f8: {  	s0 =	sadd.s32 s7, s0;
	s20 =	simm.s32 @!p4 $0x0  }
0x1f9: {  	s7 =	sadd.s32 s20, s0  }
0x1fa: {  	p4 =	sgt.s32 s7, $0x1  }
.Ltmp26:
0x1fb: {  	_ = 	snop;
	(pc) =	sbr.rel @p4 .LBB2_32-.Ltmp26, $2  }
0x1fc: {  	_ =	sdelay $0x2  }
0x1fd: {  	s0 =	sor.u32 $0x2, s23  }
0x1fe: {  	p4 =	seq.s32 s7, $0x0  }
.Ltmp27:
0x1ff: {  	_ = 	snop;
	(pc) =	sbr.rel @p4 .LBB2_31-.Ltmp27, $1  }
0x200: {  	_ =	sdelay $0x3  }
0x201: {  	p4 =	seq.s32 s7, $0x1  }
.Ltmp28:
0x202: {  	_ = 	snop;
	(pc) =	sbr.rel @!p4 .LBB2_34-.Ltmp28, $1  }
0x203: {  	_ =	sdelay $0x3  }
.Ltmp29:
0x204: {  	s7 =	rddreg [dreg:$0x1b];
	(pc) =	sbr.rel .LBB2_39-.Ltmp29, $4  }
0x205: {  	s26 =	rddreg [dreg:$0x2]  }
0x206: {  	s20 =	rddreg [dreg:$0x10]  }
0x207: {  	s22 =	simm.s32 $0x1F00;
	s21 =	rddreg [dreg:$0x11]  }
0x208: {  	s24 =	ssub.s32 s0, s7;
	s7 =	simm.s32 $0x880;
	s0 =	rddreg [dreg:$0x12]  }
.LBB2_32:
0x209: {  	p4 =	seq.s32 s7, $0x2  }
.Ltmp30:
0x20a: {  	_ = 	snop;
	(pc) =	sbr.rel @p4 .LBB2_36-.Ltmp30, $1  }
0x20b: {  	_ =	sdelay $0x3  }
0x20c: {  	p4 =	seq.s32 s7, $0x3  }
.Ltmp31:
0x20d: {  	_ = 	snop;
	(pc) =	sbr.rel @!p4 .LBB2_34-.Ltmp31, $1  }
0x20e: {  	_ =	sdelay $0x3  }
.Ltmp32:
0x20f: {  	(pc) =	sbr.rel .LBB2_39-.Ltmp32, $4  }
0x210: {  	s26 =	rddreg [dreg:$0x4]  }
0x211: {  	s20 =	rddreg [dreg:$0xa]  }
0x212: {  	s24 =	ssub.s32 s0, s13;
	s21 =	rddreg [dreg:$0xb]  }
0x213: {  	s22 =	simm.s32 $0x2800;
	s7 =	simm.s32 $0x1180;
	s0 =	rddreg [dreg:$0xc]  }
.LBB2_34:
.Ltmp33:
0x214: {  	(pc) =	sbr.rel .LBB2_39-.Ltmp33, $4  }
0x215: {  	s26 =	rddreg [dreg:$0x5]  }
0x216: {  	s20 =	rddreg [dreg:$0x16]  }
0x217: {  	s24 =	ssub.s32 s0, s14;
	s21 =	rddreg [dreg:$0x17]  }
0x218: {  	s22 =	simm.s32 $0x2C80;
	s7 =	simm.s32 $0x1600;
	s0 =	rddreg [dreg:$0x19]  }
.LBB2_31:
.Ltmp34:
0x219: {  	(pc) =	sbr.rel .LBB2_39-.Ltmp34, $4  }
0x21a: {  	s26 =	rddreg [dreg:$0x1]  }
0x21b: {  	s20 =	rddreg [dreg:$0x13]  }
0x21c: {  	s21 =	rddreg [dreg:$0x14]  }
0x21d: {  	s22 =	simm.s32 $0x1A80;
	s7 =	simm.s32 $0x400;
	s0 =	rddreg [dreg:$0x15]  }
.LBB2_36:
0x21e: {  	s26 =	rddreg [dreg:$0x3]  }
0x21f: {  	s20 =	rddreg [dreg:$0xd]  }
0x220: {  	s24 =	ssub.s32 s0, s12;
	s21 =	rddreg [dreg:$0xe]  }
0x221: {  	s22 =	simm.s32 $0x2380;
	s7 =	simm.s32 $0xD00;
	s0 =	rddreg [dreg:$0xf]  }
.LBB2_39:
0x222: {  	s24 =	sshll.u32 s24, $0x4  }
0x223: {  	s7 =	sadd.s32 s24, s7  }
0x224: {  	s22 =	sadd.s32 s24, s22;
	v5 =	vld [tilespmem:s7+$0x0]  }
0x225: {  	v6 =	vld [tilespmem:s22+$0x0];
	_ =	sdelay $0x3  }
0x226: {  	v5 =	vxor.u32 $0x80000000, v5  }
0x227: {  	(xrf1) =	vsort.ascd.msk.u32 $0xffff, v5, v6;
	_ =	sdelay $0xd  }
0x228: {  	v5, v6, _ =	vpop (xrf1)  }
0x229: {  	v5 =	vxor.u32 $0x80000000, v5  }
0x22a: {  	[tilespmem:$0x3200] =	vst v5  }
0x22b: {  	v5 =	vld [tilespmem:$0x3200];
	_ =	sdelay $0x4  }
0x22c: {  	v7 =	vshll.u32 v5, $0x3  }
0x22d: {  	v5 =	vand.u32 $0x7, v5;
	v7 =	vand.u32 $0xFFFFFFC0, v7  }
0x22e: {  	v5 =	vor.u32 v5, v7  }
0x22f: {  	v7 =	vperm.xlane v5, v2;
	_ =	sdelay $0x1  }
0x230: {  	v7 =	vadd.s32 v3, v7;
	_ =	sdelay $0x3  }
0x231: {  	s24 =	simm.s32 $0xB500;
	[tilespmem:$0x3400] =	vst v6  }
0x232: {  	[tilespmem:s24], [sflag:$0x3] =	stream.indirect_vreg.gather [hbm4b:s26+s8], $0x80, v7, vm0, $0xb8;
	[tilespmem:$0x13500] =	vst v63  }
0x233: {  	s22 =	simm.s32 $0xBD00;
	v5 =	vperm.xlane v5, v4  }
0x234: {  	[tilespmem:s22], [sflag:$0x3] =	stream.indirect_vreg.gather [hbm4b:s20+s8], $0x80, v7, vm0, $0xb8;
	[tilespmem:$0x13500] =	vst v63  }
0x235: {  	v5 =	vadd.s32 v3, v5;
	s24 =	simm.s32 $0xC500  }
0x236: {  	[tilespmem:s24], [sflag:$0x3] =	stream.indirect_vreg.gather [hbm4b:s21+s8], $0x80, v7, vm0, $0xb8;
	[tilespmem:$0x13500] =	vst v63  }
0x237: {  	s22 =	simm.s32 $0xCD00  }
0x238: {  	[tilespmem:s22], [sflag:$0x3] =	stream.indirect_vreg.gather [hbm4b:s0+s8], $0x80, v7, vm0, $0xb8;
	[tilespmem:$0x13500] =	vst v63  }
0x239: {  	s24 =	simm.s32 $0xD500  }
0x23a: {  	[tilespmem:s24], [sflag:$0x3] =	stream.indirect_vreg.gather [hbm4b:s26+s8], $0x80, v5, vm0, $0xb8;
	[tilespmem:$0x13500] =	vst v63  }
0x23b: {  	s22 =	simm.s32 $0xDD00  }
0x23c: {  	[tilespmem:s22], [sflag:$0x3] =	stream.indirect_vreg.gather [hbm4b:s20+s8], $0x80, v5, vm0, $0xb8;
	[tilespmem:$0x13500] =	vst v63  }
0x23d: {  	s24 =	simm.s32 $0xE500  }
0x23e: {  	[tilespmem:s24], [sflag:$0x3] =	stream.indirect_vreg.gather [hbm4b:s21+s8], $0x80, v5, vm0, $0xb8;
	[tilespmem:$0x13500] =	vst v63  }
0x23f: {  	s26 =	simm.s32 $0xED00  }
0x240: {  	[tilespmem:s26], [sflag:$0x3] =	stream.indirect_vreg.gather [hbm4b:s0+s8], $0x80, v5, vm0, $0xb8;
	[tilespmem:$0x13500] =	vst v63  }
.LBB2_40:
0x241: {  	s24 =	sadd.s32 $0x3, s17  }
0x242: {  	p4 =	sge.s32 s24, s11  }
.Ltmp35:
0x243: {  	_ = 	snop;
	(pc) =	sbr.rel @p4 .LBB2_52-.Ltmp35, $4  }
0x244: {  	s0 =	simm.s32 @!p2 $0x8  }
0x245: {  	_ =	swait.ge @!p2 [sflag:s0], $0x4000  }
0x246: {  	[sflag:s0] =	ssyncset.done @!p2 $0x0  }
0x247: {  	[sflag:s0] =	ssyncadd.s32 @!p2 $0xFFFFC000  }
0x248: {  	s0 =	rddreg [dreg:$0x1b];
	p5 =	sge.s32 s24, s12  }
0x249: {  	s7 =	simm.s32 $0x1;
	p2 =	sge.s32 s24, s0;
	s0 =	simm.s32 $0x1  }
0x24a: {  	s7 =	simm.s32 @!p5 $0x0;
	s0 =	simm.s32 @!p2 $0x0  }
0x24b: {  	p2 =	sge.s32 s24, s13;
	s0 =	sadd.s32 s7, s0;
	s7 =	simm.s32 $0x1  }
0x24c: {  	s20 =	simm.s32 $0x1;
	s7 =	simm.s32 @!p2 $0x0;
	p2 =	sge.s32 s24, s14  }
0x24d: {  	s0 =	sadd.s32 s7, s0;
	s20 =	simm.s32 @!p2 $0x0  }
0x24e: {  	s7 =	sadd.s32 s20, s0  }
0x24f: {  	p2 =	sgt.s32 s7, $0x1  }
.Ltmp36:
0x250: {  	_ = 	snop;
	(pc) =	sbr.rel @p2 .LBB2_44-.Ltmp36, $2  }
0x251: {  	_ =	sdelay $0x2  }
0x252: {  	s0 =	sor.u32 $0x3, s23  }
0x253: {  	p2 =	seq.s32 s7, $0x0  }
.Ltmp37:
0x254: {  	_ = 	snop;
	(pc) =	sbr.rel @p2 .LBB2_43-.Ltmp37, $1  }
0x255: {  	_ =	sdelay $0x3  }
0x256: {  	p2 =	seq.s32 s7, $0x1  }
.Ltmp38:
0x257: {  	_ = 	snop;
	(pc) =	sbr.rel @!p2 .LBB2_46-.Ltmp38, $1  }
0x258: {  	_ =	sdelay $0x3  }
.Ltmp39:
0x259: {  	s7 =	rddreg [dreg:$0x1b];
	(pc) =	sbr.rel .LBB2_51-.Ltmp39, $4  }
0x25a: {  	s23 =	rddreg [dreg:$0x2]  }
0x25b: {  	s20 =	rddreg [dreg:$0x10]  }
0x25c: {  	s22 =	simm.s32 $0x1F00;
	s21 =	rddreg [dreg:$0x11]  }
0x25d: {  	s24 =	ssub.s32 s0, s7;
	s7 =	simm.s32 $0x880;
	s0 =	rddreg [dreg:$0x12]  }
.LBB2_44:
0x25e: {  	p2 =	seq.s32 s7, $0x2  }
.Ltmp40:
0x25f: {  	_ = 	snop;
	(pc) =	sbr.rel @p2 .LBB2_48-.Ltmp40, $1  }
0x260: {  	_ =	sdelay $0x3  }
0x261: {  	p2 =	seq.s32 s7, $0x3  }
.Ltmp41:
0x262: {  	_ = 	snop;
	(pc) =	sbr.rel @!p2 .LBB2_46-.Ltmp41, $1  }
0x263: {  	_ =	sdelay $0x3  }
.Ltmp42:
0x264: {  	(pc) =	sbr.rel .LBB2_51-.Ltmp42, $4  }
0x265: {  	s23 =	rddreg [dreg:$0x4]  }
0x266: {  	s20 =	rddreg [dreg:$0xa]  }
0x267: {  	s24 =	ssub.s32 s0, s13;
	s21 =	rddreg [dreg:$0xb]  }
0x268: {  	s22 =	simm.s32 $0x2800;
	s7 =	simm.s32 $0x1180;
	s0 =	rddreg [dreg:$0xc]  }
.LBB2_43:
.Ltmp43:
0x269: {  	(pc) =	sbr.rel .LBB2_51-.Ltmp43, $4  }
0x26a: {  	s23 =	rddreg [dreg:$0x1]  }
0x26b: {  	s20 =	rddreg [dreg:$0x13]  }
0x26c: {  	s21 =	rddreg [dreg:$0x14]  }
0x26d: {  	s22 =	simm.s32 $0x1A80;
	s7 =	simm.s32 $0x400;
	s0 =	rddreg [dreg:$0x15]  }
.LBB2_48:
.Ltmp44:
0x26e: {  	(pc) =	sbr.rel .LBB2_51-.Ltmp44, $4  }
0x26f: {  	s23 =	rddreg [dreg:$0x3]  }
0x270: {  	s20 =	rddreg [dreg:$0xd]  }
0x271: {  	s24 =	ssub.s32 s0, s12;
	s21 =	rddreg [dreg:$0xe]  }
0x272: {  	s22 =	simm.s32 $0x2380;
	s7 =	simm.s32 $0xD00;
	s0 =	rddreg [dreg:$0xf]  }
.LBB2_54:
0x273: {  	_ =	sfence.sel $0x180000  }
0x274: {  	[bflag:$0x0] =	sbarrier.arrive $0xFFFF  }
0x275: {  	_ =	strace $0x90000047  }
0x276: {  	s0 =	stileid.u32;
	[bflag:$0x2] =	sbarrier.arrive $0xFFFF  }
0x277: {  	p0 =	sne.s32 s0, $0x0;
	s0 =	rddreg [dreg:$0x7]  }
0x278: {  	s0 =	sadd.s32 @!p0 $0x100000, s0  }
0x279: {  	[sflag:s0] =	ssyncadd.tile.s32 @!p0 $0x1;
	_ =	shalt  }
.Lfunc_end2:
_tile_overlayer_lowered:
.L_overlay_start_2:
0x27a: {  	(tag) =	ssettag $0x2  }
0x27b: {  	s0 =	rddreg [dreg:$0x0];
	s2 =	stileid.u32  }
0x27c: {  	s1 =	rddreg [dreg:$0x1];
	p0 =	sne.s32 s2, $0x0  }
0x27d: {  	s3 =	rddreg [dreg:$0x2];
	[bflag:$0x3] =	sbarrier.arrive $0xFFFF;
	s2 =	simm.s32 @!p0 $0x1C09  }
0x27e: {  	[timem:s3], [sflag:s2] =	dma.local @!p0 [hbm:s0], s1  }
0x27f: {  	s0 =	simm.s32 @!p0 $0x9  }
0x280: {  	_ =	swait.ge @!p0 [sflag:s0], s1  }
0x281: {  	s1 =	ssub.s32 @!p0 $0x0, s1;
	[sflag:s0] =	ssyncset.done @!p0 $0x0  }
0x282: {  	[sflag:s0] =	ssyncadd.s32 @!p0 s1  }
0x283: {  	[bflag:$0x3] =	sbarrier.arrive $0xFFFF  }
0x284: {  	_ =	shalt  }

</sc_bundles>
